<compile_context>
chip_gen: v7x
topology: tpu7x:2x2x1
jax: 0.10.2.dev20260603
libtpu: 0.0.44.dev20260713+nightly
codegen_flags: <defaults>
</compile_context>

<pallas_src>
import functools

import jax
import jax.numpy as jnp
from jax import lax
from jax.experimental import pallas as pl
from jax.experimental.pallas import tpu as pltpu
from jax.experimental.pallas import tpu_sc as plsc

N = 100000
E = 6400000
NPAD = 100096
ROWS = NPAD // 128
NT = 32
EPT = E // NT
CHUNK = 2000
NCHUNK = EPT // CHUNK
SLICE = NPAD // 16

_MESH = dict(core_axis_name="c", subcore_axis_name="s")


def _worker(c, s):
    return s * 2 + c


def _fill(ref, n, value):
    vec = jnp.full((16,), value, jnp.float32)

    def _body(i, carry):
        ref[pl.ds(i * 16, 16)] = vec
        return carry

    lax.fori_loop(0, n // 16, _body, None)


@functools.partial(
    pl.kernel,
    out_type=jax.ShapeDtypeStruct((2 * NPAD,), jnp.float32),
    mesh=plsc.VectorSubcoreMesh(**_MESH),
    scratch_types=[
        pltpu.VMEM((CHUNK,), jnp.int32),
        pltpu.VMEM((CHUNK,), jnp.int32),
        pltpu.VMEM((CHUNK,), jnp.float32),
        pltpu.VMEM((SLICE,), jnp.float32),
        pltpu.VMEM_SHARED((NPAD,), jnp.float32),
        pltpu.SemaphoreType.DMA,
        pltpu.SemaphoreType.DMA,
        pltpu.SemaphoreType.DMA,
        pltpu.SemaphoreType.DMA,
    ],
)
def _sc_histogram(col_hbm, out_hbm, col0, col1, ones_v, stage_v, acc,
                  sl0, sl1, ss0, ss1):
    c = lax.axis_index("c")
    s = lax.axis_index("s")

    _fill(ones_v, CHUNK, 1.0)
    _fill(stage_v, SLICE, 0.0)
    sl = pl.ds(s * SLICE, SLICE)
    pltpu.sync_copy(stage_v, acc.at[sl])
    plsc.subcore_barrier()

    base = _worker(c, s) * EPT
    bufs = ((col0, sl0, ss0), (col1, sl1, ss1))

    def _src(ci):
        return col_hbm.at[pl.ds(base + ci * CHUNK, CHUNK)]

    def _ls(ci, b):
        pltpu.async_copy(_src(ci), bufs[b][0], bufs[b][1])

    def _lw(ci, b):
        pltpu.make_async_copy(_src(ci), bufs[b][0], bufs[b][1]).wait()

    def _scs(b):
        pltpu.async_copy(ones_v, acc.at[bufs[b][0]], bufs[b][2], add=True)

    def _scw(b):
        pltpu.make_async_copy(ones_v, acc.at[bufs[b][0]], bufs[b][2]).wait()

    _ls(0, 0)
    _ls(1, 1)

    def _body(k, carry):
        c0 = 2 * k
        _lw(c0, 0)
        _scs(0)
        _lw(c0 + 1, 1)
        _scs(1)
        _scw(0)
        _ls(c0 + 2, 0)
        _scw(1)
        _ls(c0 + 3, 1)
        return carry

    lax.fori_loop(0, NCHUNK // 2 - 1, _body, None)
    _lw(NCHUNK - 2, 0)
    _scs(0)
    _lw(NCHUNK - 1, 1)
    _scs(1)
    _scw(0)
    _scw(1)

    plsc.subcore_barrier()
    pltpu.sync_copy(acc.at[sl], stage_v)
    pltpu.sync_copy(stage_v, out_hbm.at[pl.ds(c * NPAD + s * SLICE, SLICE)])


def _make_edge_pass(packed, chunk):
    nchan = 2 if packed else 1
    nchunk = EPT // chunk
    assert EPT % chunk == 0 and nchunk % 2 == 0 and chunk % 16 == 0
    tab_dt = jnp.int32 if packed else jnp.float32
    out_sds = jax.ShapeDtypeStruct((nchan * 2 * NPAD,), jnp.float32)
    per_buf = [
        pltpu.VMEM((chunk,), jnp.int32),
        pltpu.VMEM((chunk,), jnp.int32),
    ] + [pltpu.VMEM((chunk,), jnp.float32)] * nchan + [
        pltpu.SemaphoreType.DMA,
        pltpu.SemaphoreType.DMA,
    ]
    scratch = per_buf + per_buf + [
        pltpu.VMEM((NPAD,), tab_dt),
    ] + [pltpu.VMEM_SHARED((NPAD,), jnp.float32)] * nchan

    pieces = []
    _off = 0
    while _off < SLICE:
        _sz = min(chunk, SLICE - _off)
        pieces.append((_off, _sz))
        _off += _sz
    assert all(sz > 0 and off % 8 == 0 and sz % 8 == 0 for off, sz in pieces)

    @functools.partial(
        pl.kernel,
        out_type=out_sds,
        mesh=plsc.VectorSubcoreMesh(**_MESH),
        scratch_types=scratch,
        compiler_params=pltpu.CompilerParams(needs_layout_passes=False),
    )
    def _pass(*args):
        tab_hbm, row_hbm, col_hbm, out_hbm = args[:4]
        rest = args[4:]
        nb = len(per_buf)
        bufs = (rest[:nb], rest[nb:2 * nb])
        table_v = rest[2 * nb]
        accs = rest[2 * nb + 1:]
        stage_v = bufs[0][2]

        c = lax.axis_index("c")
        s = lax.axis_index("s")

        pltpu.sync_copy(tab_hbm, table_v)
        _fill(stage_v, chunk, 0.0)
        for acc in accs:
            for off, sz in pieces:
                pltpu.sync_copy(stage_v.at[pl.ds(0, sz)],
                                acc.at[pl.ds(s * SLICE + off, sz)])
        plsc.subcore_barrier()

        base = _worker(c, s) * EPT

        def _rsrc(ci):
            return row_hbm.at[pl.ds(base + ci * chunk, chunk)]

        def _csrc(ci):
            return col_hbm.at[pl.ds(base + ci * chunk, chunk)]

        def _ls(ci, b):
            bb = bufs[b]
            pltpu.async_copy(_rsrc(ci), bb[0], bb[nchan + 2])
            pltpu.async_copy(_csrc(ci), bb[1], bb[nchan + 2])

        def _lw(ci, b):
            bb = bufs[b]
            pltpu.make_async_copy(_rsrc(ci), bb[0], bb[nchan + 2]).wait()
            pltpu.make_async_copy(_csrc(ci), bb[1], bb[nchan + 2]).wait()

        mask_hi = jnp.full((16,), -65536, jnp.int32)

        def _gather(b):
            bb = bufs[b]

            def _gbody(j, carry):
                dj = pl.ds(j * 16, 16)
                idx = bb[0][dj]
                w = plsc.load_gather(table_v, [idx])
                if packed:
                    bb[2][dj] = plsc.bitcast(
                        lax.shift_left(w, jnp.full((16,), 16, jnp.int32)),
                        jnp.float32)
                    bb[3][dj] = plsc.bitcast(lax.bitwise_and(w, mask_hi),
                                             jnp.float32)
                else:
                    bb[2][dj] = w
                return carry

            lax.fori_loop(0, chunk // 16, _gbody, None)

        def _scs(b):
            bb = bufs[b]
            for k in range(nchan):
                pltpu.async_copy(bb[2 + k], accs[k].at[bb[1]], bb[nchan + 3],
                                 add=True)

        def _scw(b):
            bb = bufs[b]
            for k in range(nchan):
                pltpu.make_async_copy(bb[2 + k], accs[k].at[bb[1]],
                                      bb[nchan + 3]).wait()

        _ls(0, 0)
        _ls(1, 1)

        def _body(k, carry):
            c0 = 2 * k
            _lw(c0, 0)
            _gather(0)
            _scs(0)
            _lw(c0 + 1, 1)
            _gather(1)
            _scs(1)
            _scw(0)
            _ls(c0 + 2, 0)
            _scw(1)
            _ls(c0 + 3, 1)
            return carry

        lax.fori_loop(0, nchunk // 2 - 1, _body, None)

        _lw(nchunk - 2, 0)
        _gather(0)
        _scs(0)
        _lw(nchunk - 1, 1)
        _gather(1)
        _scs(1)
        _scw(0)
        _scw(1)

        plsc.subcore_barrier()
        for k, acc in enumerate(accs):
            for off, sz in pieces:
                pltpu.sync_copy(acc.at[pl.ds(s * SLICE + off, sz)],
                                stage_v.at[pl.ds(0, sz)])
                pltpu.sync_copy(
                    stage_v.at[pl.ds(0, sz)],
                    out_hbm.at[pl.ds((2 * k + c) * NPAD + s * SLICE + off,
                                     sz)])

    return _pass


_sc_edge1 = _make_edge_pass(False, 4000)
_sc_edge2 = _make_edge_pass(True, 2000)


def _t1_body(cnt_ref, x_ref, dinv_ref, dis_ref, q_ref, xod_ref):
    deg = cnt_ref[0] + cnt_ref[1] + 1.0
    dis = lax.rsqrt(deg)
    dinv = 1.0 / deg
    x = x_ref[...]
    dinv_ref[...] = dinv
    dis_ref[...] = dis
    q_ref[...] = dis * x
    xod_ref[...] = x * dinv


def _t2_body(dis_ref, apart_ref, xod_ref, dinv_ref, w1_ref, b1_ref, w2_ref,
             rw_ref, pod0_ref, pod1_ref):
    dis = dis_ref[...]
    svec = dis * (apart_ref[0] + apart_ref[1]) + xod_ref[...]
    p0 = jnp.zeros_like(svec)
    p1 = jnp.zeros_like(svec)
    for k in range(16):
        hk = jnp.maximum(svec * w1_ref[0, k] + b1_ref[k], 0.0)
        p0 = p0 + hk * w2_ref[k, 0]
        p1 = p1 + hk * w2_ref[k, 1]
    dinv = dinv_ref[...]
    u0 = lax.bitcast_convert_type(
        lax.convert_element_type(dis * p0, jnp.bfloat16),
        jnp.uint16).astype(jnp.int32)
    u1 = lax.bitcast_convert_type(
        lax.convert_element_type(dis * p1, jnp.bfloat16),
        jnp.uint16).astype(jnp.int32)
    rw_ref[...] = jnp.bitwise_or(jnp.left_shift(u1, 16), u0)
    pod0_ref[...] = p0 * dinv
    pod1_ref[...] = p1 * dinv


def _t3_body(dis_ref, bc0_ref, bc1_ref, pod0_ref, pod1_ref, b2_ref,
             o0_ref, o1_ref):
    dis = dis_ref[...]
    t0 = dis * (bc0_ref[0] + bc0_ref[1]) + pod0_ref[...] + b2_ref[0]
    t1 = dis * (bc1_ref[0] + bc1_ref[1]) + pod1_ref[...] + b2_ref[1]
    m = jnp.maximum(t0, t1)
    e0 = jnp.exp(t0 - m)
    e1 = jnp.exp(t1 - m)
    den = e0 + e1
    o0_ref[...] = e0 / den
    o1_ref[...] = e1 / den


_f32 = jnp.float32
_blk = lambda: pl.BlockSpec(memory_space=pltpu.MemorySpace.VMEM)
_smem = lambda: pl.BlockSpec(memory_space=pltpu.MemorySpace.SMEM)
_VEC = jax.ShapeDtypeStruct((ROWS, 128), _f32)

_t1 = pl.pallas_call(
    _t1_body,
    out_shape=[_VEC, _VEC, _VEC, _VEC],
    in_specs=[_blk(), _blk()],
    out_specs=[_blk(), _blk(), _blk(), _blk()],
)

_VECI = jax.ShapeDtypeStruct((ROWS, 128), jnp.int32)
_t2 = pl.pallas_call(
    _t2_body,
    out_shape=[_VECI, _VEC, _VEC],
    in_specs=[_blk(), _blk(), _blk(), _blk(), _smem(), _smem(), _smem()],
    out_specs=[_blk(), _blk(), _blk()],
)

_t3 = pl.pallas_call(
    _t3_body,
    out_shape=[_VEC, _VEC],
    in_specs=[_blk(), _blk(), _blk(), _blk(), _blk(), _smem()],
    out_specs=[_blk(), _blk()],
)


def kernel(x, edge_index, W1, b1, W2, b2):
    row = edge_index[0]
    col = edge_index[1]
    xp = jnp.pad(x[:, 0], (0, NPAD - N)).reshape(ROWS, 128)

    cnt = _sc_histogram(col)
    dinv, dis, q, xod = _t1(cnt.reshape(2, ROWS, 128), xp)

    a_part = _sc_edge1(q.reshape(NPAD), row, col)
    rw, pod0, pod1 = _t2(dis, a_part.reshape(2, ROWS, 128), xod, dinv,
                         W1, b1, W2)

    b_part = _sc_edge2(rw.reshape(NPAD), row, col)
    b_part = b_part.reshape(2, 2, NPAD)
    bc0 = b_part[0].reshape(2, ROWS, 128)
    bc1 = b_part[1].reshape(2, ROWS, 128)
    o0, o1 = _t3(dis, bc0, bc1, pod0, pod1, b2)

    return jnp.stack([o0.reshape(NPAD)[:N], o1.reshape(NPAD)[:N]], axis=1)

# --- scband reference (transcript-rebuilt; emitter-appended) ---
"""Pipeline reference for scband-net-44049184588036 (READ-ONLY COPY).

The authoritative reference and input builder live on the scoring server;
editing this copy changes nothing except your own understanding.
"""

import jax, jax.numpy as jnp
import numpy as np

N_NODES = 100000
N_EDGES = 6400000


def glorot(key, shape):
    limit = float(np.sqrt(6.0 / (shape[0] + shape[1])))
    return jax.random.uniform(key, shape, dtype=jnp.float32, minval=-limit, maxval=limit)


def setup_inputs(seed: int = 0) -> dict:
    key = jax.random.key(seed)
    k1, k2, k3, k4 = jax.random.split(key, 4)
    x = jax.random.normal(k1, (N_NODES, 1), dtype=jnp.float32)
    edge_index = jax.random.randint(k2, (2, N_EDGES), 0, N_NODES, dtype=jnp.int32)
    W1 = glorot(k3, (1, 16))
    b1 = jnp.zeros((16,), dtype=jnp.float32)
    W2 = glorot(k4, (16, 2))
    b2 = jnp.zeros((2,), dtype=jnp.float32)
    return {"x": x, "edge_index": edge_index, "W1": W1, "b1": b1, "W2": W2, "b2": b2}


def gcn_conv(x, edge_index, W, b):
    # Faithful PyG GCNConv: add self-loops, symmetric normalization, linear transform,
    # gather-by-src, scale by norm, scatter-add to dst, add bias.
    N = x.shape[0]
    row = edge_index[0]
    col = edge_index[1]
    loop = jnp.arange(N, dtype=row.dtype)
    row = jnp.concatenate([row, loop])
    col = jnp.concatenate([col, loop])
    ew = jnp.ones(row.shape[0], dtype=x.dtype)
    deg = jnp.zeros((N,), dtype=x.dtype).at[col].add(ew)
    deg_inv_sqrt = jnp.where(deg > 0, jax.lax.rsqrt(jnp.where(deg > 0, deg, 1.0)), 0.0)
    norm = deg_inv_sqrt[row] * deg_inv_sqrt[col]
    xw = x @ W
    msg = xw[row] * norm[:, None]
    out = jax.ops.segment_sum(msg, col, num_segments=N)
    return out + b


def reference(x, edge_index, W1, b1, W2, b2):
    h = gcn_conv(x, edge_index, W1, b1)
    h = jax.nn.relu(h)
    # F.dropout(training=False) is identity at inference
    h = gcn_conv(h, edge_index, W2, b2)
    return jax.nn.softmax(h, axis=1)

if __name__ == "__main__":
    import jax
    _d = setup_inputs()
    print(jax.jit(kernel)(*tuple(_d.values())))

</pallas_src>

<mosaic_0001>
#map = affine_map<(d0, d1) -> (0)>
module attributes {stable_mosaic.version = 14 : i64} {
  func.func @_pass(%arg0: i32, %arg1: i32, %arg2: memref<100096xf32, #tpu.memory_space<hbm>>, %arg3: memref<6400000xi32, #tpu.memory_space<hbm>>, %arg4: memref<6400000xi32, #tpu.memory_space<hbm>>, %arg5: memref<200192xf32, #tpu.memory_space<hbm>>, %arg6: memref<4000xi32, #tpu.memory_space<vmem>>, %arg7: memref<4000xi32, #tpu.memory_space<vmem>>, %arg8: memref<4000xf32, #tpu.memory_space<vmem>>, %arg9: memref<!tpu.dma_semaphore, #tpu.memory_space<semaphore_mem>>, %arg10: memref<!tpu.dma_semaphore, #tpu.memory_space<semaphore_mem>>, %arg11: memref<4000xi32, #tpu.memory_space<vmem>>, %arg12: memref<4000xi32, #tpu.memory_space<vmem>>, %arg13: memref<4000xf32, #tpu.memory_space<vmem>>, %arg14: memref<!tpu.dma_semaphore, #tpu.memory_space<semaphore_mem>>, %arg15: memref<!tpu.dma_semaphore, #tpu.memory_space<semaphore_mem>>, %arg16: memref<100096xf32, #tpu.memory_space<vmem>>, %arg17: memref<100096xf32, #tpu.memory_space<vmem_shared>>) attributes {dimension_semantics = [#tpu.dimension_semantics<core_parallel>, #tpu.dimension_semantics<subcore_parallel>], iteration_bounds = array<i64: 2, 16>, scalar_prefetch = 0 : i64, scratch_operands = 12 : i64, tpu.core_type = #tpu.core_type<sc_vector_subcore>, window_params = [{transform_indices = #map}, {transform_indices = #map}, {transform_indices = #map}, {transform_indices = #map}]} {
    "tpu.region"() ({
      %run_scoped3A = tpu.sem_alloc : memref<!tpu.dma_semaphore, #tpu.memory_space<semaphore_mem>>
      tpu.enqueue_dma source(%arg2 : memref<100096xf32, #tpu.memory_space<hbm>>) target(%arg16 : memref<100096xf32, #tpu.memory_space<vmem>>) target_semaphore(%run_scoped3A : memref<!tpu.dma_semaphore, #tpu.memory_space<semaphore_mem>>)
      tpu.wait_dma2 semaphore(%run_scoped3A : memref<!tpu.dma_semaphore, #tpu.memory_space<semaphore_mem>>) src(%arg2 : memref<100096xf32, #tpu.memory_space<hbm>>) dst(%arg16 : memref<100096xf32, #tpu.memory_space<vmem>>)
      tpu.yield
    }) : () -> ()
    %broadcast_in_dim3A = arith.constant 0.000000e+00 : f32
    %broadcast_in_dim3A_0 = vector.broadcast %broadcast_in_dim3A : f32 to vector<16xf32>
    %scan3A = arith.constant 0 : i32
    %scan3A_1 = arith.constant 250 : i32
    %scan3A_2 = arith.addi %scan3A, %scan3A_1 : i32
    %scan3A_3 = arith.constant 1 : i32
    scf.for %scan3A_98 = %scan3A to %scan3A_2 step %scan3A_3  : i32 {
      %mul3A_99 = arith.constant 16 : i32
      %mul3A_100 = arith.muli %scan3A_98, %mul3A_99 : i32
      %swap3A = arith.index_cast %mul3A_100 : i32 to index
      %swap3A_101 = tpu.vector_load %arg8[%swap3A] {strides = array<i32>} : memref<4000xf32, #tpu.memory_space<vmem>>, vector<16xf32>,
      tpu.vector_store %arg8[%swap3A], %broadcast_in_dim3A_0 {strides = array<i32>} : memref<4000xf32, #tpu.memory_space<vmem>>, vector<16xf32>,
    }
    %scan3A_4 = arith.constant 250 : i32
    %mul3A = arith.constant 6256 : i32
    %mul3A_5 = arith.muli %arg1, %mul3A : i32
    %add3A = arith.constant 0 : i32
    %add3A_6 = arith.addi %mul3A_5, %add3A : i32
    "tpu.region"() ({
      %run_scoped3A = tpu.sem_alloc : memref<!tpu.dma_semaphore, #tpu.memory_space<semaphore_mem>>
      %dma_start3A_98 = arith.constant 0 : i32
      %dma_start3A_99 = tpu.memref_slice %arg8[%dma_start3A_98] : memref<4000xf32, #tpu.memory_space<vmem>> -> memref<4000xf32, #tpu.memory_space<vmem>>
      %dma_start3A_100 = tpu.memref_slice %arg17[%add3A_6] : memref<100096xf32, #tpu.memory_space<vmem_shared>> -> memref<4000xf32, #tpu.memory_space<vmem_shared>>
      %dma_start3A_101 = tpu.memref_slice %arg17[%add3A_6] : memref<100096xf32, #tpu.memory_space<vmem_shared>> -> memref<4000xf32, #tpu.memory_space<vmem_shared>>
      %dma_start3A_102 = arith.constant 0 : i32
      %dma_start3A_103 = tpu.memref_slice %arg8[%dma_start3A_102] : memref<4000xf32, #tpu.memory_space<vmem>> -> memref<4000xf32, #tpu.memory_space<vmem>>
      tpu.enqueue_dma source(%dma_start3A_103 : memref<4000xf32, #tpu.memory_space<vmem>>) target(%dma_start3A_101 : memref<4000xf32, #tpu.memory_space<vmem_shared>>) target_semaphore(%run_scoped3A : memref<!tpu.dma_semaphore, #tpu.memory_space<semaphore_mem>>)
      %dma_wait3A_104 = arith.constant 0 : i32
      %dma_wait3A_105 = tpu.memref_slice %arg8[%dma_wait3A_104] : memref<4000xf32, #tpu.memory_space<vmem>> -> memref<4000xf32, #tpu.memory_space<vmem>>
      %dma_wait3A_106 = tpu.memref_slice %arg17[%add3A_6] : memref<100096xf32, #tpu.memory_space<vmem_shared>> -> memref<4000xf32, #tpu.memory_space<vmem_shared>>
      %dma_wait3A_107 = tpu.memref_slice %arg17[%add3A_6] : memref<100096xf32, #tpu.memory_space<vmem_shared>> -> memref<4000xf32, #tpu.memory_space<vmem_shared>>
      %dma_wait3A_108 = arith.constant 0 : i32
      %dma_wait3A_109 = tpu.memref_slice %arg8[%dma_wait3A_108] : memref<4000xf32, #tpu.memory_space<vmem>> -> memref<4000xf32, #tpu.memory_space<vmem>>
      tpu.wait_dma2 semaphore(%run_scoped3A : memref<!tpu.dma_semaphore, #tpu.memory_space<semaphore_mem>>) src(%dma_wait3A_109 : memref<4000xf32, #tpu.memory_space<vmem>>) dst(%dma_wait3A_107 : memref<4000xf32, #tpu.memory_space<vmem_shared>>)
      tpu.yield
    }) : () -> ()
    %mul3A_7 = arith.constant 6256 : i32
    %mul3A_8 = arith.muli %arg1, %mul3A_7 : i32
    %add3A_9 = arith.constant 4000 : i32
    %add3A_10 = arith.addi %mul3A_8, %add3A_9 : i32
    "tpu.region"() ({
      %run_scoped3A = tpu.sem_alloc : memref<!tpu.dma_semaphore, #tpu.memory_space<semaphore_mem>>
      %dma_start3A_98 = arith.constant 0 : i32
      %dma_start3A_99 = tpu.memref_slice %arg8[%dma_start3A_98] : memref<4000xf32, #tpu.memory_space<vmem>> -> memref<2256xf32, #tpu.memory_space<vmem>>
      %dma_start3A_100 = tpu.memref_slice %arg17[%add3A_10] : memref<100096xf32, #tpu.memory_space<vmem_shared>> -> memref<2256xf32, #tpu.memory_space<vmem_shared>>
      %dma_start3A_101 = tpu.memref_slice %arg17[%add3A_10] : memref<100096xf32, #tpu.memory_space<vmem_shared>> -> memref<2256xf32, #tpu.memory_space<vmem_shared>>
      %dma_start3A_102 = arith.constant 0 : i32
      %dma_start3A_103 = tpu.memref_slice %arg8[%dma_start3A_102] : memref<4000xf32, #tpu.memory_space<vmem>> -> memref<2256xf32, #tpu.memory_space<vmem>>
      tpu.enqueue_dma source(%dma_start3A_103 : memref<2256xf32, #tpu.memory_space<vmem>>) target(%dma_start3A_101 : memref<2256xf32, #tpu.memory_space<vmem_shared>>) target_semaphore(%run_scoped3A : memref<!tpu.dma_semaphore, #tpu.memory_space<semaphore_mem>>)
      %dma_wait3A_104 = arith.constant 0 : i32
      %dma_wait3A_105 = tpu.memref_slice %arg8[%dma_wait3A_104] : memref<4000xf32, #tpu.memory_space<vmem>> -> memref<2256xf32, #tpu.memory_space<vmem>>
      %dma_wait3A_106 = tpu.memref_slice %arg17[%add3A_10] : memref<100096xf32, #tpu.memory_space<vmem_shared>> -> memref<2256xf32, #tpu.memory_space<vmem_shared>>
      %dma_wait3A_107 = tpu.memref_slice %arg17[%add3A_10] : memref<100096xf32, #tpu.memory_space<vmem_shared>> -> memref<2256xf32, #tpu.memory_space<vmem_shared>>
      %dma_wait3A_108 = arith.constant 0 : i32
      %dma_wait3A_109 = tpu.memref_slice %arg8[%dma_wait3A_108] : memref<4000xf32, #tpu.memory_space<vmem>> -> memref<2256xf32, #tpu.memory_space<vmem>>
      tpu.wait_dma2 semaphore(%run_scoped3A : memref<!tpu.dma_semaphore, #tpu.memory_space<semaphore_mem>>) src(%dma_wait3A_109 : memref<2256xf32, #tpu.memory_space<vmem>>) dst(%dma_wait3A_107 : memref<2256xf32, #tpu.memory_space<vmem_shared>>)
      tpu.yield
    }) : () -> ()
    %barrier3A = arith.constant 0 : index
    tpu.barrier barrier_id(%barrier3A)
    %mul3A_11 = arith.constant 2 : i32
    %mul3A_12 = arith.muli %arg1, %mul3A_11 : i32
    %add3A_13 = arith.addi %mul3A_12, %arg0 : i32
    %mul3A_14 = arith.constant 200000 : i32
    %mul3A_15 = arith.muli %add3A_13, %mul3A_14 : i32
    %broadcast_in_dim3A_16 = arith.constant -65536 : i32
    %broadcast_in_dim3A_17 = vector.broadcast %broadcast_in_dim3A_16 : i32 to vector<16xi32>
    %add3A_18 = arith.constant 0 : i32
    %add3A_19 = arith.addi %mul3A_15, %add3A_18 : i32
    %dma_start3A = tpu.memref_slice %arg3[%add3A_19] : memref<6400000xi32, #tpu.memory_space<hbm>> -> memref<4000xi32, #tpu.memory_space<hbm>>
    %dma_start3A_20 = tpu.memref_slice %arg3[%add3A_19] : memref<6400000xi32, #tpu.memory_space<hbm>> -> memref<4000xi32, #tpu.memory_space<hbm>>
    tpu.enqueue_dma source(%dma_start3A_20 : memref<4000xi32, #tpu.memory_space<hbm>>) target(%arg6 : memref<4000xi32, #tpu.memory_space<vmem>>) target_semaphore(%arg9 : memref<!tpu.dma_semaphore, #tpu.memory_space<semaphore_mem>>)
    %add3A_21 = arith.constant 0 : i32
    %add3A_22 = arith.addi %mul3A_15, %add3A_21 : i32
    %dma_start3A_23 = tpu.memref_slice %arg4[%add3A_22] : memref<6400000xi32, #tpu.memory_space<hbm>> -> memref<4000xi32, #tpu.memory_space<hbm>>
    %dma_start3A_24 = tpu.memref_slice %arg4[%add3A_22] : memref<6400000xi32, #tpu.memory_space<hbm>> -> memref<4000xi32, #tpu.memory_space<hbm>>
    tpu.enqueue_dma source(%dma_start3A_24 : memref<4000xi32, #tpu.memory_space<hbm>>) target(%arg7 : memref<4000xi32, #tpu.memory_space<vmem>>) target_semaphore(%arg9 : memref<!tpu.dma_semaphore, #tpu.memory_space<semaphore_mem>>)
    %add3A_25 = arith.constant 4000 : i32
    %add3A_26 = arith.addi %mul3A_15, %add3A_25 : i32
    %dma_start3A_27 = tpu.memref_slice %arg3[%add3A_26] : memref<6400000xi32, #tpu.memory_space<hbm>> -> memref<4000xi32, #tpu.memory_space<hbm>>
    %dma_start3A_28 = tpu.memref_slice %arg3[%add3A_26] : memref<6400000xi32, #tpu.memory_space<hbm>> -> memref<4000xi32, #tpu.memory_space<hbm>>
    tpu.enqueue_dma source(%dma_start3A_28 : memref<4000xi32, #tpu.memory_space<hbm>>) target(%arg11 : memref<4000xi32, #tpu.memory_space<vmem>>) target_semaphore(%arg14 : memref<!tpu.dma_semaphore, #tpu.memory_space<semaphore_mem>>)
    %add3A_29 = arith.constant 4000 : i32
    %add3A_30 = arith.addi %mul3A_15, %add3A_29 : i32
    %dma_start3A_31 = tpu.memref_slice %arg4[%add3A_30] : memref<6400000xi32, #tpu.memory_space<hbm>> -> memref<4000xi32, #tpu.memory_space<hbm>>
    %dma_start3A_32 = tpu.memref_slice %arg4[%add3A_30] : memref<6400000xi32, #tpu.memory_space<hbm>> -> memref<4000xi32, #tpu.memory_space<hbm>>
    tpu.enqueue_dma source(%dma_start3A_32 : memref<4000xi32, #tpu.memory_space<hbm>>) target(%arg12 : memref<4000xi32, #tpu.memory_space<vmem>>) target_semaphore(%arg14 : memref<!tpu.dma_semaphore, #tpu.memory_space<semaphore_mem>>)
    %scan3A_33 = arith.constant 0 : i32
    %scan3A_34 = arith.constant 24 : i32
    %scan3A_35 = arith.addi %scan3A_33, %scan3A_34 : i32
    %scan3A_36 = arith.constant 1 : i32
    scf.for %scan3A_98 = %scan3A_33 to %scan3A_35 step %scan3A_36  : i32 {
      %mul3A_99 = arith.constant 2 : i32
      %mul3A_100 = arith.muli %mul3A_99, %scan3A_98 : i32
      %mul3A_101 = arith.constant 4000 : i32
      %mul3A_102 = arith.muli %mul3A_100, %mul3A_101 : i32
      %add3A_103 = arith.addi %mul3A_15, %mul3A_102 : i32
      %dma_wait3A_104 = tpu.memref_slice %arg3[%add3A_103] : memref<6400000xi32, #tpu.memory_space<hbm>> -> memref<4000xi32, #tpu.memory_space<hbm>>
      %dma_wait3A_105 = tpu.memref_slice %arg3[%add3A_103] : memref<6400000xi32, #tpu.memory_space<hbm>> -> memref<4000xi32, #tpu.memory_space<hbm>>
      tpu.wait_dma2 semaphore(%arg9 : memref<!tpu.dma_semaphore, #tpu.memory_space<semaphore_mem>>) src(%dma_wait3A_105 : memref<4000xi32, #tpu.memory_space<hbm>>) dst(%arg6 : memref<4000xi32, #tpu.memory_space<vmem>>)
      %mul3A_106 = arith.constant 4000 : i32
      %mul3A_107 = arith.muli %mul3A_100, %mul3A_106 : i32
      %add3A_108 = arith.addi %mul3A_15, %mul3A_107 : i32
      %dma_wait3A_109 = tpu.memref_slice %arg4[%add3A_108] : memref<6400000xi32, #tpu.memory_space<hbm>> -> memref<4000xi32, #tpu.memory_space<hbm>>
      %dma_wait3A_110 = tpu.memref_slice %arg4[%add3A_108] : memref<6400000xi32, #tpu.memory_space<hbm>> -> memref<4000xi32, #tpu.memory_space<hbm>>
      tpu.wait_dma2 semaphore(%arg9 : memref<!tpu.dma_semaphore, #tpu.memory_space<semaphore_mem>>) src(%dma_wait3A_110 : memref<4000xi32, #tpu.memory_space<hbm>>) dst(%arg7 : memref<4000xi32, #tpu.memory_space<vmem>>)
      %scan3A_111 = arith.constant 0 : i32
      %scan3A_112 = arith.constant 250 : i32
      %scan3A_113 = arith.addi %scan3A_111, %scan3A_112 : i32
      %scan3A_114 = arith.constant 1 : i32
      scf.for %scan3A_165 = %scan3A_111 to %scan3A_113 step %scan3A_114  : i32 {
        %mul3A_166 = arith.constant 16 : i32
        %mul3A_167 = arith.muli %scan3A_165, %mul3A_166 : i32
        %get3A = arith.index_cast %mul3A_167 : i32 to index
        %get3A_168 = tpu.vector_load %arg6[%get3A] {strides = array<i32>} : memref<4000xi32, #tpu.memory_space<vmem>>, vector<16xi32>,
        %gather3A = tpu.vector_load_idx %arg16[%get3A_168] : memref<100096xf32, #tpu.memory_space<vmem>>[vector<16xi32>], vector<16xf32>,
        %swap3A = arith.index_cast %mul3A_167 : i32 to index
        %swap3A_169 = tpu.vector_load %arg8[%swap3A] {strides = array<i32>} : memref<4000xf32, #tpu.memory_space<vmem>>, vector<16xf32>,
        tpu.vector_store %arg8[%swap3A], %gather3A {strides = array<i32>} : memref<4000xf32, #tpu.memory_space<vmem>>, vector<16xf32>,
      }
      %scan3A_115 = arith.constant 250 : i32
      %dma_start3A_116 = arith.constant 0 : i32
      %dma_start3A_117 = tpu.memref_slice %arg17[%dma_start3A_116] : memref<100096xf32, #tpu.memory_space<vmem_shared>> -> memref<100096xf32, #tpu.memory_space<vmem_shared>>
      tpu.enqueue_indirect_dma source(%arg8 : memref<4000xf32, #tpu.memory_space<vmem>>) target(%dma_start3A_117 : memref<100096xf32, #tpu.memory_space<vmem_shared>>) offsets(%arg7 : memref<4000xi32, #tpu.memory_space<vmem>>) semaphore(%arg10 : memref<!tpu.dma_semaphore, #tpu.memory_space<semaphore_mem>>) {add = true}
      %add3A_118 = arith.constant 1 : i32
      %add3A_119 = arith.addi %mul3A_100, %add3A_118 : i32
      %mul3A_120 = arith.constant 4000 : i32
      %mul3A_121 = arith.muli %add3A_119, %mul3A_120 : i32
      %add3A_122 = arith.addi %mul3A_15, %mul3A_121 : i32
      %dma_wait3A_123 = tpu.memref_slice %arg3[%add3A_122] : memref<6400000xi32, #tpu.memory_space<hbm>> -> memref<4000xi32, #tpu.memory_space<hbm>>
      %dma_wait3A_124 = tpu.memref_slice %arg3[%add3A_122] : memref<6400000xi32, #tpu.memory_space<hbm>> -> memref<4000xi32, #tpu.memory_space<hbm>>
      tpu.wait_dma2 semaphore(%arg14 : memref<!tpu.dma_semaphore, #tpu.memory_space<semaphore_mem>>) src(%dma_wait3A_124 : memref<4000xi32, #tpu.memory_space<hbm>>) dst(%arg11 : memref<4000xi32, #tpu.memory_space<vmem>>)
      %mul3A_125 = arith.constant 4000 : i32
      %mul3A_126 = arith.muli %add3A_119, %mul3A_125 : i32
      %add3A_127 = arith.addi %mul3A_15, %mul3A_126 : i32
      %dma_wait3A_128 = tpu.memref_slice %arg4[%add3A_127] : memref<6400000xi32, #tpu.memory_space<hbm>> -> memref<4000xi32, #tpu.memory_space<hbm>>
      %dma_wait3A_129 = tpu.memref_slice %arg4[%add3A_127] : memref<6400000xi32, #tpu.memory_space<hbm>> -> memref<4000xi32, #tpu.memory_space<hbm>>
      tpu.wait_dma2 semaphore(%arg14 : memref<!tpu.dma_semaphore, #tpu.memory_space<semaphore_mem>>) src(%dma_wait3A_129 : memref<4000xi32, #tpu.memory_space<hbm>>) dst(%arg12 : memref<4000xi32, #tpu.memory_space<vmem>>)
      %scan3A_130 = arith.constant 0 : i32
      %scan3A_131 = arith.constant 250 : i32
      %scan3A_132 = arith.addi %scan3A_130, %scan3A_131 : i32
      %scan3A_133 = arith.constant 1 : i32
      scf.for %scan3A_165 = %scan3A_130 to %scan3A_132 step %scan3A_133  : i32 {
        %mul3A_166 = arith.constant 16 : i32
        %mul3A_167 = arith.muli %scan3A_165, %mul3A_166 : i32
        %get3A = arith.index_cast %mul3A_167 : i32 to index
        %get3A_168 = tpu.vector_load %arg11[%get3A] {strides = array<i32>} : memref<4000xi32, #tpu.memory_space<vmem>>, vector<16xi32>,
        %gather3A = tpu.vector_load_idx %arg16[%get3A_168] : memref<100096xf32, #tpu.memory_space<vmem>>[vector<16xi32>], vector<16xf32>,
        %swap3A = arith.index_cast %mul3A_167 : i32 to index
        %swap3A_169 = tpu.vector_load %arg13[%swap3A] {strides = array<i32>} : memref<4000xf32, #tpu.memory_space<vmem>>, vector<16xf32>,
        tpu.vector_store %arg13[%swap3A], %gather3A {strides = array<i32>} : memref<4000xf32, #tpu.memory_space<vmem>>, vector<16xf32>,
      }
      %scan3A_134 = arith.constant 250 : i32
      %dma_start3A_135 = arith.constant 0 : i32
      %dma_start3A_136 = tpu.memref_slice %arg17[%dma_start3A_135] : memref<100096xf32, #tpu.memory_space<vmem_shared>> -> memref<100096xf32, #tpu.memory_space<vmem_shared>>
      tpu.enqueue_indirect_dma source(%arg13 : memref<4000xf32, #tpu.memory_space<vmem>>) target(%dma_start3A_136 : memref<100096xf32, #tpu.memory_space<vmem_shared>>) offsets(%arg12 : memref<4000xi32, #tpu.memory_space<vmem>>) semaphore(%arg15 : memref<!tpu.dma_semaphore, #tpu.memory_space<semaphore_mem>>) {add = true}
      %dma_wait3A_137 = arith.constant 0 : i32
      %dma_wait3A_138 = tpu.memref_slice %arg17[%dma_wait3A_137] : memref<100096xf32, #tpu.memory_space<vmem_shared>> -> memref<100096xf32, #tpu.memory_space<vmem_shared>>
      tpu.wait_indirect_dma semaphore(%arg10 : memref<!tpu.dma_semaphore, #tpu.memory_space<semaphore_mem>>) src(%arg8 : memref<4000xf32, #tpu.memory_space<vmem>>) dst(%dma_wait3A_138 : memref<100096xf32, #tpu.memory_space<vmem_shared>>)
      %add3A_139 = arith.constant 2 : i32
      %add3A_140 = arith.addi %mul3A_100, %add3A_139 : i32
      %mul3A_141 = arith.constant 4000 : i32
      %mul3A_142 = arith.muli %add3A_140, %mul3A_141 : i32
      %add3A_143 = arith.addi %mul3A_15, %mul3A_142 : i32
      %dma_start3A_144 = tpu.memref_slice %arg3[%add3A_143] : memref<6400000xi32, #tpu.memory_space<hbm>> -> memref<4000xi32, #tpu.memory_space<hbm>>
      %dma_start3A_145 = tpu.memref_slice %arg3[%add3A_143] : memref<6400000xi32, #tpu.memory_space<hbm>> -> memref<4000xi32, #tpu.memory_space<hbm>>
      tpu.enqueue_dma source(%dma_start3A_145 : memref<4000xi32, #tpu.memory_space<hbm>>) target(%arg6 : memref<4000xi32, #tpu.memory_space<vmem>>) target_semaphore(%arg9 : memref<!tpu.dma_semaphore, #tpu.memory_space<semaphore_mem>>)
      %mul3A_146 = arith.constant 4000 : i32
      %mul3A_147 = arith.muli %add3A_140, %mul3A_146 : i32
      %add3A_148 = arith.addi %mul3A_15, %mul3A_147 : i32
      %dma_start3A_149 = tpu.memref_slice %arg4[%add3A_148] : memref<6400000xi32, #tpu.memory_space<hbm>> -> memref<4000xi32, #tpu.memory_space<hbm>>
      %dma_start3A_150 = tpu.memref_slice %arg4[%add3A_148] : memref<6400000xi32, #tpu.memory_space<hbm>> -> memref<4000xi32, #tpu.memory_space<hbm>>
      tpu.enqueue_dma source(%dma_start3A_150 : memref<4000xi32, #tpu.memory_space<hbm>>) target(%arg7 : memref<4000xi32, #tpu.memory_space<vmem>>) target_semaphore(%arg9 : memref<!tpu.dma_semaphore, #tpu.memory_space<semaphore_mem>>)
      %dma_wait3A_151 = arith.constant 0 : i32
      %dma_wait3A_152 = tpu.memref_slice %arg17[%dma_wait3A_151] : memref<100096xf32, #tpu.memory_space<vmem_shared>> -> memref<100096xf32, #tpu.memory_space<vmem_shared>>
      tpu.wait_indirect_dma semaphore(%arg15 : memref<!tpu.dma_semaphore, #tpu.memory_space<semaphore_mem>>) src(%arg13 : memref<4000xf32, #tpu.memory_space<vmem>>) dst(%dma_wait3A_152 : memref<100096xf32, #tpu.memory_space<vmem_shared>>)
      %add3A_153 = arith.constant 3 : i32
      %add3A_154 = arith.addi %mul3A_100, %add3A_153 : i32
      %mul3A_155 = arith.constant 4000 : i32
      %mul3A_156 = arith.muli %add3A_154, %mul3A_155 : i32
      %add3A_157 = arith.addi %mul3A_15, %mul3A_156 : i32
      %dma_start3A_158 = tpu.memref_slice %arg3[%add3A_157] : memref<6400000xi32, #tpu.memory_space<hbm>> -> memref<4000xi32, #tpu.memory_space<hbm>>
      %dma_start3A_159 = tpu.memref_slice %arg3[%add3A_157] : memref<6400000xi32, #tpu.memory_space<hbm>> -> memref<4000xi32, #tpu.memory_space<hbm>>
      tpu.enqueue_dma source(%dma_start3A_159 : memref<4000xi32, #tpu.memory_space<hbm>>) target(%arg11 : memref<4000xi32, #tpu.memory_space<vmem>>) target_semaphore(%arg14 : memref<!tpu.dma_semaphore, #tpu.memory_space<semaphore_mem>>)
      %mul3A_160 = arith.constant 4000 : i32
      %mul3A_161 = arith.muli %add3A_154, %mul3A_160 : i32
      %add3A_162 = arith.addi %mul3A_15, %mul3A_161 : i32
      %dma_start3A_163 = tpu.memref_slice %arg4[%add3A_162] : memref<6400000xi32, #tpu.memory_space<hbm>> -> memref<4000xi32, #tpu.memory_space<hbm>>
      %dma_start3A_164 = tpu.memref_slice %arg4[%add3A_162] : memref<6400000xi32, #tpu.memory_space<hbm>> -> memref<4000xi32, #tpu.memory_space<hbm>>
      tpu.enqueue_dma source(%dma_start3A_164 : memref<4000xi32, #tpu.memory_space<hbm>>) target(%arg12 : memref<4000xi32, #tpu.memory_space<vmem>>) target_semaphore(%arg14 : memref<!tpu.dma_semaphore, #tpu.memory_space<semaphore_mem>>)
    }
    %scan3A_37 = arith.constant 24 : i32
    %add3A_38 = arith.constant 192000 : i32
    %add3A_39 = arith.addi %mul3A_15, %add3A_38 : i32
    %dma_wait3A = tpu.memref_slice %arg3[%add3A_39] : memref<6400000xi32, #tpu.memory_space<hbm>> -> memref<4000xi32, #tpu.memory_space<hbm>>
    %dma_wait3A_40 = tpu.memref_slice %arg3[%add3A_39] : memref<6400000xi32, #tpu.memory_space<hbm>> -> memref<4000xi32, #tpu.memory_space<hbm>>
    tpu.wait_dma2 semaphore(%arg9 : memref<!tpu.dma_semaphore, #tpu.memory_space<semaphore_mem>>) src(%dma_wait3A_40 : memref<4000xi32, #tpu.memory_space<hbm>>) dst(%arg6 : memref<4000xi32, #tpu.memory_space<vmem>>)
    %add3A_41 = arith.constant 192000 : i32
    %add3A_42 = arith.addi %mul3A_15, %add3A_41 : i32
    %dma_wait3A_43 = tpu.memref_slice %arg4[%add3A_42] : memref<6400000xi32, #tpu.memory_space<hbm>> -> memref<4000xi32, #tpu.memory_space<hbm>>
    %dma_wait3A_44 = tpu.memref_slice %arg4[%add3A_42] : memref<6400000xi32, #tpu.memory_space<hbm>> -> memref<4000xi32, #tpu.memory_space<hbm>>
    tpu.wait_dma2 semaphore(%arg9 : memref<!tpu.dma_semaphore, #tpu.memory_space<semaphore_mem>>) src(%dma_wait3A_44 : memref<4000xi32, #tpu.memory_space<hbm>>) dst(%arg7 : memref<4000xi32, #tpu.memory_space<vmem>>)
    %scan3A_45 = arith.constant 0 : i32
    %scan3A_46 = arith.constant 250 : i32
    %scan3A_47 = arith.addi %scan3A_45, %scan3A_46 : i32
    %scan3A_48 = arith.constant 1 : i32
    scf.for %scan3A_98 = %scan3A_45 to %scan3A_47 step %scan3A_48  : i32 {
      %mul3A_99 = arith.constant 16 : i32
      %mul3A_100 = arith.muli %scan3A_98, %mul3A_99 : i32
      %get3A = arith.index_cast %mul3A_100 : i32 to index
      %get3A_101 = tpu.vector_load %arg6[%get3A] {strides = array<i32>} : memref<4000xi32, #tpu.memory_space<vmem>>, vector<16xi32>,
      %gather3A = tpu.vector_load_idx %arg16[%get3A_101] : memref<100096xf32, #tpu.memory_space<vmem>>[vector<16xi32>], vector<16xf32>,
      %swap3A = arith.index_cast %mul3A_100 : i32 to index
      %swap3A_102 = tpu.vector_load %arg8[%swap3A] {strides = array<i32>} : memref<4000xf32, #tpu.memory_space<vmem>>, vector<16xf32>,
      tpu.vector_store %arg8[%swap3A], %gather3A {strides = array<i32>} : memref<4000xf32, #tpu.memory_space<vmem>>, vector<16xf32>,
    }
    %scan3A_49 = arith.constant 250 : i32
    %dma_start3A_50 = arith.constant 0 : i32
    %dma_start3A_51 = tpu.memref_slice %arg17[%dma_start3A_50] : memref<100096xf32, #tpu.memory_space<vmem_shared>> -> memref<100096xf32, #tpu.memory_space<vmem_shared>>
    tpu.enqueue_indirect_dma source(%arg8 : memref<4000xf32, #tpu.memory_space<vmem>>) target(%dma_start3A_51 : memref<100096xf32, #tpu.memory_space<vmem_shared>>) offsets(%arg7 : memref<4000xi32, #tpu.memory_space<vmem>>) semaphore(%arg10 : memref<!tpu.dma_semaphore, #tpu.memory_space<semaphore_mem>>) {add = true}
    %add3A_52 = arith.constant 196000 : i32
    %add3A_53 = arith.addi %mul3A_15, %add3A_52 : i32
    %dma_wait3A_54 = tpu.memref_slice %arg3[%add3A_53] : memref<6400000xi32, #tpu.memory_space<hbm>> -> memref<4000xi32, #tpu.memory_space<hbm>>
    %dma_wait3A_55 = tpu.memref_slice %arg3[%add3A_53] : memref<6400000xi32, #tpu.memory_space<hbm>> -> memref<4000xi32, #tpu.memory_space<hbm>>
    tpu.wait_dma2 semaphore(%arg14 : memref<!tpu.dma_semaphore, #tpu.memory_space<semaphore_mem>>) src(%dma_wait3A_55 : memref<4000xi32, #tpu.memory_space<hbm>>) dst(%arg11 : memref<4000xi32, #tpu.memory_space<vmem>>)
    %add3A_56 = arith.constant 196000 : i32
    %add3A_57 = arith.addi %mul3A_15, %add3A_56 : i32
    %dma_wait3A_58 = tpu.memref_slice %arg4[%add3A_57] : memref<6400000xi32, #tpu.memory_space<hbm>> -> memref<4000xi32, #tpu.memory_space<hbm>>
    %dma_wait3A_59 = tpu.memref_slice %arg4[%add3A_57] : memref<6400000xi32, #tpu.memory_space<hbm>> -> memref<4000xi32, #tpu.memory_space<hbm>>
    tpu.wait_dma2 semaphore(%arg14 : memref<!tpu.dma_semaphore, #tpu.memory_space<semaphore_mem>>) src(%dma_wait3A_59 : memref<4000xi32, #tpu.memory_space<hbm>>) dst(%arg12 : memref<4000xi32, #tpu.memory_space<vmem>>)
    %scan3A_60 = arith.constant 0 : i32
    %scan3A_61 = arith.constant 250 : i32
    %scan3A_62 = arith.addi %scan3A_60, %scan3A_61 : i32
    %scan3A_63 = arith.constant 1 : i32
    scf.for %scan3A_98 = %scan3A_60 to %scan3A_62 step %scan3A_63  : i32 {
      %mul3A_99 = arith.constant 16 : i32
      %mul3A_100 = arith.muli %scan3A_98, %mul3A_99 : i32
      %get3A = arith.index_cast %mul3A_100 : i32 to index
      %get3A_101 = tpu.vector_load %arg11[%get3A] {strides = array<i32>} : memref<4000xi32, #tpu.memory_space<vmem>>, vector<16xi32>,
      %gather3A = tpu.vector_load_idx %arg16[%get3A_101] : memref<100096xf32, #tpu.memory_space<vmem>>[vector<16xi32>], vector<16xf32>,
      %swap3A = arith.index_cast %mul3A_100 : i32 to index
      %swap3A_102 = tpu.vector_load %arg13[%swap3A] {strides = array<i32>} : memref<4000xf32, #tpu.memory_space<vmem>>, vector<16xf32>,
      tpu.vector_store %arg13[%swap3A], %gather3A {strides = array<i32>} : memref<4000xf32, #tpu.memory_space<vmem>>, vector<16xf32>,
    }
    %scan3A_64 = arith.constant 250 : i32
    %dma_start3A_65 = arith.constant 0 : i32
    %dma_start3A_66 = tpu.memref_slice %arg17[%dma_start3A_65] : memref<100096xf32, #tpu.memory_space<vmem_shared>> -> memref<100096xf32, #tpu.memory_space<vmem_shared>>
    tpu.enqueue_indirect_dma source(%arg13 : memref<4000xf32, #tpu.memory_space<vmem>>) target(%dma_start3A_66 : memref<100096xf32, #tpu.memory_space<vmem_shared>>) offsets(%arg12 : memref<4000xi32, #tpu.memory_space<vmem>>) semaphore(%arg15 : memref<!tpu.dma_semaphore, #tpu.memory_space<semaphore_mem>>) {add = true}
    %dma_wait3A_67 = arith.constant 0 : i32
    %dma_wait3A_68 = tpu.memref_slice %arg17[%dma_wait3A_67] : memref<100096xf32, #tpu.memory_space<vmem_shared>> -> memref<100096xf32, #tpu.memory_space<vmem_shared>>
    tpu.wait_indirect_dma semaphore(%arg10 : memref<!tpu.dma_semaphore, #tpu.memory_space<semaphore_mem>>) src(%arg8 : memref<4000xf32, #tpu.memory_space<vmem>>) dst(%dma_wait3A_68 : memref<100096xf32, #tpu.memory_space<vmem_shared>>)
    %dma_wait3A_69 = arith.constant 0 : i32
    %dma_wait3A_70 = tpu.memref_slice %arg17[%dma_wait3A_69] : memref<100096xf32, #tpu.memory_space<vmem_shared>> -> memref<100096xf32, #tpu.memory_space<vmem_shared>>
    tpu.wait_indirect_dma semaphore(%arg15 : memref<!tpu.dma_semaphore, #tpu.memory_space<semaphore_mem>>) src(%arg13 : memref<4000xf32, #tpu.memory_space<vmem>>) dst(%dma_wait3A_70 : memref<100096xf32, #tpu.memory_space<vmem_shared>>)
    %barrier3A_71 = arith.constant 0 : index
    tpu.barrier barrier_id(%barrier3A_71)
    %mul3A_72 = arith.constant 6256 : i32
    %mul3A_73 = arith.muli %arg1, %mul3A_72 : i32
    %add3A_74 = arith.constant 0 : i32
    %add3A_75 = arith.addi %mul3A_73, %add3A_74 : i32
    "tpu.region"() ({
      %run_scoped3A = tpu.sem_alloc : memref<!tpu.dma_semaphore, #tpu.memory_space<semaphore_mem>>
      %dma_start3A_98 = arith.constant 0 : i32
      %dma_start3A_99 = tpu.memref_slice %arg8[%dma_start3A_98] : memref<4000xf32, #tpu.memory_space<vmem>> -> memref<4000xf32, #tpu.memory_space<vmem>>
      %dma_start3A_100 = tpu.memref_slice %arg17[%add3A_75] : memref<100096xf32, #tpu.memory_space<vmem_shared>> -> memref<4000xf32, #tpu.memory_space<vmem_shared>>
      %dma_start3A_101 = arith.constant 0 : i32
      %dma_start3A_102 = tpu.memref_slice %arg8[%dma_start3A_101] : memref<4000xf32, #tpu.memory_space<vmem>> -> memref<4000xf32, #tpu.memory_space<vmem>>
      %dma_start3A_103 = tpu.memref_slice %arg17[%add3A_75] : memref<100096xf32, #tpu.memory_space<vmem_shared>> -> memref<4000xf32, #tpu.memory_space<vmem_shared>>
      tpu.enqueue_dma source(%dma_start3A_103 : memref<4000xf32, #tpu.memory_space<vmem_shared>>) target(%dma_start3A_102 : memref<4000xf32, #tpu.memory_space<vmem>>) target_semaphore(%run_scoped3A : memref<!tpu.dma_semaphore, #tpu.memory_space<semaphore_mem>>)
      %dma_wait3A_104 = arith.constant 0 : i32
      %dma_wait3A_105 = tpu.memref_slice %arg8[%dma_wait3A_104] : memref<4000xf32, #tpu.memory_space<vmem>> -> memref<4000xf32, #tpu.memory_space<vmem>>
      %dma_wait3A_106 = tpu.memref_slice %arg17[%add3A_75] : memref<100096xf32, #tpu.memory_space<vmem_shared>> -> memref<4000xf32, #tpu.memory_space<vmem_shared>>
      %dma_wait3A_107 = arith.constant 0 : i32
      %dma_wait3A_108 = tpu.memref_slice %arg8[%dma_wait3A_107] : memref<4000xf32, #tpu.memory_space<vmem>> -> memref<4000xf32, #tpu.memory_space<vmem>>
      %dma_wait3A_109 = tpu.memref_slice %arg17[%add3A_75] : memref<100096xf32, #tpu.memory_space<vmem_shared>> -> memref<4000xf32, #tpu.memory_space<vmem_shared>>
      tpu.wait_dma2 semaphore(%run_scoped3A : memref<!tpu.dma_semaphore, #tpu.memory_space<semaphore_mem>>) src(%dma_wait3A_109 : memref<4000xf32, #tpu.memory_space<vmem_shared>>) dst(%dma_wait3A_108 : memref<4000xf32, #tpu.memory_space<vmem>>)
      tpu.yield
    }) : () -> ()
    %add3A_76 = arith.constant 0 : i32
    %add3A_77 = arith.addi %add3A_76, %arg0 : i32
    %mul3A_78 = arith.constant 100096 : i32
    %mul3A_79 = arith.muli %add3A_77, %mul3A_78 : i32
    %mul3A_80 = arith.constant 6256 : i32
    %mul3A_81 = arith.muli %arg1, %mul3A_80 : i32
    %add3A_82 = arith.addi %mul3A_79, %mul3A_81 : i32
    %add3A_83 = arith.constant 0 : i32
    %add3A_84 = arith.addi %add3A_82, %add3A_83 : i32
    "tpu.region"() ({
      %run_scoped3A = tpu.sem_alloc : memref<!tpu.dma_semaphore, #tpu.memory_space<semaphore_mem>>
      %dma_start3A_98 = arith.constant 0 : i32
      %dma_start3A_99 = tpu.memref_slice %arg8[%dma_start3A_98] : memref<4000xf32, #tpu.memory_space<vmem>> -> memref<4000xf32, #tpu.memory_space<vmem>>
      %dma_start3A_100 = tpu.memref_slice %arg5[%add3A_84] : memref<200192xf32, #tpu.memory_space<hbm>> -> memref<4000xf32, #tpu.memory_space<hbm>>
      %dma_start3A_101 = tpu.memref_slice %arg5[%add3A_84] : memref<200192xf32, #tpu.memory_space<hbm>> -> memref<4000xf32, #tpu.memory_space<hbm>>
      %dma_start3A_102 = arith.constant 0 : i32
      %dma_start3A_103 = tpu.memref_slice %arg8[%dma_start3A_102] : memref<4000xf32, #tpu.memory_space<vmem>> -> memref<4000xf32, #tpu.memory_space<vmem>>
      tpu.enqueue_dma source(%dma_start3A_103 : memref<4000xf32, #tpu.memory_space<vmem>>) target(%dma_start3A_101 : memref<4000xf32, #tpu.memory_space<hbm>>) target_semaphore(%run_scoped3A : memref<!tpu.dma_semaphore, #tpu.memory_space<semaphore_mem>>)
      %dma_wait3A_104 = arith.constant 0 : i32
      %dma_wait3A_105 = tpu.memref_slice %arg8[%dma_wait3A_104] : memref<4000xf32, #tpu.memory_space<vmem>> -> memref<4000xf32, #tpu.memory_space<vmem>>
      %dma_wait3A_106 = tpu.memref_slice %arg5[%add3A_84] : memref<200192xf32, #tpu.memory_space<hbm>> -> memref<4000xf32, #tpu.memory_space<hbm>>
      %dma_wait3A_107 = tpu.memref_slice %arg5[%add3A_84] : memref<200192xf32, #tpu.memory_space<hbm>> -> memref<4000xf32, #tpu.memory_space<hbm>>
      %dma_wait3A_108 = arith.constant 0 : i32
      %dma_wait3A_109 = tpu.memref_slice %arg8[%dma_wait3A_108] : memref<4000xf32, #tpu.memory_space<vmem>> -> memref<4000xf32, #tpu.memory_space<vmem>>
      tpu.wait_dma2 semaphore(%run_scoped3A : memref<!tpu.dma_semaphore, #tpu.memory_space<semaphore_mem>>) src(%dma_wait3A_109 : memref<4000xf32, #tpu.memory_space<vmem>>) dst(%dma_wait3A_107 : memref<4000xf32, #tpu.memory_space<hbm>>)
      tpu.yield
    }) : () -> ()
    %mul3A_85 = arith.constant 6256 : i32
    %mul3A_86 = arith.muli %arg1, %mul3A_85 : i32
    %add3A_87 = arith.constant 4000 : i32
    %add3A_88 = arith.addi %mul3A_86, %add3A_87 : i32
    "tpu.region"() ({
      %run_scoped3A = tpu.sem_alloc : memref<!tpu.dma_semaphore, #tpu.memory_space<semaphore_mem>>
      %dma_start3A_98 = arith.constant 0 : i32
      %dma_start3A_99 = tpu.memref_slice %arg8[%dma_start3A_98] : memref<4000xf32, #tpu.memory_space<vmem>> -> memref<2256xf32, #tpu.memory_space<vmem>>
      %dma_start3A_100 = tpu.memref_slice %arg17[%add3A_88] : memref<100096xf32, #tpu.memory_space<vmem_shared>> -> memref<2256xf32, #tpu.memory_space<vmem_shared>>
      %dma_start3A_101 = arith.constant 0 : i32
      %dma_start3A_102 = tpu.memref_slice %arg8[%dma_start3A_101] : memref<4000xf32, #tpu.memory_space<vmem>> -> memref<2256xf32, #tpu.memory_space<vmem>>
      %dma_start3A_103 = tpu.memref_slice %arg17[%add3A_88] : memref<100096xf32, #tpu.memory_space<vmem_shared>> -> memref<2256xf32, #tpu.memory_space<vmem_shared>>
      tpu.enqueue_dma source(%dma_start3A_103 : memref<2256xf32, #tpu.memory_space<vmem_shared>>) target(%dma_start3A_102 : memref<2256xf32, #tpu.memory_space<vmem>>) target_semaphore(%run_scoped3A : memref<!tpu.dma_semaphore, #tpu.memory_space<semaphore_mem>>)
      %dma_wait3A_104 = arith.constant 0 : i32
      %dma_wait3A_105 = tpu.memref_slice %arg8[%dma_wait3A_104] : memref<4000xf32, #tpu.memory_space<vmem>> -> memref<2256xf32, #tpu.memory_space<vmem>>
      %dma_wait3A_106 = tpu.memref_slice %arg17[%add3A_88] : memref<100096xf32, #tpu.memory_space<vmem_shared>> -> memref<2256xf32, #tpu.memory_space<vmem_shared>>
      %dma_wait3A_107 = arith.constant 0 : i32
      %dma_wait3A_108 = tpu.memref_slice %arg8[%dma_wait3A_107] : memref<4000xf32, #tpu.memory_space<vmem>> -> memref<2256xf32, #tpu.memory_space<vmem>>
      %dma_wait3A_109 = tpu.memref_slice %arg17[%add3A_88] : memref<100096xf32, #tpu.memory_space<vmem_shared>> -> memref<2256xf32, #tpu.memory_space<vmem_shared>>
      tpu.wait_dma2 semaphore(%run_scoped3A : memref<!tpu.dma_semaphore, #tpu.memory_space<semaphore_mem>>) src(%dma_wait3A_109 : memref<2256xf32, #tpu.memory_space<vmem_shared>>) dst(%dma_wait3A_108 : memref<2256xf32, #tpu.memory_space<vmem>>)
      tpu.yield
    }) : () -> ()
    %add3A_89 = arith.constant 0 : i32
    %add3A_90 = arith.addi %add3A_89, %arg0 : i32
    %mul3A_91 = arith.constant 100096 : i32
    %mul3A_92 = arith.muli %add3A_90, %mul3A_91 : i32
    %mul3A_93 = arith.constant 6256 : i32
    %mul3A_94 = arith.muli %arg1, %mul3A_93 : i32
    %add3A_95 = arith.addi %mul3A_92, %mul3A_94 : i32
    %add3A_96 = arith.constant 4000 : i32
    %add3A_97 = arith.addi %add3A_95, %add3A_96 : i32
    "tpu.region"() ({
      %run_scoped3A = tpu.sem_alloc : memref<!tpu.dma_semaphore, #tpu.memory_space<semaphore_mem>>
      %dma_start3A_98 = arith.constant 0 : i32
      %dma_start3A_99 = tpu.memref_slice %arg8[%dma_start3A_98] : memref<4000xf32, #tpu.memory_space<vmem>> -> memref<2256xf32, #tpu.memory_space<vmem>>
      %dma_start3A_100 = tpu.memref_slice %arg5[%add3A_97] : memref<200192xf32, #tpu.memory_space<hbm>> -> memref<2256xf32, #tpu.memory_space<hbm>>
      %dma_start3A_101 = tpu.memref_slice %arg5[%add3A_97] : memref<200192xf32, #tpu.memory_space<hbm>> -> memref<2256xf32, #tpu.memory_space<hbm>>
      %dma_start3A_102 = arith.constant 0 : i32
      %dma_start3A_103 = tpu.memref_slice %arg8[%dma_start3A_102] : memref<4000xf32, #tpu.memory_space<vmem>> -> memref<2256xf32, #tpu.memory_space<vmem>>
      tpu.enqueue_dma source(%dma_start3A_103 : memref<2256xf32, #tpu.memory_space<vmem>>) target(%dma_start3A_101 : memref<2256xf32, #tpu.memory_space<hbm>>) target_semaphore(%run_scoped3A : memref<!tpu.dma_semaphore, #tpu.memory_space<semaphore_mem>>)
      %dma_wait3A_104 = arith.constant 0 : i32
      %dma_wait3A_105 = tpu.memref_slice %arg8[%dma_wait3A_104] : memref<4000xf32, #tpu.memory_space<vmem>> -> memref<2256xf32, #tpu.memory_space<vmem>>
      %dma_wait3A_106 = tpu.memref_slice %arg5[%add3A_97] : memref<200192xf32, #tpu.memory_space<hbm>> -> memref<2256xf32, #tpu.memory_space<hbm>>
      %dma_wait3A_107 = tpu.memref_slice %arg5[%add3A_97] : memref<200192xf32, #tpu.memory_space<hbm>> -> memref<2256xf32, #tpu.memory_space<hbm>>
      %dma_wait3A_108 = arith.constant 0 : i32
      %dma_wait3A_109 = tpu.memref_slice %arg8[%dma_wait3A_108] : memref<4000xf32, #tpu.memory_space<vmem>> -> memref<2256xf32, #tpu.memory_space<vmem>>
      tpu.wait_dma2 semaphore(%run_scoped3A : memref<!tpu.dma_semaphore, #tpu.memory_space<semaphore_mem>>) src(%dma_wait3A_109 : memref<2256xf32, #tpu.memory_space<vmem>>) dst(%dma_wait3A_107 : memref<2256xf32, #tpu.memory_space<hbm>>)
      tpu.yield
    }) : () -> ()
    return
  }
}

#map = affine_map<(d0, d1) -> (0)>
module attributes {stable_mosaic.version = 14 : i64} {
  func.func @_sc_histogram(%arg0: i32, %arg1: i32, %arg2: memref<6400000xi32, #tpu.memory_space<hbm>>, %arg3: memref<200192xf32, #tpu.memory_space<hbm>>, %arg4: memref<2000xi32, #tpu.memory_space<vmem>>, %arg5: memref<2000xi32, #tpu.memory_space<vmem>>, %arg6: memref<2000xf32, #tpu.memory_space<vmem>>, %arg7: memref<6256xf32, #tpu.memory_space<vmem>>, %arg8: memref<100096xf32, #tpu.memory_space<vmem_shared>>, %arg9: memref<!tpu.dma_semaphore, #tpu.memory_space<semaphore_mem>>, %arg10: memref<!tpu.dma_semaphore, #tpu.memory_space<semaphore_mem>>, %arg11: memref<!tpu.dma_semaphore, #tpu.memory_space<semaphore_mem>>, %arg12: memref<!tpu.dma_semaphore, #tpu.memory_space<semaphore_mem>>) attributes {dimension_semantics = [#tpu.dimension_semantics<core_parallel>, #tpu.dimension_semantics<subcore_parallel>], iteration_bounds = array<i64: 2, 16>, scalar_prefetch = 0 : i64, scratch_operands = 9 : i64, tpu.core_type = #tpu.core_type<sc_vector_subcore>, window_params = [{transform_indices = #map}, {transform_indices = #map}]} {
    %broadcast_in_dim3A = arith.constant 1.000000e+00 : f32
    %broadcast_in_dim3A_0 = vector.broadcast %broadcast_in_dim3A : f32 to vector<16xf32>
    %scan3A = arith.constant 0 : i32
    %scan3A_1 = arith.constant 125 : i32
    %scan3A_2 = arith.addi %scan3A, %scan3A_1 : i32
    %scan3A_3 = arith.constant 1 : i32
    scf.for %scan3A_50 = %scan3A to %scan3A_2 step %scan3A_3  : i32 {
      %mul3A_51 = arith.constant 16 : i32
      %mul3A_52 = arith.muli %scan3A_50, %mul3A_51 : i32
      %swap3A = arith.index_cast %mul3A_52 : i32 to index
      %swap3A_53 = tpu.vector_load %arg6[%swap3A] {strides = array<i32>} : memref<2000xf32, #tpu.memory_space<vmem>>, vector<16xf32>,
      %swap3A_54 = vector.shape_cast %swap3A_53 : vector<16xf32> to vector<16xf32>
      %swap3A_55 = vector.shape_cast %broadcast_in_dim3A_0 : vector<16xf32> to vector<16xf32>
      tpu.vector_store %arg6[%swap3A], %swap3A_55 {strides = array<i32>} : memref<2000xf32, #tpu.memory_space<vmem>>, vector<16xf32>,
    }
    %scan3A_4 = arith.constant 125 : i32
    %broadcast_in_dim3A_5 = arith.constant 0.000000e+00 : f32
    %broadcast_in_dim3A_6 = vector.broadcast %broadcast_in_dim3A_5 : f32 to vector<16xf32>
    %scan3A_7 = arith.constant 0 : i32
    %scan3A_8 = arith.constant 391 : i32
    %scan3A_9 = arith.addi %scan3A_7, %scan3A_8 : i32
    %scan3A_10 = arith.constant 1 : i32
    scf.for %scan3A_50 = %scan3A_7 to %scan3A_9 step %scan3A_10  : i32 {
      %mul3A_51 = arith.constant 16 : i32
      %mul3A_52 = arith.muli %scan3A_50, %mul3A_51 : i32
      %swap3A = arith.index_cast %mul3A_52 : i32 to index
      %swap3A_53 = tpu.vector_load %arg7[%swap3A] {strides = array<i32>} : memref<6256xf32, #tpu.memory_space<vmem>>, vector<16xf32>,
      %swap3A_54 = vector.shape_cast %swap3A_53 : vector<16xf32> to vector<16xf32>
      %swap3A_55 = vector.shape_cast %broadcast_in_dim3A_6 : vector<16xf32> to vector<16xf32>
      tpu.vector_store %arg7[%swap3A], %swap3A_55 {strides = array<i32>} : memref<6256xf32, #tpu.memory_space<vmem>>, vector<16xf32>,
    }
    %scan3A_11 = arith.constant 391 : i32
    %mul3A = arith.constant 6256 : i32
    %mul3A_12 = arith.muli %arg1, %mul3A : i32
    "tpu.region"() ({
      %run_scoped3A = tpu.sem_alloc : memref<!tpu.dma_semaphore, #tpu.memory_space<semaphore_mem>>
      %dma_start3A_50 = tpu.memref_slice %arg8[%mul3A_12] : memref<100096xf32, #tpu.memory_space<vmem_shared>> -> memref<6256xf32, #tpu.memory_space<vmem_shared>>
      %dma_start3A_51 = tpu.memref_slice %arg8[%mul3A_12] : memref<100096xf32, #tpu.memory_space<vmem_shared>> -> memref<6256xf32, #tpu.memory_space<vmem_shared>>
      tpu.enqueue_dma source(%arg7 : memref<6256xf32, #tpu.memory_space<vmem>>) target(%dma_start3A_51 : memref<6256xf32, #tpu.memory_space<vmem_shared>>) target_semaphore(%run_scoped3A : memref<!tpu.dma_semaphore, #tpu.memory_space<semaphore_mem>>)
      %dma_wait3A_52 = tpu.memref_slice %arg8[%mul3A_12] : memref<100096xf32, #tpu.memory_space<vmem_shared>> -> memref<6256xf32, #tpu.memory_space<vmem_shared>>
      %dma_wait3A_53 = tpu.memref_slice %arg8[%mul3A_12] : memref<100096xf32, #tpu.memory_space<vmem_shared>> -> memref<6256xf32, #tpu.memory_space<vmem_shared>>
      tpu.wait_dma2 semaphore(%run_scoped3A : memref<!tpu.dma_semaphore, #tpu.memory_space<semaphore_mem>>) src(%arg7 : memref<6256xf32, #tpu.memory_space<vmem>>) dst(%dma_wait3A_53 : memref<6256xf32, #tpu.memory_space<vmem_shared>>)
      tpu.yield
    }) : () -> ()
    %barrier3A = arith.constant 0 : index
    tpu.barrier barrier_id(%barrier3A)
    %mul3A_13 = arith.constant 2 : i32
    %mul3A_14 = arith.muli %arg1, %mul3A_13 : i32
    %add3A = arith.addi %mul3A_14, %arg0 : i32
    %mul3A_15 = arith.constant 200000 : i32
    %mul3A_16 = arith.muli %add3A, %mul3A_15 : i32
    %add3A_17 = arith.constant 0 : i32
    %add3A_18 = arith.addi %mul3A_16, %add3A_17 : i32
    %dma_start3A = tpu.memref_slice %arg2[%add3A_18] : memref<6400000xi32, #tpu.memory_space<hbm>> -> memref<2000xi32, #tpu.memory_space<hbm>>
    %dma_start3A_19 = tpu.memref_slice %arg2[%add3A_18] : memref<6400000xi32, #tpu.memory_space<hbm>> -> memref<2000xi32, #tpu.memory_space<hbm>>
    tpu.enqueue_dma source(%dma_start3A_19 : memref<2000xi32, #tpu.memory_space<hbm>>) target(%arg4 : memref<2000xi32, #tpu.memory_space<vmem>>) target_semaphore(%arg9 : memref<!tpu.dma_semaphore, #tpu.memory_space<semaphore_mem>>)
    %add3A_20 = arith.constant 2000 : i32
    %add3A_21 = arith.addi %mul3A_16, %add3A_20 : i32
    %dma_start3A_22 = tpu.memref_slice %arg2[%add3A_21] : memref<6400000xi32, #tpu.memory_space<hbm>> -> memref<2000xi32, #tpu.memory_space<hbm>>
    %dma_start3A_23 = tpu.memref_slice %arg2[%add3A_21] : memref<6400000xi32, #tpu.memory_space<hbm>> -> memref<2000xi32, #tpu.memory_space<hbm>>
    tpu.enqueue_dma source(%dma_start3A_23 : memref<2000xi32, #tpu.memory_space<hbm>>) target(%arg5 : memref<2000xi32, #tpu.memory_space<vmem>>) target_semaphore(%arg10 : memref<!tpu.dma_semaphore, #tpu.memory_space<semaphore_mem>>)
    %scan3A_24 = arith.constant 0 : i32
    %scan3A_25 = arith.constant 49 : i32
    %scan3A_26 = arith.addi %scan3A_24, %scan3A_25 : i32
    %scan3A_27 = arith.constant 1 : i32
    scf.for %scan3A_50 = %scan3A_24 to %scan3A_26 step %scan3A_27  : i32 {
      %mul3A_51 = arith.constant 2 : i32
      %mul3A_52 = arith.muli %mul3A_51, %scan3A_50 : i32
      %mul3A_53 = arith.constant 2000 : i32
      %mul3A_54 = arith.muli %mul3A_52, %mul3A_53 : i32
      %add3A_55 = arith.addi %mul3A_16, %mul3A_54 : i32
      %dma_wait3A_56 = tpu.memref_slice %arg2[%add3A_55] : memref<6400000xi32, #tpu.memory_space<hbm>> -> memref<2000xi32, #tpu.memory_space<hbm>>
      %dma_wait3A_57 = tpu.memref_slice %arg2[%add3A_55] : memref<6400000xi32, #tpu.memory_space<hbm>> -> memref<2000xi32, #tpu.memory_space<hbm>>
      tpu.wait_dma2 semaphore(%arg9 : memref<!tpu.dma_semaphore, #tpu.memory_space<semaphore_mem>>) src(%dma_wait3A_57 : memref<2000xi32, #tpu.memory_space<hbm>>) dst(%arg4 : memref<2000xi32, #tpu.memory_space<vmem>>)
      %dma_start3A_58 = arith.constant 0 : i32
      %dma_start3A_59 = tpu.memref_slice %arg8[%dma_start3A_58] : memref<100096xf32, #tpu.memory_space<vmem_shared>> -> memref<100096xf32, #tpu.memory_space<vmem_shared>>
      tpu.enqueue_indirect_dma source(%arg6 : memref<2000xf32, #tpu.memory_space<vmem>>) target(%dma_start3A_59 : memref<100096xf32, #tpu.memory_space<vmem_shared>>) offsets(%arg4 : memref<2000xi32, #tpu.memory_space<vmem>>) semaphore(%arg11 : memref<!tpu.dma_semaphore, #tpu.memory_space<semaphore_mem>>) {add = true}
      %add3A_60 = arith.constant 1 : i32
      %add3A_61 = arith.addi %mul3A_52, %add3A_60 : i32
      %mul3A_62 = arith.constant 2000 : i32
      %mul3A_63 = arith.muli %add3A_61, %mul3A_62 : i32
      %add3A_64 = arith.addi %mul3A_16, %mul3A_63 : i32
      %dma_wait3A_65 = tpu.memref_slice %arg2[%add3A_64] : memref<6400000xi32, #tpu.memory_space<hbm>> -> memref<2000xi32, #tpu.memory_space<hbm>>
      %dma_wait3A_66 = tpu.memref_slice %arg2[%add3A_64] : memref<6400000xi32, #tpu.memory_space<hbm>> -> memref<2000xi32, #tpu.memory_space<hbm>>
      tpu.wait_dma2 semaphore(%arg10 : memref<!tpu.dma_semaphore, #tpu.memory_space<semaphore_mem>>) src(%dma_wait3A_66 : memref<2000xi32, #tpu.memory_space<hbm>>) dst(%arg5 : memref<2000xi32, #tpu.memory_space<vmem>>)
      %dma_start3A_67 = arith.constant 0 : i32
      %dma_start3A_68 = tpu.memref_slice %arg8[%dma_start3A_67] : memref<100096xf32, #tpu.memory_space<vmem_shared>> -> memref<100096xf32, #tpu.memory_space<vmem_shared>>
      tpu.enqueue_indirect_dma source(%arg6 : memref<2000xf32, #tpu.memory_space<vmem>>) target(%dma_start3A_68 : memref<100096xf32, #tpu.memory_space<vmem_shared>>) offsets(%arg5 : memref<2000xi32, #tpu.memory_space<vmem>>) semaphore(%arg12 : memref<!tpu.dma_semaphore, #tpu.memory_space<semaphore_mem>>) {add = true}
      %dma_wait3A_69 = arith.constant 0 : i32
      %dma_wait3A_70 = tpu.memref_slice %arg8[%dma_wait3A_69] : memref<100096xf32, #tpu.memory_space<vmem_shared>> -> memref<100096xf32, #tpu.memory_space<vmem_shared>>
      tpu.wait_indirect_dma semaphore(%arg11 : memref<!tpu.dma_semaphore, #tpu.memory_space<semaphore_mem>>) src(%arg6 : memref<2000xf32, #tpu.memory_space<vmem>>) dst(%dma_wait3A_70 : memref<100096xf32, #tpu.memory_space<vmem_shared>>)
      %add3A_71 = arith.constant 2 : i32
      %add3A_72 = arith.addi %mul3A_52, %add3A_71 : i32
      %mul3A_73 = arith.constant 2000 : i32
      %mul3A_74 = arith.muli %add3A_72, %mul3A_73 : i32
      %add3A_75 = arith.addi %mul3A_16, %mul3A_74 : i32
      %dma_start3A_76 = tpu.memref_slice %arg2[%add3A_75] : memref<6400000xi32, #tpu.memory_space<hbm>> -> memref<2000xi32, #tpu.memory_space<hbm>>
      %dma_start3A_77 = tpu.memref_slice %arg2[%add3A_75] : memref<6400000xi32, #tpu.memory_space<hbm>> -> memref<2000xi32, #tpu.memory_space<hbm>>
      tpu.enqueue_dma source(%dma_start3A_77 : memref<2000xi32, #tpu.memory_space<hbm>>) target(%arg4 : memref<2000xi32, #tpu.memory_space<vmem>>) target_semaphore(%arg9 : memref<!tpu.dma_semaphore, #tpu.memory_space<semaphore_mem>>)
      %dma_wait3A_78 = arith.constant 0 : i32
      %dma_wait3A_79 = tpu.memref_slice %arg8[%dma_wait3A_78] : memref<100096xf32, #tpu.memory_space<vmem_shared>> -> memref<100096xf32, #tpu.memory_space<vmem_shared>>
      tpu.wait_indirect_dma semaphore(%arg12 : memref<!tpu.dma_semaphore, #tpu.memory_space<semaphore_mem>>) src(%arg6 : memref<2000xf32, #tpu.memory_space<vmem>>) dst(%dma_wait3A_79 : memref<100096xf32, #tpu.memory_space<vmem_shared>>)
      %add3A_80 = arith.constant 3 : i32
      %add3A_81 = arith.addi %mul3A_52, %add3A_80 : i32
      %mul3A_82 = arith.constant 2000 : i32
      %mul3A_83 = arith.muli %add3A_81, %mul3A_82 : i32
      %add3A_84 = arith.addi %mul3A_16, %mul3A_83 : i32
      %dma_start3A_85 = tpu.memref_slice %arg2[%add3A_84] : memref<6400000xi32, #tpu.memory_space<hbm>> -> memref<2000xi32, #tpu.memory_space<hbm>>
      %dma_start3A_86 = tpu.memref_slice %arg2[%add3A_84] : memref<6400000xi32, #tpu.memory_space<hbm>> -> memref<2000xi32, #tpu.memory_space<hbm>>
      tpu.enqueue_dma source(%dma_start3A_86 : memref<2000xi32, #tpu.memory_space<hbm>>) target(%arg5 : memref<2000xi32, #tpu.memory_space<vmem>>) target_semaphore(%arg10 : memref<!tpu.dma_semaphore, #tpu.memory_space<semaphore_mem>>)
    }
    %scan3A_28 = arith.constant 49 : i32
    %add3A_29 = arith.constant 196000 : i32
    %add3A_30 = arith.addi %mul3A_16, %add3A_29 : i32
    %dma_wait3A = tpu.memref_slice %arg2[%add3A_30] : memref<6400000xi32, #tpu.memory_space<hbm>> -> memref<2000xi32, #tpu.memory_space<hbm>>
    %dma_wait3A_31 = tpu.memref_slice %arg2[%add3A_30] : memref<6400000xi32, #tpu.memory_space<hbm>> -> memref<2000xi32, #tpu.memory_space<hbm>>
    tpu.wait_dma2 semaphore(%arg9 : memref<!tpu.dma_semaphore, #tpu.memory_space<semaphore_mem>>) src(%dma_wait3A_31 : memref<2000xi32, #tpu.memory_space<hbm>>) dst(%arg4 : memref<2000xi32, #tpu.memory_space<vmem>>)
    %dma_start3A_32 = arith.constant 0 : i32
    %dma_start3A_33 = tpu.memref_slice %arg8[%dma_start3A_32] : memref<100096xf32, #tpu.memory_space<vmem_shared>> -> memref<100096xf32, #tpu.memory_space<vmem_shared>>
    tpu.enqueue_indirect_dma source(%arg6 : memref<2000xf32, #tpu.memory_space<vmem>>) target(%dma_start3A_33 : memref<100096xf32, #tpu.memory_space<vmem_shared>>) offsets(%arg4 : memref<2000xi32, #tpu.memory_space<vmem>>) semaphore(%arg11 : memref<!tpu.dma_semaphore, #tpu.memory_space<semaphore_mem>>) {add = true}
    %add3A_34 = arith.constant 198000 : i32
    %add3A_35 = arith.addi %mul3A_16, %add3A_34 : i32
    %dma_wait3A_36 = tpu.memref_slice %arg2[%add3A_35] : memref<6400000xi32, #tpu.memory_space<hbm>> -> memref<2000xi32, #tpu.memory_space<hbm>>
    %dma_wait3A_37 = tpu.memref_slice %arg2[%add3A_35] : memref<6400000xi32, #tpu.memory_space<hbm>> -> memref<2000xi32, #tpu.memory_space<hbm>>
    tpu.wait_dma2 semaphore(%arg10 : memref<!tpu.dma_semaphore, #tpu.memory_space<semaphore_mem>>) src(%dma_wait3A_37 : memref<2000xi32, #tpu.memory_space<hbm>>) dst(%arg5 : memref<2000xi32, #tpu.memory_space<vmem>>)
    %dma_start3A_38 = arith.constant 0 : i32
    %dma_start3A_39 = tpu.memref_slice %arg8[%dma_start3A_38] : memref<100096xf32, #tpu.memory_space<vmem_shared>> -> memref<100096xf32, #tpu.memory_space<vmem_shared>>
    tpu.enqueue_indirect_dma source(%arg6 : memref<2000xf32, #tpu.memory_space<vmem>>) target(%dma_start3A_39 : memref<100096xf32, #tpu.memory_space<vmem_shared>>) offsets(%arg5 : memref<2000xi32, #tpu.memory_space<vmem>>) semaphore(%arg12 : memref<!tpu.dma_semaphore, #tpu.memory_space<semaphore_mem>>) {add = true}
    %dma_wait3A_40 = arith.constant 0 : i32
    %dma_wait3A_41 = tpu.memref_slice %arg8[%dma_wait3A_40] : memref<100096xf32, #tpu.memory_space<vmem_shared>> -> memref<100096xf32, #tpu.memory_space<vmem_shared>>
    tpu.wait_indirect_dma semaphore(%arg11 : memref<!tpu.dma_semaphore, #tpu.memory_space<semaphore_mem>>) src(%arg6 : memref<2000xf32, #tpu.memory_space<vmem>>) dst(%dma_wait3A_41 : memref<100096xf32, #tpu.memory_space<vmem_shared>>)
    %dma_wait3A_42 = arith.constant 0 : i32
    %dma_wait3A_43 = tpu.memref_slice %arg8[%dma_wait3A_42] : memref<100096xf32, #tpu.memory_space<vmem_shared>> -> memref<100096xf32, #tpu.memory_space<vmem_shared>>
    tpu.wait_indirect_dma semaphore(%arg12 : memref<!tpu.dma_semaphore, #tpu.memory_space<semaphore_mem>>) src(%arg6 : memref<2000xf32, #tpu.memory_space<vmem>>) dst(%dma_wait3A_43 : memref<100096xf32, #tpu.memory_space<vmem_shared>>)
    %barrier3A_44 = arith.constant 0 : index
    tpu.barrier barrier_id(%barrier3A_44)
    "tpu.region"() ({
      %run_scoped3A = tpu.sem_alloc : memref<!tpu.dma_semaphore, #tpu.memory_space<semaphore_mem>>
      %dma_start3A_50 = tpu.memref_slice %arg8[%mul3A_12] : memref<100096xf32, #tpu.memory_space<vmem_shared>> -> memref<6256xf32, #tpu.memory_space<vmem_shared>>
      %dma_start3A_51 = tpu.memref_slice %arg8[%mul3A_12] : memref<100096xf32, #tpu.memory_space<vmem_shared>> -> memref<6256xf32, #tpu.memory_space<vmem_shared>>
      tpu.enqueue_dma source(%dma_start3A_51 : memref<6256xf32, #tpu.memory_space<vmem_shared>>) target(%arg7 : memref<6256xf32, #tpu.memory_space<vmem>>) target_semaphore(%run_scoped3A : memref<!tpu.dma_semaphore, #tpu.memory_space<semaphore_mem>>)
      %dma_wait3A_52 = tpu.memref_slice %arg8[%mul3A_12] : memref<100096xf32, #tpu.memory_space<vmem_shared>> -> memref<6256xf32, #tpu.memory_space<vmem_shared>>
      %dma_wait3A_53 = tpu.memref_slice %arg8[%mul3A_12] : memref<100096xf32, #tpu.memory_space<vmem_shared>> -> memref<6256xf32, #tpu.memory_space<vmem_shared>>
      tpu.wait_dma2 semaphore(%run_scoped3A : memref<!tpu.dma_semaphore, #tpu.memory_space<semaphore_mem>>) src(%dma_wait3A_53 : memref<6256xf32, #tpu.memory_space<vmem_shared>>) dst(%arg7 : memref<6256xf32, #tpu.memory_space<vmem>>)
      tpu.yield
    }) : () -> ()
    %mul3A_45 = arith.constant 100096 : i32
    %mul3A_46 = arith.muli %arg0, %mul3A_45 : i32
    %mul3A_47 = arith.constant 6256 : i32
    %mul3A_48 = arith.muli %arg1, %mul3A_47 : i32
    %add3A_49 = arith.addi %mul3A_46, %mul3A_48 : i32
    "tpu.region"() ({
      %run_scoped3A = tpu.sem_alloc : memref<!tpu.dma_semaphore, #tpu.memory_space<semaphore_mem>>
      %dma_start3A_50 = tpu.memref_slice %arg3[%add3A_49] : memref<200192xf32, #tpu.memory_space<hbm>> -> memref<6256xf32, #tpu.memory_space<hbm>>
      %dma_start3A_51 = tpu.memref_slice %arg3[%add3A_49] : memref<200192xf32, #tpu.memory_space<hbm>> -> memref<6256xf32, #tpu.memory_space<hbm>>
      tpu.enqueue_dma source(%arg7 : memref<6256xf32, #tpu.memory_space<vmem>>) target(%dma_start3A_51 : memref<6256xf32, #tpu.memory_space<hbm>>) target_semaphore(%run_scoped3A : memref<!tpu.dma_semaphore, #tpu.memory_space<semaphore_mem>>)
      %dma_wait3A_52 = tpu.memref_slice %arg3[%add3A_49] : memref<200192xf32, #tpu.memory_space<hbm>> -> memref<6256xf32, #tpu.memory_space<hbm>>
      %dma_wait3A_53 = tpu.memref_slice %arg3[%add3A_49] : memref<200192xf32, #tpu.memory_space<hbm>> -> memref<6256xf32, #tpu.memory_space<hbm>>
      tpu.wait_dma2 semaphore(%run_scoped3A : memref<!tpu.dma_semaphore, #tpu.memory_space<semaphore_mem>>) src(%arg7 : memref<6256xf32, #tpu.memory_space<vmem>>) dst(%dma_wait3A_53 : memref<6256xf32, #tpu.memory_space<hbm>>)
      tpu.yield
    }) : () -> ()
    return
  }
}

#map = affine_map<(d0, d1) -> (0)>
module attributes {stable_mosaic.version = 14 : i64} {
  func.func @_pass(%arg0: i32, %arg1: i32, %arg2: memref<100096xi32, #tpu.memory_space<hbm>>, %arg3: memref<6400000xi32, #tpu.memory_space<hbm>>, %arg4: memref<6400000xi32, #tpu.memory_space<hbm>>, %arg5: memref<400384xf32, #tpu.memory_space<hbm>>, %arg6: memref<2000xi32, #tpu.memory_space<vmem>>, %arg7: memref<2000xi32, #tpu.memory_space<vmem>>, %arg8: memref<2000xf32, #tpu.memory_space<vmem>>, %arg9: memref<2000xf32, #tpu.memory_space<vmem>>, %arg10: memref<!tpu.dma_semaphore, #tpu.memory_space<semaphore_mem>>, %arg11: memref<!tpu.dma_semaphore, #tpu.memory_space<semaphore_mem>>, %arg12: memref<2000xi32, #tpu.memory_space<vmem>>, %arg13: memref<2000xi32, #tpu.memory_space<vmem>>, %arg14: memref<2000xf32, #tpu.memory_space<vmem>>, %arg15: memref<2000xf32, #tpu.memory_space<vmem>>, %arg16: memref<!tpu.dma_semaphore, #tpu.memory_space<semaphore_mem>>, %arg17: memref<!tpu.dma_semaphore, #tpu.memory_space<semaphore_mem>>, %arg18: memref<100096xi32, #tpu.memory_space<vmem>>, %arg19: memref<100096xf32, #tpu.memory_space<vmem_shared>>, %arg20: memref<100096xf32, #tpu.memory_space<vmem_shared>>) attributes {dimension_semantics = [#tpu.dimension_semantics<core_parallel>, #tpu.dimension_semantics<subcore_parallel>], iteration_bounds = array<i64: 2, 16>, scalar_prefetch = 0 : i64, scratch_operands = 15 : i64, tpu.core_type = #tpu.core_type<sc_vector_subcore>, window_params = [{transform_indices = #map}, {transform_indices = #map}, {transform_indices = #map}, {transform_indices = #map}]} {
    "tpu.region"() ({
      %run_scoped3A = tpu.sem_alloc : memref<!tpu.dma_semaphore, #tpu.memory_space<semaphore_mem>>
      tpu.enqueue_dma source(%arg2 : memref<100096xi32, #tpu.memory_space<hbm>>) target(%arg18 : memref<100096xi32, #tpu.memory_space<vmem>>) target_semaphore(%run_scoped3A : memref<!tpu.dma_semaphore, #tpu.memory_space<semaphore_mem>>)
      tpu.wait_dma2 semaphore(%run_scoped3A : memref<!tpu.dma_semaphore, #tpu.memory_space<semaphore_mem>>) src(%arg2 : memref<100096xi32, #tpu.memory_space<hbm>>) dst(%arg18 : memref<100096xi32, #tpu.memory_space<vmem>>)
      tpu.yield
    }) : () -> ()
    %broadcast_in_dim3A = arith.constant 0.000000e+00 : f32
    %broadcast_in_dim3A_0 = vector.broadcast %broadcast_in_dim3A : f32 to vector<16xf32>
    %scan3A = arith.constant 0 : i32
    %scan3A_1 = arith.constant 125 : i32
    %scan3A_2 = arith.addi %scan3A, %scan3A_1 : i32
    %scan3A_3 = arith.constant 1 : i32
    scf.for %scan3A_208 = %scan3A to %scan3A_2 step %scan3A_3  : i32 {
      %mul3A_209 = arith.constant 16 : i32
      %mul3A_210 = arith.muli %scan3A_208, %mul3A_209 : i32
      %swap3A = arith.index_cast %mul3A_210 : i32 to index
      %swap3A_211 = tpu.vector_load %arg8[%swap3A] {strides = array<i32>} : memref<2000xf32, #tpu.memory_space<vmem>>, vector<16xf32>,
      %swap3A_212 = vector.shape_cast %swap3A_211 : vector<16xf32> to vector<16xf32>
      %swap3A_213 = vector.shape_cast %broadcast_in_dim3A_0 : vector<16xf32> to vector<16xf32>
      tpu.vector_store %arg8[%swap3A], %swap3A_213 {strides = array<i32>} : memref<2000xf32, #tpu.memory_space<vmem>>, vector<16xf32>,
    }
    %scan3A_4 = arith.constant 125 : i32
    %mul3A = arith.constant 6256 : i32
    %mul3A_5 = arith.muli %arg1, %mul3A : i32
    %add3A = arith.constant 0 : i32
    %add3A_6 = arith.addi %mul3A_5, %add3A : i32
    "tpu.region"() ({
      %run_scoped3A = tpu.sem_alloc : memref<!tpu.dma_semaphore, #tpu.memory_space<semaphore_mem>>
      %dma_start3A_208 = arith.constant 0 : i32
      %dma_start3A_209 = tpu.memref_slice %arg8[%dma_start3A_208] : memref<2000xf32, #tpu.memory_space<vmem>> -> memref<2000xf32, #tpu.memory_space<vmem>>
      %dma_start3A_210 = tpu.memref_slice %arg19[%add3A_6] : memref<100096xf32, #tpu.memory_space<vmem_shared>> -> memref<2000xf32, #tpu.memory_space<vmem_shared>>
      %dma_start3A_211 = tpu.memref_slice %arg19[%add3A_6] : memref<100096xf32, #tpu.memory_space<vmem_shared>> -> memref<2000xf32, #tpu.memory_space<vmem_shared>>
      %dma_start3A_212 = arith.constant 0 : i32
      %dma_start3A_213 = tpu.memref_slice %arg8[%dma_start3A_212] : memref<2000xf32, #tpu.memory_space<vmem>> -> memref<2000xf32, #tpu.memory_space<vmem>>
      tpu.enqueue_dma source(%dma_start3A_213 : memref<2000xf32, #tpu.memory_space<vmem>>) target(%dma_start3A_211 : memref<2000xf32, #tpu.memory_space<vmem_shared>>) target_semaphore(%run_scoped3A : memref<!tpu.dma_semaphore, #tpu.memory_space<semaphore_mem>>)
      %dma_wait3A_214 = arith.constant 0 : i32
      %dma_wait3A_215 = tpu.memref_slice %arg8[%dma_wait3A_214] : memref<2000xf32, #tpu.memory_space<vmem>> -> memref<2000xf32, #tpu.memory_space<vmem>>
      %dma_wait3A_216 = tpu.memref_slice %arg19[%add3A_6] : memref<100096xf32, #tpu.memory_space<vmem_shared>> -> memref<2000xf32, #tpu.memory_space<vmem_shared>>
      %dma_wait3A_217 = tpu.memref_slice %arg19[%add3A_6] : memref<100096xf32, #tpu.memory_space<vmem_shared>> -> memref<2000xf32, #tpu.memory_space<vmem_shared>>
      %dma_wait3A_218 = arith.constant 0 : i32
      %dma_wait3A_219 = tpu.memref_slice %arg8[%dma_wait3A_218] : memref<2000xf32, #tpu.memory_space<vmem>> -> memref<2000xf32, #tpu.memory_space<vmem>>
      tpu.wait_dma2 semaphore(%run_scoped3A : memref<!tpu.dma_semaphore, #tpu.memory_space<semaphore_mem>>) src(%dma_wait3A_219 : memref<2000xf32, #tpu.memory_space<vmem>>) dst(%dma_wait3A_217 : memref<2000xf32, #tpu.memory_space<vmem_shared>>)
      tpu.yield
    }) : () -> ()
    %mul3A_7 = arith.constant 6256 : i32
    %mul3A_8 = arith.muli %arg1, %mul3A_7 : i32
    %add3A_9 = arith.constant 2000 : i32
    %add3A_10 = arith.addi %mul3A_8, %add3A_9 : i32
    "tpu.region"() ({
      %run_scoped3A = tpu.sem_alloc : memref<!tpu.dma_semaphore, #tpu.memory_space<semaphore_mem>>
      %dma_start3A_208 = arith.constant 0 : i32
      %dma_start3A_209 = tpu.memref_slice %arg8[%dma_start3A_208] : memref<2000xf32, #tpu.memory_space<vmem>> -> memref<2000xf32, #tpu.memory_space<vmem>>
      %dma_start3A_210 = tpu.memref_slice %arg19[%add3A_10] : memref<100096xf32, #tpu.memory_space<vmem_shared>> -> memref<2000xf32, #tpu.memory_space<vmem_shared>>
      %dma_start3A_211 = tpu.memref_slice %arg19[%add3A_10] : memref<100096xf32, #tpu.memory_space<vmem_shared>> -> memref<2000xf32, #tpu.memory_space<vmem_shared>>
      %dma_start3A_212 = arith.constant 0 : i32
      %dma_start3A_213 = tpu.memref_slice %arg8[%dma_start3A_212] : memref<2000xf32, #tpu.memory_space<vmem>> -> memref<2000xf32, #tpu.memory_space<vmem>>
      tpu.enqueue_dma source(%dma_start3A_213 : memref<2000xf32, #tpu.memory_space<vmem>>) target(%dma_start3A_211 : memref<2000xf32, #tpu.memory_space<vmem_shared>>) target_semaphore(%run_scoped3A : memref<!tpu.dma_semaphore, #tpu.memory_space<semaphore_mem>>)
      %dma_wait3A_214 = arith.constant 0 : i32
      %dma_wait3A_215 = tpu.memref_slice %arg8[%dma_wait3A_214] : memref<2000xf32, #tpu.memory_space<vmem>> -> memref<2000xf32, #tpu.memory_space<vmem>>
      %dma_wait3A_216 = tpu.memref_slice %arg19[%add3A_10] : memref<100096xf32, #tpu.memory_space<vmem_shared>> -> memref<2000xf32, #tpu.memory_space<vmem_shared>>
      %dma_wait3A_217 = tpu.memref_slice %arg19[%add3A_10] : memref<100096xf32, #tpu.memory_space<vmem_shared>> -> memref<2000xf32, #tpu.memory_space<vmem_shared>>
      %dma_wait3A_218 = arith.constant 0 : i32
      %dma_wait3A_219 = tpu.memref_slice %arg8[%dma_wait3A_218] : memref<2000xf32, #tpu.memory_space<vmem>> -> memref<2000xf32, #tpu.memory_space<vmem>>
      tpu.wait_dma2 semaphore(%run_scoped3A : memref<!tpu.dma_semaphore, #tpu.memory_space<semaphore_mem>>) src(%dma_wait3A_219 : memref<2000xf32, #tpu.memory_space<vmem>>) dst(%dma_wait3A_217 : memref<2000xf32, #tpu.memory_space<vmem_shared>>)
      tpu.yield
    }) : () -> ()
    %mul3A_11 = arith.constant 6256 : i32
    %mul3A_12 = arith.muli %arg1, %mul3A_11 : i32
    %add3A_13 = arith.constant 4000 : i32
    %add3A_14 = arith.addi %mul3A_12, %add3A_13 : i32
    "tpu.region"() ({
      %run_scoped3A = tpu.sem_alloc : memref<!tpu.dma_semaphore, #tpu.memory_space<semaphore_mem>>
      %dma_start3A_208 = arith.constant 0 : i32
      %dma_start3A_209 = tpu.memref_slice %arg8[%dma_start3A_208] : memref<2000xf32, #tpu.memory_space<vmem>> -> memref<2000xf32, #tpu.memory_space<vmem>>
      %dma_start3A_210 = tpu.memref_slice %arg19[%add3A_14] : memref<100096xf32, #tpu.memory_space<vmem_shared>> -> memref<2000xf32, #tpu.memory_space<vmem_shared>>
      %dma_start3A_211 = tpu.memref_slice %arg19[%add3A_14] : memref<100096xf32, #tpu.memory_space<vmem_shared>> -> memref<2000xf32, #tpu.memory_space<vmem_shared>>
      %dma_start3A_212 = arith.constant 0 : i32
      %dma_start3A_213 = tpu.memref_slice %arg8[%dma_start3A_212] : memref<2000xf32, #tpu.memory_space<vmem>> -> memref<2000xf32, #tpu.memory_space<vmem>>
      tpu.enqueue_dma source(%dma_start3A_213 : memref<2000xf32, #tpu.memory_space<vmem>>) target(%dma_start3A_211 : memref<2000xf32, #tpu.memory_space<vmem_shared>>) target_semaphore(%run_scoped3A : memref<!tpu.dma_semaphore, #tpu.memory_space<semaphore_mem>>)
      %dma_wait3A_214 = arith.constant 0 : i32
      %dma_wait3A_215 = tpu.memref_slice %arg8[%dma_wait3A_214] : memref<2000xf32, #tpu.memory_space<vmem>> -> memref<2000xf32, #tpu.memory_space<vmem>>
      %dma_wait3A_216 = tpu.memref_slice %arg19[%add3A_14] : memref<100096xf32, #tpu.memory_space<vmem_shared>> -> memref<2000xf32, #tpu.memory_space<vmem_shared>>
      %dma_wait3A_217 = tpu.memref_slice %arg19[%add3A_14] : memref<100096xf32, #tpu.memory_space<vmem_shared>> -> memref<2000xf32, #tpu.memory_space<vmem_shared>>
      %dma_wait3A_218 = arith.constant 0 : i32
      %dma_wait3A_219 = tpu.memref_slice %arg8[%dma_wait3A_218] : memref<2000xf32, #tpu.memory_space<vmem>> -> memref<2000xf32, #tpu.memory_space<vmem>>
      tpu.wait_dma2 semaphore(%run_scoped3A : memref<!tpu.dma_semaphore, #tpu.memory_space<semaphore_mem>>) src(%dma_wait3A_219 : memref<2000xf32, #tpu.memory_space<vmem>>) dst(%dma_wait3A_217 : memref<2000xf32, #tpu.memory_space<vmem_shared>>)
      tpu.yield
    }) : () -> ()
    %mul3A_15 = arith.constant 6256 : i32
    %mul3A_16 = arith.muli %arg1, %mul3A_15 : i32
    %add3A_17 = arith.constant 6000 : i32
    %add3A_18 = arith.addi %mul3A_16, %add3A_17 : i32
    "tpu.region"() ({
      %run_scoped3A = tpu.sem_alloc : memref<!tpu.dma_semaphore, #tpu.memory_space<semaphore_mem>>
      %dma_start3A_208 = arith.constant 0 : i32
      %dma_start3A_209 = tpu.memref_slice %arg8[%dma_start3A_208] : memref<2000xf32, #tpu.memory_space<vmem>> -> memref<256xf32, #tpu.memory_space<vmem>>
      %dma_start3A_210 = tpu.memref_slice %arg19[%add3A_18] : memref<100096xf32, #tpu.memory_space<vmem_shared>> -> memref<256xf32, #tpu.memory_space<vmem_shared>>
      %dma_start3A_211 = tpu.memref_slice %arg19[%add3A_18] : memref<100096xf32, #tpu.memory_space<vmem_shared>> -> memref<256xf32, #tpu.memory_space<vmem_shared>>
      %dma_start3A_212 = arith.constant 0 : i32
      %dma_start3A_213 = tpu.memref_slice %arg8[%dma_start3A_212] : memref<2000xf32, #tpu.memory_space<vmem>> -> memref<256xf32, #tpu.memory_space<vmem>>
      tpu.enqueue_dma source(%dma_start3A_213 : memref<256xf32, #tpu.memory_space<vmem>>) target(%dma_start3A_211 : memref<256xf32, #tpu.memory_space<vmem_shared>>) target_semaphore(%run_scoped3A : memref<!tpu.dma_semaphore, #tpu.memory_space<semaphore_mem>>)
      %dma_wait3A_214 = arith.constant 0 : i32
      %dma_wait3A_215 = tpu.memref_slice %arg8[%dma_wait3A_214] : memref<2000xf32, #tpu.memory_space<vmem>> -> memref<256xf32, #tpu.memory_space<vmem>>
      %dma_wait3A_216 = tpu.memref_slice %arg19[%add3A_18] : memref<100096xf32, #tpu.memory_space<vmem_shared>> -> memref<256xf32, #tpu.memory_space<vmem_shared>>
      %dma_wait3A_217 = tpu.memref_slice %arg19[%add3A_18] : memref<100096xf32, #tpu.memory_space<vmem_shared>> -> memref<256xf32, #tpu.memory_space<vmem_shared>>
      %dma_wait3A_218 = arith.constant 0 : i32
      %dma_wait3A_219 = tpu.memref_slice %arg8[%dma_wait3A_218] : memref<2000xf32, #tpu.memory_space<vmem>> -> memref<256xf32, #tpu.memory_space<vmem>>
      tpu.wait_dma2 semaphore(%run_scoped3A : memref<!tpu.dma_semaphore, #tpu.memory_space<semaphore_mem>>) src(%dma_wait3A_219 : memref<256xf32, #tpu.memory_space<vmem>>) dst(%dma_wait3A_217 : memref<256xf32, #tpu.memory_space<vmem_shared>>)
      tpu.yield
    }) : () -> ()
    %mul3A_19 = arith.constant 6256 : i32
    %mul3A_20 = arith.muli %arg1, %mul3A_19 : i32
    %add3A_21 = arith.constant 0 : i32
    %add3A_22 = arith.addi %mul3A_20, %add3A_21 : i32
    "tpu.region"() ({
      %run_scoped3A = tpu.sem_alloc : memref<!tpu.dma_semaphore, #tpu.memory_space<semaphore_mem>>
      %dma_start3A_208 = arith.constant 0 : i32
      %dma_start3A_209 = tpu.memref_slice %arg8[%dma_start3A_208] : memref<2000xf32, #tpu.memory_space<vmem>> -> memref<2000xf32, #tpu.memory_space<vmem>>
      %dma_start3A_210 = tpu.memref_slice %arg20[%add3A_22] : memref<100096xf32, #tpu.memory_space<vmem_shared>> -> memref<2000xf32, #tpu.memory_space<vmem_shared>>
      %dma_start3A_211 = tpu.memref_slice %arg20[%add3A_22] : memref<100096xf32, #tpu.memory_space<vmem_shared>> -> memref<2000xf32, #tpu.memory_space<vmem_shared>>
      %dma_start3A_212 = arith.constant 0 : i32
      %dma_start3A_213 = tpu.memref_slice %arg8[%dma_start3A_212] : memref<2000xf32, #tpu.memory_space<vmem>> -> memref<2000xf32, #tpu.memory_space<vmem>>
      tpu.enqueue_dma source(%dma_start3A_213 : memref<2000xf32, #tpu.memory_space<vmem>>) target(%dma_start3A_211 : memref<2000xf32, #tpu.memory_space<vmem_shared>>) target_semaphore(%run_scoped3A : memref<!tpu.dma_semaphore, #tpu.memory_space<semaphore_mem>>)
      %dma_wait3A_214 = arith.constant 0 : i32
      %dma_wait3A_215 = tpu.memref_slice %arg8[%dma_wait3A_214] : memref<2000xf32, #tpu.memory_space<vmem>> -> memref<2000xf32, #tpu.memory_space<vmem>>
      %dma_wait3A_216 = tpu.memref_slice %arg20[%add3A_22] : memref<100096xf32, #tpu.memory_space<vmem_shared>> -> memref<2000xf32, #tpu.memory_space<vmem_shared>>
      %dma_wait3A_217 = tpu.memref_slice %arg20[%add3A_22] : memref<100096xf32, #tpu.memory_space<vmem_shared>> -> memref<2000xf32, #tpu.memory_space<vmem_shared>>
      %dma_wait3A_218 = arith.constant 0 : i32
      %dma_wait3A_219 = tpu.memref_slice %arg8[%dma_wait3A_218] : memref<2000xf32, #tpu.memory_space<vmem>> -> memref<2000xf32, #tpu.memory_space<vmem>>
      tpu.wait_dma2 semaphore(%run_scoped3A : memref<!tpu.dma_semaphore, #tpu.memory_space<semaphore_mem>>) src(%dma_wait3A_219 : memref<2000xf32, #tpu.memory_space<vmem>>) dst(%dma_wait3A_217 : memref<2000xf32, #tpu.memory_space<vmem_shared>>)
      tpu.yield
    }) : () -> ()
    %mul3A_23 = arith.constant 6256 : i32
    %mul3A_24 = arith.muli %arg1, %mul3A_23 : i32
    %add3A_25 = arith.constant 2000 : i32
    %add3A_26 = arith.addi %mul3A_24, %add3A_25 : i32
    "tpu.region"() ({
      %run_scoped3A = tpu.sem_alloc : memref<!tpu.dma_semaphore, #tpu.memory_space<semaphore_mem>>
      %dma_start3A_208 = arith.constant 0 : i32
      %dma_start3A_209 = tpu.memref_slice %arg8[%dma_start3A_208] : memref<2000xf32, #tpu.memory_space<vmem>> -> memref<2000xf32, #tpu.memory_space<vmem>>
      %dma_start3A_210 = tpu.memref_slice %arg20[%add3A_26] : memref<100096xf32, #tpu.memory_space<vmem_shared>> -> memref<2000xf32, #tpu.memory_space<vmem_shared>>
      %dma_start3A_211 = tpu.memref_slice %arg20[%add3A_26] : memref<100096xf32, #tpu.memory_space<vmem_shared>> -> memref<2000xf32, #tpu.memory_space<vmem_shared>>
      %dma_start3A_212 = arith.constant 0 : i32
      %dma_start3A_213 = tpu.memref_slice %arg8[%dma_start3A_212] : memref<2000xf32, #tpu.memory_space<vmem>> -> memref<2000xf32, #tpu.memory_space<vmem>>
      tpu.enqueue_dma source(%dma_start3A_213 : memref<2000xf32, #tpu.memory_space<vmem>>) target(%dma_start3A_211 : memref<2000xf32, #tpu.memory_space<vmem_shared>>) target_semaphore(%run_scoped3A : memref<!tpu.dma_semaphore, #tpu.memory_space<semaphore_mem>>)
      %dma_wait3A_214 = arith.constant 0 : i32
      %dma_wait3A_215 = tpu.memref_slice %arg8[%dma_wait3A_214] : memref<2000xf32, #tpu.memory_space<vmem>> -> memref<2000xf32, #tpu.memory_space<vmem>>
      %dma_wait3A_216 = tpu.memref_slice %arg20[%add3A_26] : memref<100096xf32, #tpu.memory_space<vmem_shared>> -> memref<2000xf32, #tpu.memory_space<vmem_shared>>
      %dma_wait3A_217 = tpu.memref_slice %arg20[%add3A_26] : memref<100096xf32, #tpu.memory_space<vmem_shared>> -> memref<2000xf32, #tpu.memory_space<vmem_shared>>
      %dma_wait3A_218 = arith.constant 0 : i32
      %dma_wait3A_219 = tpu.memref_slice %arg8[%dma_wait3A_218] : memref<2000xf32, #tpu.memory_space<vmem>> -> memref<2000xf32, #tpu.memory_space<vmem>>
      tpu.wait_dma2 semaphore(%run_scoped3A : memref<!tpu.dma_semaphore, #tpu.memory_space<semaphore_mem>>) src(%dma_wait3A_219 : memref<2000xf32, #tpu.memory_space<vmem>>) dst(%dma_wait3A_217 : memref<2000xf32, #tpu.memory_space<vmem_shared>>)
      tpu.yield
    }) : () -> ()
    %mul3A_27 = arith.constant 6256 : i32
    %mul3A_28 = arith.muli %arg1, %mul3A_27 : i32
    %add3A_29 = arith.constant 4000 : i32
    %add3A_30 = arith.addi %mul3A_28, %add3A_29 : i32
    "tpu.region"() ({
      %run_scoped3A = tpu.sem_alloc : memref<!tpu.dma_semaphore, #tpu.memory_space<semaphore_mem>>
      %dma_start3A_208 = arith.constant 0 : i32
      %dma_start3A_209 = tpu.memref_slice %arg8[%dma_start3A_208] : memref<2000xf32, #tpu.memory_space<vmem>> -> memref<2000xf32, #tpu.memory_space<vmem>>
      %dma_start3A_210 = tpu.memref_slice %arg20[%add3A_30] : memref<100096xf32, #tpu.memory_space<vmem_shared>> -> memref<2000xf32, #tpu.memory_space<vmem_shared>>
      %dma_start3A_211 = tpu.memref_slice %arg20[%add3A_30] : memref<100096xf32, #tpu.memory_space<vmem_shared>> -> memref<2000xf32, #tpu.memory_space<vmem_shared>>
      %dma_start3A_212 = arith.constant 0 : i32
      %dma_start3A_213 = tpu.memref_slice %arg8[%dma_start3A_212] : memref<2000xf32, #tpu.memory_space<vmem>> -> memref<2000xf32, #tpu.memory_space<vmem>>
      tpu.enqueue_dma source(%dma_start3A_213 : memref<2000xf32, #tpu.memory_space<vmem>>) target(%dma_start3A_211 : memref<2000xf32, #tpu.memory_space<vmem_shared>>) target_semaphore(%run_scoped3A : memref<!tpu.dma_semaphore, #tpu.memory_space<semaphore_mem>>)
      %dma_wait3A_214 = arith.constant 0 : i32
      %dma_wait3A_215 = tpu.memref_slice %arg8[%dma_wait3A_214] : memref<2000xf32, #tpu.memory_space<vmem>> -> memref<2000xf32, #tpu.memory_space<vmem>>
      %dma_wait3A_216 = tpu.memref_slice %arg20[%add3A_30] : memref<100096xf32, #tpu.memory_space<vmem_shared>> -> memref<2000xf32, #tpu.memory_space<vmem_shared>>
      %dma_wait3A_217 = tpu.memref_slice %arg20[%add3A_30] : memref<100096xf32, #tpu.memory_space<vmem_shared>> -> memref<2000xf32, #tpu.memory_space<vmem_shared>>
      %dma_wait3A_218 = arith.constant 0 : i32
      %dma_wait3A_219 = tpu.memref_slice %arg8[%dma_wait3A_218] : memref<2000xf32, #tpu.memory_space<vmem>> -> memref<2000xf32, #tpu.memory_space<vmem>>
      tpu.wait_dma2 semaphore(%run_scoped3A : memref<!tpu.dma_semaphore, #tpu.memory_space<semaphore_mem>>) src(%dma_wait3A_219 : memref<2000xf32, #tpu.memory_space<vmem>>) dst(%dma_wait3A_217 : memref<2000xf32, #tpu.memory_space<vmem_shared>>)
      tpu.yield
    }) : () -> ()
    %mul3A_31 = arith.constant 6256 : i32
    %mul3A_32 = arith.muli %arg1, %mul3A_31 : i32
    %add3A_33 = arith.constant 6000 : i32
    %add3A_34 = arith.addi %mul3A_32, %add3A_33 : i32
    "tpu.region"() ({
      %run_scoped3A = tpu.sem_alloc : memref<!tpu.dma_semaphore, #tpu.memory_space<semaphore_mem>>
      %dma_start3A_208 = arith.constant 0 : i32
      %dma_start3A_209 = tpu.memref_slice %arg8[%dma_start3A_208] : memref<2000xf32, #tpu.memory_space<vmem>> -> memref<256xf32, #tpu.memory_space<vmem>>
      %dma_start3A_210 = tpu.memref_slice %arg20[%add3A_34] : memref<100096xf32, #tpu.memory_space<vmem_shared>> -> memref<256xf32, #tpu.memory_space<vmem_shared>>
      %dma_start3A_211 = tpu.memref_slice %arg20[%add3A_34] : memref<100096xf32, #tpu.memory_space<vmem_shared>> -> memref<256xf32, #tpu.memory_space<vmem_shared>>
      %dma_start3A_212 = arith.constant 0 : i32
      %dma_start3A_213 = tpu.memref_slice %arg8[%dma_start3A_212] : memref<2000xf32, #tpu.memory_space<vmem>> -> memref<256xf32, #tpu.memory_space<vmem>>
      tpu.enqueue_dma source(%dma_start3A_213 : memref<256xf32, #tpu.memory_space<vmem>>) target(%dma_start3A_211 : memref<256xf32, #tpu.memory_space<vmem_shared>>) target_semaphore(%run_scoped3A : memref<!tpu.dma_semaphore, #tpu.memory_space<semaphore_mem>>)
      %dma_wait3A_214 = arith.constant 0 : i32
      %dma_wait3A_215 = tpu.memref_slice %arg8[%dma_wait3A_214] : memref<2000xf32, #tpu.memory_space<vmem>> -> memref<256xf32, #tpu.memory_space<vmem>>
      %dma_wait3A_216 = tpu.memref_slice %arg20[%add3A_34] : memref<100096xf32, #tpu.memory_space<vmem_shared>> -> memref<256xf32, #tpu.memory_space<vmem_shared>>
      %dma_wait3A_217 = tpu.memref_slice %arg20[%add3A_34] : memref<100096xf32, #tpu.memory_space<vmem_shared>> -> memref<256xf32, #tpu.memory_space<vmem_shared>>
      %dma_wait3A_218 = arith.constant 0 : i32
      %dma_wait3A_219 = tpu.memref_slice %arg8[%dma_wait3A_218] : memref<2000xf32, #tpu.memory_space<vmem>> -> memref<256xf32, #tpu.memory_space<vmem>>
      tpu.wait_dma2 semaphore(%run_scoped3A : memref<!tpu.dma_semaphore, #tpu.memory_space<semaphore_mem>>) src(%dma_wait3A_219 : memref<256xf32, #tpu.memory_space<vmem>>) dst(%dma_wait3A_217 : memref<256xf32, #tpu.memory_space<vmem_shared>>)
      tpu.yield
    }) : () -> ()
    %barrier3A = arith.constant 0 : index
    tpu.barrier barrier_id(%barrier3A)
    %mul3A_35 = arith.constant 2 : i32
    %mul3A_36 = arith.muli %arg1, %mul3A_35 : i32
    %add3A_37 = arith.addi %mul3A_36, %arg0 : i32
    %mul3A_38 = arith.constant 200000 : i32
    %mul3A_39 = arith.muli %add3A_37, %mul3A_38 : i32
    %broadcast_in_dim3A_40 = arith.constant -65536 : i32
    %broadcast_in_dim3A_41 = vector.broadcast %broadcast_in_dim3A_40 : i32 to vector<16xi32>
    %add3A_42 = arith.constant 0 : i32
    %add3A_43 = arith.addi %mul3A_39, %add3A_42 : i32
    %dma_start3A = tpu.memref_slice %arg3[%add3A_43] : memref<6400000xi32, #tpu.memory_space<hbm>> -> memref<2000xi32, #tpu.memory_space<hbm>>
    %dma_start3A_44 = tpu.memref_slice %arg3[%add3A_43] : memref<6400000xi32, #tpu.memory_space<hbm>> -> memref<2000xi32, #tpu.memory_space<hbm>>
    tpu.enqueue_dma source(%dma_start3A_44 : memref<2000xi32, #tpu.memory_space<hbm>>) target(%arg6 : memref<2000xi32, #tpu.memory_space<vmem>>) target_semaphore(%arg10 : memref<!tpu.dma_semaphore, #tpu.memory_space<semaphore_mem>>)
    %add3A_45 = arith.constant 0 : i32
    %add3A_46 = arith.addi %mul3A_39, %add3A_45 : i32
    %dma_start3A_47 = tpu.memref_slice %arg4[%add3A_46] : memref<6400000xi32, #tpu.memory_space<hbm>> -> memref<2000xi32, #tpu.memory_space<hbm>>
    %dma_start3A_48 = tpu.memref_slice %arg4[%add3A_46] : memref<6400000xi32, #tpu.memory_space<hbm>> -> memref<2000xi32, #tpu.memory_space<hbm>>
    tpu.enqueue_dma source(%dma_start3A_48 : memref<2000xi32, #tpu.memory_space<hbm>>) target(%arg7 : memref<2000xi32, #tpu.memory_space<vmem>>) target_semaphore(%arg10 : memref<!tpu.dma_semaphore, #tpu.memory_space<semaphore_mem>>)
    %add3A_49 = arith.constant 2000 : i32
    %add3A_50 = arith.addi %mul3A_39, %add3A_49 : i32
    %dma_start3A_51 = tpu.memref_slice %arg3[%add3A_50] : memref<6400000xi32, #tpu.memory_space<hbm>> -> memref<2000xi32, #tpu.memory_space<hbm>>
    %dma_start3A_52 = tpu.memref_slice %arg3[%add3A_50] : memref<6400000xi32, #tpu.memory_space<hbm>> -> memref<2000xi32, #tpu.memory_space<hbm>>
    tpu.enqueue_dma source(%dma_start3A_52 : memref<2000xi32, #tpu.memory_space<hbm>>) target(%arg12 : memref<2000xi32, #tpu.memory_space<vmem>>) target_semaphore(%arg16 : memref<!tpu.dma_semaphore, #tpu.memory_space<semaphore_mem>>)
    %add3A_53 = arith.constant 2000 : i32
    %add3A_54 = arith.addi %mul3A_39, %add3A_53 : i32
    %dma_start3A_55 = tpu.memref_slice %arg4[%add3A_54] : memref<6400000xi32, #tpu.memory_space<hbm>> -> memref<2000xi32, #tpu.memory_space<hbm>>
    %dma_start3A_56 = tpu.memref_slice %arg4[%add3A_54] : memref<6400000xi32, #tpu.memory_space<hbm>> -> memref<2000xi32, #tpu.memory_space<hbm>>
    tpu.enqueue_dma source(%dma_start3A_56 : memref<2000xi32, #tpu.memory_space<hbm>>) target(%arg13 : memref<2000xi32, #tpu.memory_space<vmem>>) target_semaphore(%arg16 : memref<!tpu.dma_semaphore, #tpu.memory_space<semaphore_mem>>)
    %scan3A_57 = arith.constant 0 : i32
    %scan3A_58 = arith.constant 49 : i32
    %scan3A_59 = arith.addi %scan3A_57, %scan3A_58 : i32
    %scan3A_60 = arith.constant 1 : i32
    scf.for %scan3A_208 = %scan3A_57 to %scan3A_59 step %scan3A_60  : i32 {
      %mul3A_209 = arith.constant 2 : i32
      %mul3A_210 = arith.muli %mul3A_209, %scan3A_208 : i32
      %mul3A_211 = arith.constant 2000 : i32
      %mul3A_212 = arith.muli %mul3A_210, %mul3A_211 : i32
      %add3A_213 = arith.addi %mul3A_39, %mul3A_212 : i32
      %dma_wait3A_214 = tpu.memref_slice %arg3[%add3A_213] : memref<6400000xi32, #tpu.memory_space<hbm>> -> memref<2000xi32, #tpu.memory_space<hbm>>
      %dma_wait3A_215 = tpu.memref_slice %arg3[%add3A_213] : memref<6400000xi32, #tpu.memory_space<hbm>> -> memref<2000xi32, #tpu.memory_space<hbm>>
      tpu.wait_dma2 semaphore(%arg10 : memref<!tpu.dma_semaphore, #tpu.memory_space<semaphore_mem>>) src(%dma_wait3A_215 : memref<2000xi32, #tpu.memory_space<hbm>>) dst(%arg6 : memref<2000xi32, #tpu.memory_space<vmem>>)
      %mul3A_216 = arith.constant 2000 : i32
      %mul3A_217 = arith.muli %mul3A_210, %mul3A_216 : i32
      %add3A_218 = arith.addi %mul3A_39, %mul3A_217 : i32
      %dma_wait3A_219 = tpu.memref_slice %arg4[%add3A_218] : memref<6400000xi32, #tpu.memory_space<hbm>> -> memref<2000xi32, #tpu.memory_space<hbm>>
      %dma_wait3A_220 = tpu.memref_slice %arg4[%add3A_218] : memref<6400000xi32, #tpu.memory_space<hbm>> -> memref<2000xi32, #tpu.memory_space<hbm>>
      tpu.wait_dma2 semaphore(%arg10 : memref<!tpu.dma_semaphore, #tpu.memory_space<semaphore_mem>>) src(%dma_wait3A_220 : memref<2000xi32, #tpu.memory_space<hbm>>) dst(%arg7 : memref<2000xi32, #tpu.memory_space<vmem>>)
      %scan3A_221 = arith.constant 0 : i32
      %scan3A_222 = arith.constant 125 : i32
      %scan3A_223 = arith.addi %scan3A_221, %scan3A_222 : i32
      %scan3A_224 = arith.constant 1 : i32
      scf.for %scan3A_283 = %scan3A_221 to %scan3A_223 step %scan3A_224  : i32 {
        %mul3A_284 = arith.constant 16 : i32
        %mul3A_285 = arith.muli %scan3A_283, %mul3A_284 : i32
        %get3A = arith.index_cast %mul3A_285 : i32 to index
        %get3A_286 = tpu.vector_load %arg6[%get3A] {strides = array<i32>} : memref<2000xi32, #tpu.memory_space<vmem>>, vector<16xi32>,
        %gather3A = tpu.vector_load_idx %arg18[%get3A_286] : memref<100096xi32, #tpu.memory_space<vmem>>[vector<16xi32>], vector<16xi32>,
        %broadcast_in_dim3A_287 = arith.constant 16 : i32
        %broadcast_in_dim3A_288 = vector.broadcast %broadcast_in_dim3A_287 : i32 to vector<16xi32>
        %shift_left3A = arith.shli %gather3A, %broadcast_in_dim3A_288 : vector<16xi32>
        %bitcast3A = vector.bitcast %shift_left3A : vector<16xi32> to vector<16xf32>
        %swap3A = arith.index_cast %mul3A_285 : i32 to index
        %swap3A_289 = tpu.vector_load %arg8[%swap3A] {strides = array<i32>} : memref<2000xf32, #tpu.memory_space<vmem>>, vector<16xf32>,
        %swap3A_290 = vector.shape_cast %swap3A_289 : vector<16xf32> to vector<16xf32>
        %swap3A_291 = vector.shape_cast %bitcast3A : vector<16xf32> to vector<16xf32>
        tpu.vector_store %arg8[%swap3A], %swap3A_291 {strides = array<i32>} : memref<2000xf32, #tpu.memory_space<vmem>>, vector<16xf32>,
        %and3A = arith.andi %gather3A, %broadcast_in_dim3A_41 : vector<16xi32>
        %bitcast3A_292 = vector.bitcast %and3A : vector<16xi32> to vector<16xf32>
        %swap3A_293 = arith.index_cast %mul3A_285 : i32 to index
        %swap3A_294 = tpu.vector_load %arg9[%swap3A_293] {strides = array<i32>} : memref<2000xf32, #tpu.memory_space<vmem>>, vector<16xf32>,
        %swap3A_295 = vector.shape_cast %swap3A_294 : vector<16xf32> to vector<16xf32>
        %swap3A_296 = vector.shape_cast %bitcast3A_292 : vector<16xf32> to vector<16xf32>
        tpu.vector_store %arg9[%swap3A_293], %swap3A_296 {strides = array<i32>} : memref<2000xf32, #tpu.memory_space<vmem>>, vector<16xf32>,
      }
      %scan3A_225 = arith.constant 125 : i32
      %dma_start3A_226 = arith.constant 0 : i32
      %dma_start3A_227 = tpu.memref_slice %arg19[%dma_start3A_226] : memref<100096xf32, #tpu.memory_space<vmem_shared>> -> memref<100096xf32, #tpu.memory_space<vmem_shared>>
      tpu.enqueue_indirect_dma source(%arg8 : memref<2000xf32, #tpu.memory_space<vmem>>) target(%dma_start3A_227 : memref<100096xf32, #tpu.memory_space<vmem_shared>>) offsets(%arg7 : memref<2000xi32, #tpu.memory_space<vmem>>) semaphore(%arg11 : memref<!tpu.dma_semaphore, #tpu.memory_space<semaphore_mem>>) {add = true}
      %dma_start3A_228 = arith.constant 0 : i32
      %dma_start3A_229 = tpu.memref_slice %arg20[%dma_start3A_228] : memref<100096xf32, #tpu.memory_space<vmem_shared>> -> memref<100096xf32, #tpu.memory_space<vmem_shared>>
      tpu.enqueue_indirect_dma source(%arg9 : memref<2000xf32, #tpu.memory_space<vmem>>) target(%dma_start3A_229 : memref<100096xf32, #tpu.memory_space<vmem_shared>>) offsets(%arg7 : memref<2000xi32, #tpu.memory_space<vmem>>) semaphore(%arg11 : memref<!tpu.dma_semaphore, #tpu.memory_space<semaphore_mem>>) {add = true}
      %add3A_230 = arith.constant 1 : i32
      %add3A_231 = arith.addi %mul3A_210, %add3A_230 : i32
      %mul3A_232 = arith.constant 2000 : i32
      %mul3A_233 = arith.muli %add3A_231, %mul3A_232 : i32
      %add3A_234 = arith.addi %mul3A_39, %mul3A_233 : i32
      %dma_wait3A_235 = tpu.memref_slice %arg3[%add3A_234] : memref<6400000xi32, #tpu.memory_space<hbm>> -> memref<2000xi32, #tpu.memory_space<hbm>>
      %dma_wait3A_236 = tpu.memref_slice %arg3[%add3A_234] : memref<6400000xi32, #tpu.memory_space<hbm>> -> memref<2000xi32, #tpu.memory_space<hbm>>
      tpu.wait_dma2 semaphore(%arg16 : memref<!tpu.dma_semaphore, #tpu.memory_space<semaphore_mem>>) src(%dma_wait3A_236 : memref<2000xi32, #tpu.memory_space<hbm>>) dst(%arg12 : memref<2000xi32, #tpu.memory_space<vmem>>)
      %mul3A_237 = arith.constant 2000 : i32
      %mul3A_238 = arith.muli %add3A_231, %mul3A_237 : i32
      %add3A_239 = arith.addi %mul3A_39, %mul3A_238 : i32
      %dma_wait3A_240 = tpu.memref_slice %arg4[%add3A_239] : memref<6400000xi32, #tpu.memory_space<hbm>> -> memref<2000xi32, #tpu.memory_space<hbm>>
      %dma_wait3A_241 = tpu.memref_slice %arg4[%add3A_239] : memref<6400000xi32, #tpu.memory_space<hbm>> -> memref<2000xi32, #tpu.memory_space<hbm>>
      tpu.wait_dma2 semaphore(%arg16 : memref<!tpu.dma_semaphore, #tpu.memory_space<semaphore_mem>>) src(%dma_wait3A_241 : memref<2000xi32, #tpu.memory_space<hbm>>) dst(%arg13 : memref<2000xi32, #tpu.memory_space<vmem>>)
      %scan3A_242 = arith.constant 0 : i32
      %scan3A_243 = arith.constant 125 : i32
      %scan3A_244 = arith.addi %scan3A_242, %scan3A_243 : i32
      %scan3A_245 = arith.constant 1 : i32
      scf.for %scan3A_283 = %scan3A_242 to %scan3A_244 step %scan3A_245  : i32 {
        %mul3A_284 = arith.constant 16 : i32
        %mul3A_285 = arith.muli %scan3A_283, %mul3A_284 : i32
        %get3A = arith.index_cast %mul3A_285 : i32 to index
        %get3A_286 = tpu.vector_load %arg12[%get3A] {strides = array<i32>} : memref<2000xi32, #tpu.memory_space<vmem>>, vector<16xi32>,
        %gather3A = tpu.vector_load_idx %arg18[%get3A_286] : memref<100096xi32, #tpu.memory_space<vmem>>[vector<16xi32>], vector<16xi32>,
        %broadcast_in_dim3A_287 = arith.constant 16 : i32
        %broadcast_in_dim3A_288 = vector.broadcast %broadcast_in_dim3A_287 : i32 to vector<16xi32>
        %shift_left3A = arith.shli %gather3A, %broadcast_in_dim3A_288 : vector<16xi32>
        %bitcast3A = vector.bitcast %shift_left3A : vector<16xi32> to vector<16xf32>
        %swap3A = arith.index_cast %mul3A_285 : i32 to index
        %swap3A_289 = tpu.vector_load %arg14[%swap3A] {strides = array<i32>} : memref<2000xf32, #tpu.memory_space<vmem>>, vector<16xf32>,
        %swap3A_290 = vector.shape_cast %swap3A_289 : vector<16xf32> to vector<16xf32>
        %swap3A_291 = vector.shape_cast %bitcast3A : vector<16xf32> to vector<16xf32>
        tpu.vector_store %arg14[%swap3A], %swap3A_291 {strides = array<i32>} : memref<2000xf32, #tpu.memory_space<vmem>>, vector<16xf32>,
        %and3A = arith.andi %gather3A, %broadcast_in_dim3A_41 : vector<16xi32>
        %bitcast3A_292 = vector.bitcast %and3A : vector<16xi32> to vector<16xf32>
        %swap3A_293 = arith.index_cast %mul3A_285 : i32 to index
        %swap3A_294 = tpu.vector_load %arg15[%swap3A_293] {strides = array<i32>} : memref<2000xf32, #tpu.memory_space<vmem>>, vector<16xf32>,
        %swap3A_295 = vector.shape_cast %swap3A_294 : vector<16xf32> to vector<16xf32>
        %swap3A_296 = vector.shape_cast %bitcast3A_292 : vector<16xf32> to vector<16xf32>
        tpu.vector_store %arg15[%swap3A_293], %swap3A_296 {strides = array<i32>} : memref<2000xf32, #tpu.memory_space<vmem>>, vector<16xf32>,
      }
      %scan3A_246 = arith.constant 125 : i32
      %dma_start3A_247 = arith.constant 0 : i32
      %dma_start3A_248 = tpu.memref_slice %arg19[%dma_start3A_247] : memref<100096xf32, #tpu.memory_space<vmem_shared>> -> memref<100096xf32, #tpu.memory_space<vmem_shared>>
      tpu.enqueue_indirect_dma source(%arg14 : memref<2000xf32, #tpu.memory_space<vmem>>) target(%dma_start3A_248 : memref<100096xf32, #tpu.memory_space<vmem_shared>>) offsets(%arg13 : memref<2000xi32, #tpu.memory_space<vmem>>) semaphore(%arg17 : memref<!tpu.dma_semaphore, #tpu.memory_space<semaphore_mem>>) {add = true}
      %dma_start3A_249 = arith.constant 0 : i32
      %dma_start3A_250 = tpu.memref_slice %arg20[%dma_start3A_249] : memref<100096xf32, #tpu.memory_space<vmem_shared>> -> memref<100096xf32, #tpu.memory_space<vmem_shared>>
      tpu.enqueue_indirect_dma source(%arg15 : memref<2000xf32, #tpu.memory_space<vmem>>) target(%dma_start3A_250 : memref<100096xf32, #tpu.memory_space<vmem_shared>>) offsets(%arg13 : memref<2000xi32, #tpu.memory_space<vmem>>) semaphore(%arg17 : memref<!tpu.dma_semaphore, #tpu.memory_space<semaphore_mem>>) {add = true}
      %dma_wait3A_251 = arith.constant 0 : i32
      %dma_wait3A_252 = tpu.memref_slice %arg19[%dma_wait3A_251] : memref<100096xf32, #tpu.memory_space<vmem_shared>> -> memref<100096xf32, #tpu.memory_space<vmem_shared>>
      tpu.wait_indirect_dma semaphore(%arg11 : memref<!tpu.dma_semaphore, #tpu.memory_space<semaphore_mem>>) src(%arg8 : memref<2000xf32, #tpu.memory_space<vmem>>) dst(%dma_wait3A_252 : memref<100096xf32, #tpu.memory_space<vmem_shared>>)
      %dma_wait3A_253 = arith.constant 0 : i32
      %dma_wait3A_254 = tpu.memref_slice %arg20[%dma_wait3A_253] : memref<100096xf32, #tpu.memory_space<vmem_shared>> -> memref<100096xf32, #tpu.memory_space<vmem_shared>>
      tpu.wait_indirect_dma semaphore(%arg11 : memref<!tpu.dma_semaphore, #tpu.memory_space<semaphore_mem>>) src(%arg9 : memref<2000xf32, #tpu.memory_space<vmem>>) dst(%dma_wait3A_254 : memref<100096xf32, #tpu.memory_space<vmem_shared>>)
      %add3A_255 = arith.constant 2 : i32
      %add3A_256 = arith.addi %mul3A_210, %add3A_255 : i32
      %mul3A_257 = arith.constant 2000 : i32
      %mul3A_258 = arith.muli %add3A_256, %mul3A_257 : i32
      %add3A_259 = arith.addi %mul3A_39, %mul3A_258 : i32
      %dma_start3A_260 = tpu.memref_slice %arg3[%add3A_259] : memref<6400000xi32, #tpu.memory_space<hbm>> -> memref<2000xi32, #tpu.memory_space<hbm>>
      %dma_start3A_261 = tpu.memref_slice %arg3[%add3A_259] : memref<6400000xi32, #tpu.memory_space<hbm>> -> memref<2000xi32, #tpu.memory_space<hbm>>
      tpu.enqueue_dma source(%dma_start3A_261 : memref<2000xi32, #tpu.memory_space<hbm>>) target(%arg6 : memref<2000xi32, #tpu.memory_space<vmem>>) target_semaphore(%arg10 : memref<!tpu.dma_semaphore, #tpu.memory_space<semaphore_mem>>)
      %mul3A_262 = arith.constant 2000 : i32
      %mul3A_263 = arith.muli %add3A_256, %mul3A_262 : i32
      %add3A_264 = arith.addi %mul3A_39, %mul3A_263 : i32
      %dma_start3A_265 = tpu.memref_slice %arg4[%add3A_264] : memref<6400000xi32, #tpu.memory_space<hbm>> -> memref<2000xi32, #tpu.memory_space<hbm>>
      %dma_start3A_266 = tpu.memref_slice %arg4[%add3A_264] : memref<6400000xi32, #tpu.memory_space<hbm>> -> memref<2000xi32, #tpu.memory_space<hbm>>
      tpu.enqueue_dma source(%dma_start3A_266 : memref<2000xi32, #tpu.memory_space<hbm>>) target(%arg7 : memref<2000xi32, #tpu.memory_space<vmem>>) target_semaphore(%arg10 : memref<!tpu.dma_semaphore, #tpu.memory_space<semaphore_mem>>)
      %dma_wait3A_267 = arith.constant 0 : i32
      %dma_wait3A_268 = tpu.memref_slice %arg19[%dma_wait3A_267] : memref<100096xf32, #tpu.memory_space<vmem_shared>> -> memref<100096xf32, #tpu.memory_space<vmem_shared>>
      tpu.wait_indirect_dma semaphore(%arg17 : memref<!tpu.dma_semaphore, #tpu.memory_space<semaphore_mem>>) src(%arg14 : memref<2000xf32, #tpu.memory_space<vmem>>) dst(%dma_wait3A_268 : memref<100096xf32, #tpu.memory_space<vmem_shared>>)
      %dma_wait3A_269 = arith.constant 0 : i32
      %dma_wait3A_270 = tpu.memref_slice %arg20[%dma_wait3A_269] : memref<100096xf32, #tpu.memory_space<vmem_shared>> -> memref<100096xf32, #tpu.memory_space<vmem_shared>>
      tpu.wait_indirect_dma semaphore(%arg17 : memref<!tpu.dma_semaphore, #tpu.memory_space<semaphore_mem>>) src(%arg15 : memref<2000xf32, #tpu.memory_space<vmem>>) dst(%dma_wait3A_270 : memref<100096xf32, #tpu.memory_space<vmem_shared>>)
      %add3A_271 = arith.constant 3 : i32
      %add3A_272 = arith.addi %mul3A_210, %add3A_271 : i32
      %mul3A_273 = arith.constant 2000 : i32
      %mul3A_274 = arith.muli %add3A_272, %mul3A_273 : i32
      %add3A_275 = arith.addi %mul3A_39, %mul3A_274 : i32
      %dma_start3A_276 = tpu.memref_slice %arg3[%add3A_275] : memref<6400000xi32, #tpu.memory_space<hbm>> -> memref<2000xi32, #tpu.memory_space<hbm>>
      %dma_start3A_277 = tpu.memref_slice %arg3[%add3A_275] : memref<6400000xi32, #tpu.memory_space<hbm>> -> memref<2000xi32, #tpu.memory_space<hbm>>
      tpu.enqueue_dma source(%dma_start3A_277 : memref<2000xi32, #tpu.memory_space<hbm>>) target(%arg12 : memref<2000xi32, #tpu.memory_space<vmem>>) target_semaphore(%arg16 : memref<!tpu.dma_semaphore, #tpu.memory_space<semaphore_mem>>)
      %mul3A_278 = arith.constant 2000 : i32
      %mul3A_279 = arith.muli %add3A_272, %mul3A_278 : i32
      %add3A_280 = arith.addi %mul3A_39, %mul3A_279 : i32
      %dma_start3A_281 = tpu.memref_slice %arg4[%add3A_280] : memref<6400000xi32, #tpu.memory_space<hbm>> -> memref<2000xi32, #tpu.memory_space<hbm>>
      %dma_start3A_282 = tpu.memref_slice %arg4[%add3A_280] : memref<6400000xi32, #tpu.memory_space<hbm>> -> memref<2000xi32, #tpu.memory_space<hbm>>
      tpu.enqueue_dma source(%dma_start3A_282 : memref<2000xi32, #tpu.memory_space<hbm>>) target(%arg13 : memref<2000xi32, #tpu.memory_space<vmem>>) target_semaphore(%arg16 : memref<!tpu.dma_semaphore, #tpu.memory_space<semaphore_mem>>)
    }
    %scan3A_61 = arith.constant 49 : i32
    %add3A_62 = arith.constant 196000 : i32
    %add3A_63 = arith.addi %mul3A_39, %add3A_62 : i32
    %dma_wait3A = tpu.memref_slice %arg3[%add3A_63] : memref<6400000xi32, #tpu.memory_space<hbm>> -> memref<2000xi32, #tpu.memory_space<hbm>>
    %dma_wait3A_64 = tpu.memref_slice %arg3[%add3A_63] : memref<6400000xi32, #tpu.memory_space<hbm>> -> memref<2000xi32, #tpu.memory_space<hbm>>
    tpu.wait_dma2 semaphore(%arg10 : memref<!tpu.dma_semaphore, #tpu.memory_space<semaphore_mem>>) src(%dma_wait3A_64 : memref<2000xi32, #tpu.memory_space<hbm>>) dst(%arg6 : memref<2000xi32, #tpu.memory_space<vmem>>)
    %add3A_65 = arith.constant 196000 : i32
    %add3A_66 = arith.addi %mul3A_39, %add3A_65 : i32
    %dma_wait3A_67 = tpu.memref_slice %arg4[%add3A_66] : memref<6400000xi32, #tpu.memory_space<hbm>> -> memref<2000xi32, #tpu.memory_space<hbm>>
    %dma_wait3A_68 = tpu.memref_slice %arg4[%add3A_66] : memref<6400000xi32, #tpu.memory_space<hbm>> -> memref<2000xi32, #tpu.memory_space<hbm>>
    tpu.wait_dma2 semaphore(%arg10 : memref<!tpu.dma_semaphore, #tpu.memory_space<semaphore_mem>>) src(%dma_wait3A_68 : memref<2000xi32, #tpu.memory_space<hbm>>) dst(%arg7 : memref<2000xi32, #tpu.memory_space<vmem>>)
    %scan3A_69 = arith.constant 0 : i32
    %scan3A_70 = arith.constant 125 : i32
    %scan3A_71 = arith.addi %scan3A_69, %scan3A_70 : i32
    %scan3A_72 = arith.constant 1 : i32
    scf.for %scan3A_208 = %scan3A_69 to %scan3A_71 step %scan3A_72  : i32 {
      %mul3A_209 = arith.constant 16 : i32
      %mul3A_210 = arith.muli %scan3A_208, %mul3A_209 : i32
      %get3A = arith.index_cast %mul3A_210 : i32 to index
      %get3A_211 = tpu.vector_load %arg6[%get3A] {strides = array<i32>} : memref<2000xi32, #tpu.memory_space<vmem>>, vector<16xi32>,
      %gather3A = tpu.vector_load_idx %arg18[%get3A_211] : memref<100096xi32, #tpu.memory_space<vmem>>[vector<16xi32>], vector<16xi32>,
      %broadcast_in_dim3A_212 = arith.constant 16 : i32
      %broadcast_in_dim3A_213 = vector.broadcast %broadcast_in_dim3A_212 : i32 to vector<16xi32>
      %shift_left3A = arith.shli %gather3A, %broadcast_in_dim3A_213 : vector<16xi32>
      %bitcast3A = vector.bitcast %shift_left3A : vector<16xi32> to vector<16xf32>
      %swap3A = arith.index_cast %mul3A_210 : i32 to index
      %swap3A_214 = tpu.vector_load %arg8[%swap3A] {strides = array<i32>} : memref<2000xf32, #tpu.memory_space<vmem>>, vector<16xf32>,
      %swap3A_215 = vector.shape_cast %swap3A_214 : vector<16xf32> to vector<16xf32>
      %swap3A_216 = vector.shape_cast %bitcast3A : vector<16xf32> to vector<16xf32>
      tpu.vector_store %arg8[%swap3A], %swap3A_216 {strides = array<i32>} : memref<2000xf32, #tpu.memory_space<vmem>>, vector<16xf32>,
      %and3A = arith.andi %gather3A, %broadcast_in_dim3A_41 : vector<16xi32>
      %bitcast3A_217 = vector.bitcast %and3A : vector<16xi32> to vector<16xf32>
      %swap3A_218 = arith.index_cast %mul3A_210 : i32 to index
      %swap3A_219 = tpu.vector_load %arg9[%swap3A_218] {strides = array<i32>} : memref<2000xf32, #tpu.memory_space<vmem>>, vector<16xf32>,
      %swap3A_220 = vector.shape_cast %swap3A_219 : vector<16xf32> to vector<16xf32>
      %swap3A_221 = vector.shape_cast %bitcast3A_217 : vector<16xf32> to vector<16xf32>
      tpu.vector_store %arg9[%swap3A_218], %swap3A_221 {strides = array<i32>} : memref<2000xf32, #tpu.memory_space<vmem>>, vector<16xf32>,
    }
    %scan3A_73 = arith.constant 125 : i32
    %dma_start3A_74 = arith.constant 0 : i32
    %dma_start3A_75 = tpu.memref_slice %arg19[%dma_start3A_74] : memref<100096xf32, #tpu.memory_space<vmem_shared>> -> memref<100096xf32, #tpu.memory_space<vmem_shared>>
    tpu.enqueue_indirect_dma source(%arg8 : memref<2000xf32, #tpu.memory_space<vmem>>) target(%dma_start3A_75 : memref<100096xf32, #tpu.memory_space<vmem_shared>>) offsets(%arg7 : memref<2000xi32, #tpu.memory_space<vmem>>) semaphore(%arg11 : memref<!tpu.dma_semaphore, #tpu.memory_space<semaphore_mem>>) {add = true}
    %dma_start3A_76 = arith.constant 0 : i32
    %dma_start3A_77 = tpu.memref_slice %arg20[%dma_start3A_76] : memref<100096xf32, #tpu.memory_space<vmem_shared>> -> memref<100096xf32, #tpu.memory_space<vmem_shared>>
    tpu.enqueue_indirect_dma source(%arg9 : memref<2000xf32, #tpu.memory_space<vmem>>) target(%dma_start3A_77 : memref<100096xf32, #tpu.memory_space<vmem_shared>>) offsets(%arg7 : memref<2000xi32, #tpu.memory_space<vmem>>) semaphore(%arg11 : memref<!tpu.dma_semaphore, #tpu.memory_space<semaphore_mem>>) {add = true}
    %add3A_78 = arith.constant 198000 : i32
    %add3A_79 = arith.addi %mul3A_39, %add3A_78 : i32
    %dma_wait3A_80 = tpu.memref_slice %arg3[%add3A_79] : memref<6400000xi32, #tpu.memory_space<hbm>> -> memref<2000xi32, #tpu.memory_space<hbm>>
    %dma_wait3A_81 = tpu.memref_slice %arg3[%add3A_79] : memref<6400000xi32, #tpu.memory_space<hbm>> -> memref<2000xi32, #tpu.memory_space<hbm>>
    tpu.wait_dma2 semaphore(%arg16 : memref<!tpu.dma_semaphore, #tpu.memory_space<semaphore_mem>>) src(%dma_wait3A_81 : memref<2000xi32, #tpu.memory_space<hbm>>) dst(%arg12 : memref<2000xi32, #tpu.memory_space<vmem>>)
    %add3A_82 = arith.constant 198000 : i32
    %add3A_83 = arith.addi %mul3A_39, %add3A_82 : i32
    %dma_wait3A_84 = tpu.memref_slice %arg4[%add3A_83] : memref<6400000xi32, #tpu.memory_space<hbm>> -> memref<2000xi32, #tpu.memory_space<hbm>>
    %dma_wait3A_85 = tpu.memref_slice %arg4[%add3A_83] : memref<6400000xi32, #tpu.memory_space<hbm>> -> memref<2000xi32, #tpu.memory_space<hbm>>
    tpu.wait_dma2 semaphore(%arg16 : memref<!tpu.dma_semaphore, #tpu.memory_space<semaphore_mem>>) src(%dma_wait3A_85 : memref<2000xi32, #tpu.memory_space<hbm>>) dst(%arg13 : memref<2000xi32, #tpu.memory_space<vmem>>)
    %scan3A_86 = arith.constant 0 : i32
    %scan3A_87 = arith.constant 125 : i32
    %scan3A_88 = arith.addi %scan3A_86, %scan3A_87 : i32
    %scan3A_89 = arith.constant 1 : i32
    scf.for %scan3A_208 = %scan3A_86 to %scan3A_88 step %scan3A_89  : i32 {
      %mul3A_209 = arith.constant 16 : i32
      %mul3A_210 = arith.muli %scan3A_208, %mul3A_209 : i32
      %get3A = arith.index_cast %mul3A_210 : i32 to index
      %get3A_211 = tpu.vector_load %arg12[%get3A] {strides = array<i32>} : memref<2000xi32, #tpu.memory_space<vmem>>, vector<16xi32>,
      %gather3A = tpu.vector_load_idx %arg18[%get3A_211] : memref<100096xi32, #tpu.memory_space<vmem>>[vector<16xi32>], vector<16xi32>,
      %broadcast_in_dim3A_212 = arith.constant 16 : i32
      %broadcast_in_dim3A_213 = vector.broadcast %broadcast_in_dim3A_212 : i32 to vector<16xi32>
      %shift_left3A = arith.shli %gather3A, %broadcast_in_dim3A_213 : vector<16xi32>
      %bitcast3A = vector.bitcast %shift_left3A : vector<16xi32> to vector<16xf32>
      %swap3A = arith.index_cast %mul3A_210 : i32 to index
      %swap3A_214 = tpu.vector_load %arg14[%swap3A] {strides = array<i32>} : memref<2000xf32, #tpu.memory_space<vmem>>, vector<16xf32>,
      %swap3A_215 = vector.shape_cast %swap3A_214 : vector<16xf32> to vector<16xf32>
      %swap3A_216 = vector.shape_cast %bitcast3A : vector<16xf32> to vector<16xf32>
      tpu.vector_store %arg14[%swap3A], %swap3A_216 {strides = array<i32>} : memref<2000xf32, #tpu.memory_space<vmem>>, vector<16xf32>,
      %and3A = arith.andi %gather3A, %broadcast_in_dim3A_41 : vector<16xi32>
      %bitcast3A_217 = vector.bitcast %and3A : vector<16xi32> to vector<16xf32>
      %swap3A_218 = arith.index_cast %mul3A_210 : i32 to index
      %swap3A_219 = tpu.vector_load %arg15[%swap3A_218] {strides = array<i32>} : memref<2000xf32, #tpu.memory_space<vmem>>, vector<16xf32>,
      %swap3A_220 = vector.shape_cast %swap3A_219 : vector<16xf32> to vector<16xf32>
      %swap3A_221 = vector.shape_cast %bitcast3A_217 : vector<16xf32> to vector<16xf32>
      tpu.vector_store %arg15[%swap3A_218], %swap3A_221 {strides = array<i32>} : memref<2000xf32, #tpu.memory_space<vmem>>, vector<16xf32>,
    }
    %scan3A_90 = arith.constant 125 : i32
    %dma_start3A_91 = arith.constant 0 : i32
    %dma_start3A_92 = tpu.memref_slice %arg19[%dma_start3A_91] : memref<100096xf32, #tpu.memory_space<vmem_shared>> -> memref<100096xf32, #tpu.memory_space<vmem_shared>>
    tpu.enqueue_indirect_dma source(%arg14 : memref<2000xf32, #tpu.memory_space<vmem>>) target(%dma_start3A_92 : memref<100096xf32, #tpu.memory_space<vmem_shared>>) offsets(%arg13 : memref<2000xi32, #tpu.memory_space<vmem>>) semaphore(%arg17 : memref<!tpu.dma_semaphore, #tpu.memory_space<semaphore_mem>>) {add = true}
    %dma_start3A_93 = arith.constant 0 : i32
    %dma_start3A_94 = tpu.memref_slice %arg20[%dma_start3A_93] : memref<100096xf32, #tpu.memory_space<vmem_shared>> -> memref<100096xf32, #tpu.memory_space<vmem_shared>>
    tpu.enqueue_indirect_dma source(%arg15 : memref<2000xf32, #tpu.memory_space<vmem>>) target(%dma_start3A_94 : memref<100096xf32, #tpu.memory_space<vmem_shared>>) offsets(%arg13 : memref<2000xi32, #tpu.memory_space<vmem>>) semaphore(%arg17 : memref<!tpu.dma_semaphore, #tpu.memory_space<semaphore_mem>>) {add = true}
    %dma_wait3A_95 = arith.constant 0 : i32
    %dma_wait3A_96 = tpu.memref_slice %arg19[%dma_wait3A_95] : memref<100096xf32, #tpu.memory_space<vmem_shared>> -> memref<100096xf32, #tpu.memory_space<vmem_shared>>
    tpu.wait_indirect_dma semaphore(%arg11 : memref<!tpu.dma_semaphore, #tpu.memory_space<semaphore_mem>>) src(%arg8 : memref<2000xf32, #tpu.memory_space<vmem>>) dst(%dma_wait3A_96 : memref<100096xf32, #tpu.memory_space<vmem_shared>>)
    %dma_wait3A_97 = arith.constant 0 : i32
    %dma_wait3A_98 = tpu.memref_slice %arg20[%dma_wait3A_97] : memref<100096xf32, #tpu.memory_space<vmem_shared>> -> memref<100096xf32, #tpu.memory_space<vmem_shared>>
    tpu.wait_indirect_dma semaphore(%arg11 : memref<!tpu.dma_semaphore, #tpu.memory_space<semaphore_mem>>) src(%arg9 : memref<2000xf32, #tpu.memory_space<vmem>>) dst(%dma_wait3A_98 : memref<100096xf32, #tpu.memory_space<vmem_shared>>)
    %dma_wait3A_99 = arith.constant 0 : i32
    %dma_wait3A_100 = tpu.memref_slice %arg19[%dma_wait3A_99] : memref<100096xf32, #tpu.memory_space<vmem_shared>> -> memref<100096xf32, #tpu.memory_space<vmem_shared>>
    tpu.wait_indirect_dma semaphore(%arg17 : memref<!tpu.dma_semaphore, #tpu.memory_space<semaphore_mem>>) src(%arg14 : memref<2000xf32, #tpu.memory_space<vmem>>) dst(%dma_wait3A_100 : memref<100096xf32, #tpu.memory_space<vmem_shared>>)
    %dma_wait3A_101 = arith.constant 0 : i32
    %dma_wait3A_102 = tpu.memref_slice %arg20[%dma_wait3A_101] : memref<100096xf32, #tpu.memory_space<vmem_shared>> -> memref<100096xf32, #tpu.memory_space<vmem_shared>>
    tpu.wait_indirect_dma semaphore(%arg17 : memref<!tpu.dma_semaphore, #tpu.memory_space<semaphore_mem>>) src(%arg15 : memref<2000xf32, #tpu.memory_space<vmem>>) dst(%dma_wait3A_102 : memref<100096xf32, #tpu.memory_space<vmem_shared>>)
    %barrier3A_103 = arith.constant 0 : index
    tpu.barrier barrier_id(%barrier3A_103)
    %mul3A_104 = arith.constant 6256 : i32
    %mul3A_105 = arith.muli %arg1, %mul3A_104 : i32
    %add3A_106 = arith.constant 0 : i32
    %add3A_107 = arith.addi %mul3A_105, %add3A_106 : i32
    "tpu.region"() ({
      %run_scoped3A = tpu.sem_alloc : memref<!tpu.dma_semaphore, #tpu.memory_space<semaphore_mem>>
      %dma_start3A_208 = arith.constant 0 : i32
      %dma_start3A_209 = tpu.memref_slice %arg8[%dma_start3A_208] : memref<2000xf32, #tpu.memory_space<vmem>> -> memref<2000xf32, #tpu.memory_space<vmem>>
      %dma_start3A_210 = tpu.memref_slice %arg19[%add3A_107] : memref<100096xf32, #tpu.memory_space<vmem_shared>> -> memref<2000xf32, #tpu.memory_space<vmem_shared>>
      %dma_start3A_211 = arith.constant 0 : i32
      %dma_start3A_212 = tpu.memref_slice %arg8[%dma_start3A_211] : memref<2000xf32, #tpu.memory_space<vmem>> -> memref<2000xf32, #tpu.memory_space<vmem>>
      %dma_start3A_213 = tpu.memref_slice %arg19[%add3A_107] : memref<100096xf32, #tpu.memory_space<vmem_shared>> -> memref<2000xf32, #tpu.memory_space<vmem_shared>>
      tpu.enqueue_dma source(%dma_start3A_213 : memref<2000xf32, #tpu.memory_space<vmem_shared>>) target(%dma_start3A_212 : memref<2000xf32, #tpu.memory_space<vmem>>) target_semaphore(%run_scoped3A : memref<!tpu.dma_semaphore, #tpu.memory_space<semaphore_mem>>)
      %dma_wait3A_214 = arith.constant 0 : i32
      %dma_wait3A_215 = tpu.memref_slice %arg8[%dma_wait3A_214] : memref<2000xf32, #tpu.memory_space<vmem>> -> memref<2000xf32, #tpu.memory_space<vmem>>
      %dma_wait3A_216 = tpu.memref_slice %arg19[%add3A_107] : memref<100096xf32, #tpu.memory_space<vmem_shared>> -> memref<2000xf32, #tpu.memory_space<vmem_shared>>
      %dma_wait3A_217 = arith.constant 0 : i32
      %dma_wait3A_218 = tpu.memref_slice %arg8[%dma_wait3A_217] : memref<2000xf32, #tpu.memory_space<vmem>> -> memref<2000xf32, #tpu.memory_space<vmem>>
      %dma_wait3A_219 = tpu.memref_slice %arg19[%add3A_107] : memref<100096xf32, #tpu.memory_space<vmem_shared>> -> memref<2000xf32, #tpu.memory_space<vmem_shared>>
      tpu.wait_dma2 semaphore(%run_scoped3A : memref<!tpu.dma_semaphore, #tpu.memory_space<semaphore_mem>>) src(%dma_wait3A_219 : memref<2000xf32, #tpu.memory_space<vmem_shared>>) dst(%dma_wait3A_218 : memref<2000xf32, #tpu.memory_space<vmem>>)
      tpu.yield
    }) : () -> ()
    %add3A_108 = arith.constant 0 : i32
    %add3A_109 = arith.addi %add3A_108, %arg0 : i32
    %mul3A_110 = arith.constant 100096 : i32
    %mul3A_111 = arith.muli %add3A_109, %mul3A_110 : i32
    %mul3A_112 = arith.constant 6256 : i32
    %mul3A_113 = arith.muli %arg1, %mul3A_112 : i32
    %add3A_114 = arith.addi %mul3A_111, %mul3A_113 : i32
    %add3A_115 = arith.constant 0 : i32
    %add3A_116 = arith.addi %add3A_114, %add3A_115 : i32
    "tpu.region"() ({
      %run_scoped3A = tpu.sem_alloc : memref<!tpu.dma_semaphore, #tpu.memory_space<semaphore_mem>>
      %dma_start3A_208 = arith.constant 0 : i32
      %dma_start3A_209 = tpu.memref_slice %arg8[%dma_start3A_208] : memref<2000xf32, #tpu.memory_space<vmem>> -> memref<2000xf32, #tpu.memory_space<vmem>>
      %dma_start3A_210 = tpu.memref_slice %arg5[%add3A_116] : memref<400384xf32, #tpu.memory_space<hbm>> -> memref<2000xf32, #tpu.memory_space<hbm>>
      %dma_start3A_211 = tpu.memref_slice %arg5[%add3A_116] : memref<400384xf32, #tpu.memory_space<hbm>> -> memref<2000xf32, #tpu.memory_space<hbm>>
      %dma_start3A_212 = arith.constant 0 : i32
      %dma_start3A_213 = tpu.memref_slice %arg8[%dma_start3A_212] : memref<2000xf32, #tpu.memory_space<vmem>> -> memref<2000xf32, #tpu.memory_space<vmem>>
      tpu.enqueue_dma source(%dma_start3A_213 : memref<2000xf32, #tpu.memory_space<vmem>>) target(%dma_start3A_211 : memref<2000xf32, #tpu.memory_space<hbm>>) target_semaphore(%run_scoped3A : memref<!tpu.dma_semaphore, #tpu.memory_space<semaphore_mem>>)
      %dma_wait3A_214 = arith.constant 0 : i32
      %dma_wait3A_215 = tpu.memref_slice %arg8[%dma_wait3A_214] : memref<2000xf32, #tpu.memory_space<vmem>> -> memref<2000xf32, #tpu.memory_space<vmem>>
      %dma_wait3A_216 = tpu.memref_slice %arg5[%add3A_116] : memref<400384xf32, #tpu.memory_space<hbm>> -> memref<2000xf32, #tpu.memory_space<hbm>>
      %dma_wait3A_217 = tpu.memref_slice %arg5[%add3A_116] : memref<400384xf32, #tpu.memory_space<hbm>> -> memref<2000xf32, #tpu.memory_space<hbm>>
      %dma_wait3A_218 = arith.constant 0 : i32
      %dma_wait3A_219 = tpu.memref_slice %arg8[%dma_wait3A_218] : memref<2000xf32, #tpu.memory_space<vmem>> -> memref<2000xf32, #tpu.memory_space<vmem>>
      tpu.wait_dma2 semaphore(%run_scoped3A : memref<!tpu.dma_semaphore, #tpu.memory_space<semaphore_mem>>) src(%dma_wait3A_219 : memref<2000xf32, #tpu.memory_space<vmem>>) dst(%dma_wait3A_217 : memref<2000xf32, #tpu.memory_space<hbm>>)
      tpu.yield
    }) : () -> ()
    %mul3A_117 = arith.constant 6256 : i32
    %mul3A_118 = arith.muli %arg1, %mul3A_117 : i32
    %add3A_119 = arith.constant 2000 : i32
    %add3A_120 = arith.addi %mul3A_118, %add3A_119 : i32
    "tpu.region"() ({
      %run_scoped3A = tpu.sem_alloc : memref<!tpu.dma_semaphore, #tpu.memory_space<semaphore_mem>>
      %dma_start3A_208 = arith.constant 0 : i32
      %dma_start3A_209 = tpu.memref_slice %arg8[%dma_start3A_208] : memref<2000xf32, #tpu.memory_space<vmem>> -> memref<2000xf32, #tpu.memory_space<vmem>>
      %dma_start3A_210 = tpu.memref_slice %arg19[%add3A_120] : memref<100096xf32, #tpu.memory_space<vmem_shared>> -> memref<2000xf32, #tpu.memory_space<vmem_shared>>
      %dma_start3A_211 = arith.constant 0 : i32
      %dma_start3A_212 = tpu.memref_slice %arg8[%dma_start3A_211] : memref<2000xf32, #tpu.memory_space<vmem>> -> memref<2000xf32, #tpu.memory_space<vmem>>
      %dma_start3A_213 = tpu.memref_slice %arg19[%add3A_120] : memref<100096xf32, #tpu.memory_space<vmem_shared>> -> memref<2000xf32, #tpu.memory_space<vmem_shared>>
      tpu.enqueue_dma source(%dma_start3A_213 : memref<2000xf32, #tpu.memory_space<vmem_shared>>) target(%dma_start3A_212 : memref<2000xf32, #tpu.memory_space<vmem>>) target_semaphore(%run_scoped3A : memref<!tpu.dma_semaphore, #tpu.memory_space<semaphore_mem>>)
      %dma_wait3A_214 = arith.constant 0 : i32
      %dma_wait3A_215 = tpu.memref_slice %arg8[%dma_wait3A_214] : memref<2000xf32, #tpu.memory_space<vmem>> -> memref<2000xf32, #tpu.memory_space<vmem>>
      %dma_wait3A_216 = tpu.memref_slice %arg19[%add3A_120] : memref<100096xf32, #tpu.memory_space<vmem_shared>> -> memref<2000xf32, #tpu.memory_space<vmem_shared>>
      %dma_wait3A_217 = arith.constant 0 : i32
      %dma_wait3A_218 = tpu.memref_slice %arg8[%dma_wait3A_217] : memref<2000xf32, #tpu.memory_space<vmem>> -> memref<2000xf32, #tpu.memory_space<vmem>>
      %dma_wait3A_219 = tpu.memref_slice %arg19[%add3A_120] : memref<100096xf32, #tpu.memory_space<vmem_shared>> -> memref<2000xf32, #tpu.memory_space<vmem_shared>>
      tpu.wait_dma2 semaphore(%run_scoped3A : memref<!tpu.dma_semaphore, #tpu.memory_space<semaphore_mem>>) src(%dma_wait3A_219 : memref<2000xf32, #tpu.memory_space<vmem_shared>>) dst(%dma_wait3A_218 : memref<2000xf32, #tpu.memory_space<vmem>>)
      tpu.yield
    }) : () -> ()
    %add3A_121 = arith.constant 0 : i32
    %add3A_122 = arith.addi %add3A_121, %arg0 : i32
    %mul3A_123 = arith.constant 100096 : i32
    %mul3A_124 = arith.muli %add3A_122, %mul3A_123 : i32
    %mul3A_125 = arith.constant 6256 : i32
    %mul3A_126 = arith.muli %arg1, %mul3A_125 : i32
    %add3A_127 = arith.addi %mul3A_124, %mul3A_126 : i32
    %add3A_128 = arith.constant 2000 : i32
    %add3A_129 = arith.addi %add3A_127, %add3A_128 : i32
    "tpu.region"() ({
      %run_scoped3A = tpu.sem_alloc : memref<!tpu.dma_semaphore, #tpu.memory_space<semaphore_mem>>
      %dma_start3A_208 = arith.constant 0 : i32
      %dma_start3A_209 = tpu.memref_slice %arg8[%dma_start3A_208] : memref<2000xf32, #tpu.memory_space<vmem>> -> memref<2000xf32, #tpu.memory_space<vmem>>
      %dma_start3A_210 = tpu.memref_slice %arg5[%add3A_129] : memref<400384xf32, #tpu.memory_space<hbm>> -> memref<2000xf32, #tpu.memory_space<hbm>>
      %dma_start3A_211 = tpu.memref_slice %arg5[%add3A_129] : memref<400384xf32, #tpu.memory_space<hbm>> -> memref<2000xf32, #tpu.memory_space<hbm>>
      %dma_start3A_212 = arith.constant 0 : i32
      %dma_start3A_213 = tpu.memref_slice %arg8[%dma_start3A_212] : memref<2000xf32, #tpu.memory_space<vmem>> -> memref<2000xf32, #tpu.memory_space<vmem>>
      tpu.enqueue_dma source(%dma_start3A_213 : memref<2000xf32, #tpu.memory_space<vmem>>) target(%dma_start3A_211 : memref<2000xf32, #tpu.memory_space<hbm>>) target_semaphore(%run_scoped3A : memref<!tpu.dma_semaphore, #tpu.memory_space<semaphore_mem>>)
      %dma_wait3A_214 = arith.constant 0 : i32
      %dma_wait3A_215 = tpu.memref_slice %arg8[%dma_wait3A_214] : memref<2000xf32, #tpu.memory_space<vmem>> -> memref<2000xf32, #tpu.memory_space<vmem>>
      %dma_wait3A_216 = tpu.memref_slice %arg5[%add3A_129] : memref<400384xf32, #tpu.memory_space<hbm>> -> memref<2000xf32, #tpu.memory_space<hbm>>
      %dma_wait3A_217 = tpu.memref_slice %arg5[%add3A_129] : memref<400384xf32, #tpu.memory_space<hbm>> -> memref<2000xf32, #tpu.memory_space<hbm>>
      %dma_wait3A_218 = arith.constant 0 : i32
      %dma_wait3A_219 = tpu.memref_slice %arg8[%dma_wait3A_218] : memref<2000xf32, #tpu.memory_space<vmem>> -> memref<2000xf32, #tpu.memory_space<vmem>>
      tpu.wait_dma2 semaphore(%run_scoped3A : memref<!tpu.dma_semaphore, #tpu.memory_space<semaphore_mem>>) src(%dma_wait3A_219 : memref<2000xf32, #tpu.memory_space<vmem>>) dst(%dma_wait3A_217 : memref<2000xf32, #tpu.memory_space<hbm>>)
      tpu.yield
    }) : () -> ()
    %mul3A_130 = arith.constant 6256 : i32
    %mul3A_131 = arith.muli %arg1, %mul3A_130 : i32
    %add3A_132 = arith.constant 4000 : i32
    %add3A_133 = arith.addi %mul3A_131, %add3A_132 : i32
    "tpu.region"() ({
      %run_scoped3A = tpu.sem_alloc : memref<!tpu.dma_semaphore, #tpu.memory_space<semaphore_mem>>
      %dma_start3A_208 = arith.constant 0 : i32
      %dma_start3A_209 = tpu.memref_slice %arg8[%dma_start3A_208] : memref<2000xf32, #tpu.memory_space<vmem>> -> memref<2000xf32, #tpu.memory_space<vmem>>
      %dma_start3A_210 = tpu.memref_slice %arg19[%add3A_133] : memref<100096xf32, #tpu.memory_space<vmem_shared>> -> memref<2000xf32, #tpu.memory_space<vmem_shared>>
      %dma_start3A_211 = arith.constant 0 : i32
      %dma_start3A_212 = tpu.memref_slice %arg8[%dma_start3A_211] : memref<2000xf32, #tpu.memory_space<vmem>> -> memref<2000xf32, #tpu.memory_space<vmem>>
      %dma_start3A_213 = tpu.memref_slice %arg19[%add3A_133] : memref<100096xf32, #tpu.memory_space<vmem_shared>> -> memref<2000xf32, #tpu.memory_space<vmem_shared>>
      tpu.enqueue_dma source(%dma_start3A_213 : memref<2000xf32, #tpu.memory_space<vmem_shared>>) target(%dma_start3A_212 : memref<2000xf32, #tpu.memory_space<vmem>>) target_semaphore(%run_scoped3A : memref<!tpu.dma_semaphore, #tpu.memory_space<semaphore_mem>>)
      %dma_wait3A_214 = arith.constant 0 : i32
      %dma_wait3A_215 = tpu.memref_slice %arg8[%dma_wait3A_214] : memref<2000xf32, #tpu.memory_space<vmem>> -> memref<2000xf32, #tpu.memory_space<vmem>>
      %dma_wait3A_216 = tpu.memref_slice %arg19[%add3A_133] : memref<100096xf32, #tpu.memory_space<vmem_shared>> -> memref<2000xf32, #tpu.memory_space<vmem_shared>>
      %dma_wait3A_217 = arith.constant 0 : i32
      %dma_wait3A_218 = tpu.memref_slice %arg8[%dma_wait3A_217] : memref<2000xf32, #tpu.memory_space<vmem>> -> memref<2000xf32, #tpu.memory_space<vmem>>
      %dma_wait3A_219 = tpu.memref_slice %arg19[%add3A_133] : memref<100096xf32, #tpu.memory_space<vmem_shared>> -> memref<2000xf32, #tpu.memory_space<vmem_shared>>
      tpu.wait_dma2 semaphore(%run_scoped3A : memref<!tpu.dma_semaphore, #tpu.memory_space<semaphore_mem>>) src(%dma_wait3A_219 : memref<2000xf32, #tpu.memory_space<vmem_shared>>) dst(%dma_wait3A_218 : memref<2000xf32, #tpu.memory_space<vmem>>)
      tpu.yield
    }) : () -> ()
    %add3A_134 = arith.constant 0 : i32
    %add3A_135 = arith.addi %add3A_134, %arg0 : i32
    %mul3A_136 = arith.constant 100096 : i32
    %mul3A_137 = arith.muli %add3A_135, %mul3A_136 : i32
    %mul3A_138 = arith.constant 6256 : i32
    %mul3A_139 = arith.muli %arg1, %mul3A_138 : i32
    %add3A_140 = arith.addi %mul3A_137, %mul3A_139 : i32
    %add3A_141 = arith.constant 4000 : i32
    %add3A_142 = arith.addi %add3A_140, %add3A_141 : i32
    "tpu.region"() ({
      %run_scoped3A = tpu.sem_alloc : memref<!tpu.dma_semaphore, #tpu.memory_space<semaphore_mem>>
      %dma_start3A_208 = arith.constant 0 : i32
      %dma_start3A_209 = tpu.memref_slice %arg8[%dma_start3A_208] : memref<2000xf32, #tpu.memory_space<vmem>> -> memref<2000xf32, #tpu.memory_space<vmem>>
      %dma_start3A_210 = tpu.memref_slice %arg5[%add3A_142] : memref<400384xf32, #tpu.memory_space<hbm>> -> memref<2000xf32, #tpu.memory_space<hbm>>
      %dma_start3A_211 = tpu.memref_slice %arg5[%add3A_142] : memref<400384xf32, #tpu.memory_space<hbm>> -> memref<2000xf32, #tpu.memory_space<hbm>>
      %dma_start3A_212 = arith.constant 0 : i32
      %dma_start3A_213 = tpu.memref_slice %arg8[%dma_start3A_212] : memref<2000xf32, #tpu.memory_space<vmem>> -> memref<2000xf32, #tpu.memory_space<vmem>>
      tpu.enqueue_dma source(%dma_start3A_213 : memref<2000xf32, #tpu.memory_space<vmem>>) target(%dma_start3A_211 : memref<2000xf32, #tpu.memory_space<hbm>>) target_semaphore(%run_scoped3A : memref<!tpu.dma_semaphore, #tpu.memory_space<semaphore_mem>>)
      %dma_wait3A_214 = arith.constant 0 : i32
      %dma_wait3A_215 = tpu.memref_slice %arg8[%dma_wait3A_214] : memref<2000xf32, #tpu.memory_space<vmem>> -> memref<2000xf32, #tpu.memory_space<vmem>>
      %dma_wait3A_216 = tpu.memref_slice %arg5[%add3A_142] : memref<400384xf32, #tpu.memory_space<hbm>> -> memref<2000xf32, #tpu.memory_space<hbm>>
      %dma_wait3A_217 = tpu.memref_slice %arg5[%add3A_142] : memref<400384xf32, #tpu.memory_space<hbm>> -> memref<2000xf32, #tpu.memory_space<hbm>>
      %dma_wait3A_218 = arith.constant 0 : i32
      %dma_wait3A_219 = tpu.memref_slice %arg8[%dma_wait3A_218] : memref<2000xf32, #tpu.memory_space<vmem>> -> memref<2000xf32, #tpu.memory_space<vmem>>
      tpu.wait_dma2 semaphore(%run_scoped3A : memref<!tpu.dma_semaphore, #tpu.memory_space<semaphore_mem>>) src(%dma_wait3A_219 : memref<2000xf32, #tpu.memory_space<vmem>>) dst(%dma_wait3A_217 : memref<2000xf32, #tpu.memory_space<hbm>>)
      tpu.yield
    }) : () -> ()
    %mul3A_143 = arith.constant 6256 : i32
    %mul3A_144 = arith.muli %arg1, %mul3A_143 : i32
    %add3A_145 = arith.constant 6000 : i32
    %add3A_146 = arith.addi %mul3A_144, %add3A_145 : i32
    "tpu.region"() ({
      %run_scoped3A = tpu.sem_alloc : memref<!tpu.dma_semaphore, #tpu.memory_space<semaphore_mem>>
      %dma_start3A_208 = arith.constant 0 : i32
      %dma_start3A_209 = tpu.memref_slice %arg8[%dma_start3A_208] : memref<2000xf32, #tpu.memory_space<vmem>> -> memref<256xf32, #tpu.memory_space<vmem>>
      %dma_start3A_210 = tpu.memref_slice %arg19[%add3A_146] : memref<100096xf32, #tpu.memory_space<vmem_shared>> -> memref<256xf32, #tpu.memory_space<vmem_shared>>
      %dma_start3A_211 = arith.constant 0 : i32
      %dma_start3A_212 = tpu.memref_slice %arg8[%dma_start3A_211] : memref<2000xf32, #tpu.memory_space<vmem>> -> memref<256xf32, #tpu.memory_space<vmem>>
      %dma_start3A_213 = tpu.memref_slice %arg19[%add3A_146] : memref<100096xf32, #tpu.memory_space<vmem_shared>> -> memref<256xf32, #tpu.memory_space<vmem_shared>>
      tpu.enqueue_dma source(%dma_start3A_213 : memref<256xf32, #tpu.memory_space<vmem_shared>>) target(%dma_start3A_212 : memref<256xf32, #tpu.memory_space<vmem>>) target_semaphore(%run_scoped3A : memref<!tpu.dma_semaphore, #tpu.memory_space<semaphore_mem>>)
      %dma_wait3A_214 = arith.constant 0 : i32
      %dma_wait3A_215 = tpu.memref_slice %arg8[%dma_wait3A_214] : memref<2000xf32, #tpu.memory_space<vmem>> -> memref<256xf32, #tpu.memory_space<vmem>>
      %dma_wait3A_216 = tpu.memref_slice %arg19[%add3A_146] : memref<100096xf32, #tpu.memory_space<vmem_shared>> -> memref<256xf32, #tpu.memory_space<vmem_shared>>
      %dma_wait3A_217 = arith.constant 0 : i32
      %dma_wait3A_218 = tpu.memref_slice %arg8[%dma_wait3A_217] : memref<2000xf32, #tpu.memory_space<vmem>> -> memref<256xf32, #tpu.memory_space<vmem>>
      %dma_wait3A_219 = tpu.memref_slice %arg19[%add3A_146] : memref<100096xf32, #tpu.memory_space<vmem_shared>> -> memref<256xf32, #tpu.memory_space<vmem_shared>>
      tpu.wait_dma2 semaphore(%run_scoped3A : memref<!tpu.dma_semaphore, #tpu.memory_space<semaphore_mem>>) src(%dma_wait3A_219 : memref<256xf32, #tpu.memory_space<vmem_shared>>) dst(%dma_wait3A_218 : memref<256xf32, #tpu.memory_space<vmem>>)
      tpu.yield
    }) : () -> ()
    %add3A_147 = arith.constant 0 : i32
    %add3A_148 = arith.addi %add3A_147, %arg0 : i32
    %mul3A_149 = arith.constant 100096 : i32
    %mul3A_150 = arith.muli %add3A_148, %mul3A_149 : i32
    %mul3A_151 = arith.constant 6256 : i32
    %mul3A_152 = arith.muli %arg1, %mul3A_151 : i32
    %add3A_153 = arith.addi %mul3A_150, %mul3A_152 : i32
    %add3A_154 = arith.constant 6000 : i32
    %add3A_155 = arith.addi %add3A_153, %add3A_154 : i32
    "tpu.region"() ({
      %run_scoped3A = tpu.sem_alloc : memref<!tpu.dma_semaphore, #tpu.memory_space<semaphore_mem>>
      %dma_start3A_208 = arith.constant 0 : i32
      %dma_start3A_209 = tpu.memref_slice %arg8[%dma_start3A_208] : memref<2000xf32, #tpu.memory_space<vmem>> -> memref<256xf32, #tpu.memory_space<vmem>>
      %dma_start3A_210 = tpu.memref_slice %arg5[%add3A_155] : memref<400384xf32, #tpu.memory_space<hbm>> -> memref<256xf32, #tpu.memory_space<hbm>>
      %dma_start3A_211 = tpu.memref_slice %arg5[%add3A_155] : memref<400384xf32, #tpu.memory_space<hbm>> -> memref<256xf32, #tpu.memory_space<hbm>>
      %dma_start3A_212 = arith.constant 0 : i32
      %dma_start3A_213 = tpu.memref_slice %arg8[%dma_start3A_212] : memref<2000xf32, #tpu.memory_space<vmem>> -> memref<256xf32, #tpu.memory_space<vmem>>
      tpu.enqueue_dma source(%dma_start3A_213 : memref<256xf32, #tpu.memory_space<vmem>>) target(%dma_start3A_211 : memref<256xf32, #tpu.memory_space<hbm>>) target_semaphore(%run_scoped3A : memref<!tpu.dma_semaphore, #tpu.memory_space<semaphore_mem>>)
      %dma_wait3A_214 = arith.constant 0 : i32
      %dma_wait3A_215 = tpu.memref_slice %arg8[%dma_wait3A_214] : memref<2000xf32, #tpu.memory_space<vmem>> -> memref<256xf32, #tpu.memory_space<vmem>>
      %dma_wait3A_216 = tpu.memref_slice %arg5[%add3A_155] : memref<400384xf32, #tpu.memory_space<hbm>> -> memref<256xf32, #tpu.memory_space<hbm>>
      %dma_wait3A_217 = tpu.memref_slice %arg5[%add3A_155] : memref<400384xf32, #tpu.memory_space<hbm>> -> memref<256xf32, #tpu.memory_space<hbm>>
      %dma_wait3A_218 = arith.constant 0 : i32
      %dma_wait3A_219 = tpu.memref_slice %arg8[%dma_wait3A_218] : memref<2000xf32, #tpu.memory_space<vmem>> -> memref<256xf32, #tpu.memory_space<vmem>>
      tpu.wait_dma2 semaphore(%run_scoped3A : memref<!tpu.dma_semaphore, #tpu.memory_space<semaphore_mem>>) src(%dma_wait3A_219 : memref<256xf32, #tpu.memory_space<vmem>>) dst(%dma_wait3A_217 : memref<256xf32, #tpu.memory_space<hbm>>)
      tpu.yield
    }) : () -> ()
    %mul3A_156 = arith.constant 6256 : i32
    %mul3A_157 = arith.muli %arg1, %mul3A_156 : i32
    %add3A_158 = arith.constant 0 : i32
    %add3A_159 = arith.addi %mul3A_157, %add3A_158 : i32
    "tpu.region"() ({
      %run_scoped3A = tpu.sem_alloc : memref<!tpu.dma_semaphore, #tpu.memory_space<semaphore_mem>>
      %dma_start3A_208 = arith.constant 0 : i32
      %dma_start3A_209 = tpu.memref_slice %arg8[%dma_start3A_208] : memref<2000xf32, #tpu.memory_space<vmem>> -> memref<2000xf32, #tpu.memory_space<vmem>>
      %dma_start3A_210 = tpu.memref_slice %arg20[%add3A_159] : memref<100096xf32, #tpu.memory_space<vmem_shared>> -> memref<2000xf32, #tpu.memory_space<vmem_shared>>
      %dma_start3A_211 = arith.constant 0 : i32
      %dma_start3A_212 = tpu.memref_slice %arg8[%dma_start3A_211] : memref<2000xf32, #tpu.memory_space<vmem>> -> memref<2000xf32, #tpu.memory_space<vmem>>
      %dma_start3A_213 = tpu.memref_slice %arg20[%add3A_159] : memref<100096xf32, #tpu.memory_space<vmem_shared>> -> memref<2000xf32, #tpu.memory_space<vmem_shared>>
      tpu.enqueue_dma source(%dma_start3A_213 : memref<2000xf32, #tpu.memory_space<vmem_shared>>) target(%dma_start3A_212 : memref<2000xf32, #tpu.memory_space<vmem>>) target_semaphore(%run_scoped3A : memref<!tpu.dma_semaphore, #tpu.memory_space<semaphore_mem>>)
      %dma_wait3A_214 = arith.constant 0 : i32
      %dma_wait3A_215 = tpu.memref_slice %arg8[%dma_wait3A_214] : memref<2000xf32, #tpu.memory_space<vmem>> -> memref<2000xf32, #tpu.memory_space<vmem>>
      %dma_wait3A_216 = tpu.memref_slice %arg20[%add3A_159] : memref<100096xf32, #tpu.memory_space<vmem_shared>> -> memref<2000xf32, #tpu.memory_space<vmem_shared>>
      %dma_wait3A_217 = arith.constant 0 : i32
      %dma_wait3A_218 = tpu.memref_slice %arg8[%dma_wait3A_217] : memref<2000xf32, #tpu.memory_space<vmem>> -> memref<2000xf32, #tpu.memory_space<vmem>>
      %dma_wait3A_219 = tpu.memref_slice %arg20[%add3A_159] : memref<100096xf32, #tpu.memory_space<vmem_shared>> -> memref<2000xf32, #tpu.memory_space<vmem_shared>>
      tpu.wait_dma2 semaphore(%run_scoped3A : memref<!tpu.dma_semaphore, #tpu.memory_space<semaphore_mem>>) src(%dma_wait3A_219 : memref<2000xf32, #tpu.memory_space<vmem_shared>>) dst(%dma_wait3A_218 : memref<2000xf32, #tpu.memory_space<vmem>>)
      tpu.yield
    }) : () -> ()
    %add3A_160 = arith.constant 2 : i32
    %add3A_161 = arith.addi %add3A_160, %arg0 : i32
    %mul3A_162 = arith.constant 100096 : i32
    %mul3A_163 = arith.muli %add3A_161, %mul3A_162 : i32
    %mul3A_164 = arith.constant 6256 : i32
    %mul3A_165 = arith.muli %arg1, %mul3A_164 : i32
    %add3A_166 = arith.addi %mul3A_163, %mul3A_165 : i32
    %add3A_167 = arith.constant 0 : i32
    %add3A_168 = arith.addi %add3A_166, %add3A_167 : i32
    "tpu.region"() ({
      %run_scoped3A = tpu.sem_alloc : memref<!tpu.dma_semaphore, #tpu.memory_space<semaphore_mem>>
      %dma_start3A_208 = arith.constant 0 : i32
      %dma_start3A_209 = tpu.memref_slice %arg8[%dma_start3A_208] : memref<2000xf32, #tpu.memory_space<vmem>> -> memref<2000xf32, #tpu.memory_space<vmem>>
      %dma_start3A_210 = tpu.memref_slice %arg5[%add3A_168] : memref<400384xf32, #tpu.memory_space<hbm>> -> memref<2000xf32, #tpu.memory_space<hbm>>
      %dma_start3A_211 = tpu.memref_slice %arg5[%add3A_168] : memref<400384xf32, #tpu.memory_space<hbm>> -> memref<2000xf32, #tpu.memory_space<hbm>>
      %dma_start3A_212 = arith.constant 0 : i32
      %dma_start3A_213 = tpu.memref_slice %arg8[%dma_start3A_212] : memref<2000xf32, #tpu.memory_space<vmem>> -> memref<2000xf32, #tpu.memory_space<vmem>>
      tpu.enqueue_dma source(%dma_start3A_213 : memref<2000xf32, #tpu.memory_space<vmem>>) target(%dma_start3A_211 : memref<2000xf32, #tpu.memory_space<hbm>>) target_semaphore(%run_scoped3A : memref<!tpu.dma_semaphore, #tpu.memory_space<semaphore_mem>>)
      %dma_wait3A_214 = arith.constant 0 : i32
      %dma_wait3A_215 = tpu.memref_slice %arg8[%dma_wait3A_214] : memref<2000xf32, #tpu.memory_space<vmem>> -> memref<2000xf32, #tpu.memory_space<vmem>>
      %dma_wait3A_216 = tpu.memref_slice %arg5[%add3A_168] : memref<400384xf32, #tpu.memory_space<hbm>> -> memref<2000xf32, #tpu.memory_space<hbm>>
      %dma_wait3A_217 = tpu.memref_slice %arg5[%add3A_168] : memref<400384xf32, #tpu.memory_space<hbm>> -> memref<2000xf32, #tpu.memory_space<hbm>>
      %dma_wait3A_218 = arith.constant 0 : i32
      %dma_wait3A_219 = tpu.memref_slice %arg8[%dma_wait3A_218] : memref<2000xf32, #tpu.memory_space<vmem>> -> memref<2000xf32, #tpu.memory_space<vmem>>
      tpu.wait_dma2 semaphore(%run_scoped3A : memref<!tpu.dma_semaphore, #tpu.memory_space<semaphore_mem>>) src(%dma_wait3A_219 : memref<2000xf32, #tpu.memory_space<vmem>>) dst(%dma_wait3A_217 : memref<2000xf32, #tpu.memory_space<hbm>>)
      tpu.yield
    }) : () -> ()
    %mul3A_169 = arith.constant 6256 : i32
    %mul3A_170 = arith.muli %arg1, %mul3A_169 : i32
    %add3A_171 = arith.constant 2000 : i32
    %add3A_172 = arith.addi %mul3A_170, %add3A_171 : i32
    "tpu.region"() ({
      %run_scoped3A = tpu.sem_alloc : memref<!tpu.dma_semaphore, #tpu.memory_space<semaphore_mem>>
      %dma_start3A_208 = arith.constant 0 : i32
      %dma_start3A_209 = tpu.memref_slice %arg8[%dma_start3A_208] : memref<2000xf32, #tpu.memory_space<vmem>> -> memref<2000xf32, #tpu.memory_space<vmem>>
      %dma_start3A_210 = tpu.memref_slice %arg20[%add3A_172] : memref<100096xf32, #tpu.memory_space<vmem_shared>> -> memref<2000xf32, #tpu.memory_space<vmem_shared>>
      %dma_start3A_211 = arith.constant 0 : i32
      %dma_start3A_212 = tpu.memref_slice %arg8[%dma_start3A_211] : memref<2000xf32, #tpu.memory_space<vmem>> -> memref<2000xf32, #tpu.memory_space<vmem>>
      %dma_start3A_213 = tpu.memref_slice %arg20[%add3A_172] : memref<100096xf32, #tpu.memory_space<vmem_shared>> -> memref<2000xf32, #tpu.memory_space<vmem_shared>>
      tpu.enqueue_dma source(%dma_start3A_213 : memref<2000xf32, #tpu.memory_space<vmem_shared>>) target(%dma_start3A_212 : memref<2000xf32, #tpu.memory_space<vmem>>) target_semaphore(%run_scoped3A : memref<!tpu.dma_semaphore, #tpu.memory_space<semaphore_mem>>)
      %dma_wait3A_214 = arith.constant 0 : i32
      %dma_wait3A_215 = tpu.memref_slice %arg8[%dma_wait3A_214] : memref<2000xf32, #tpu.memory_space<vmem>> -> memref<2000xf32, #tpu.memory_space<vmem>>
      %dma_wait3A_216 = tpu.memref_slice %arg20[%add3A_172] : memref<100096xf32, #tpu.memory_space<vmem_shared>> -> memref<2000xf32, #tpu.memory_space<vmem_shared>>
      %dma_wait3A_217 = arith.constant 0 : i32
      %dma_wait3A_218 = tpu.memref_slice %arg8[%dma_wait3A_217] : memref<2000xf32, #tpu.memory_space<vmem>> -> memref<2000xf32, #tpu.memory_space<vmem>>
      %dma_wait3A_219 = tpu.memref_slice %arg20[%add3A_172] : memref<100096xf32, #tpu.memory_space<vmem_shared>> -> memref<2000xf32, #tpu.memory_space<vmem_shared>>
      tpu.wait_dma2 semaphore(%run_scoped3A : memref<!tpu.dma_semaphore, #tpu.memory_space<semaphore_mem>>) src(%dma_wait3A_219 : memref<2000xf32, #tpu.memory_space<vmem_shared>>) dst(%dma_wait3A_218 : memref<2000xf32, #tpu.memory_space<vmem>>)
      tpu.yield
    }) : () -> ()
    %add3A_173 = arith.constant 2 : i32
    %add3A_174 = arith.addi %add3A_173, %arg0 : i32
    %mul3A_175 = arith.constant 100096 : i32
    %mul3A_176 = arith.muli %add3A_174, %mul3A_175 : i32
    %mul3A_177 = arith.constant 6256 : i32
    %mul3A_178 = arith.muli %arg1, %mul3A_177 : i32
    %add3A_179 = arith.addi %mul3A_176, %mul3A_178 : i32
    %add3A_180 = arith.constant 2000 : i32
    %add3A_181 = arith.addi %add3A_179, %add3A_180 : i32
    "tpu.region"() ({
      %run_scoped3A = tpu.sem_alloc : memref<!tpu.dma_semaphore, #tpu.memory_space<semaphore_mem>>
      %dma_start3A_208 = arith.constant 0 : i32
      %dma_start3A_209 = tpu.memref_slice %arg8[%dma_start3A_208] : memref<2000xf32, #tpu.memory_space<vmem>> -> memref<2000xf32, #tpu.memory_space<vmem>>
      %dma_start3A_210 = tpu.memref_slice %arg5[%add3A_181] : memref<400384xf32, #tpu.memory_space<hbm>> -> memref<2000xf32, #tpu.memory_space<hbm>>
      %dma_start3A_211 = tpu.memref_slice %arg5[%add3A_181] : memref<400384xf32, #tpu.memory_space<hbm>> -> memref<2000xf32, #tpu.memory_space<hbm>>
      %dma_start3A_212 = arith.constant 0 : i32
      %dma_start3A_213 = tpu.memref_slice %arg8[%dma_start3A_212] : memref<2000xf32, #tpu.memory_space<vmem>> -> memref<2000xf32, #tpu.memory_space<vmem>>
      tpu.enqueue_dma source(%dma_start3A_213 : memref<2000xf32, #tpu.memory_space<vmem>>) target(%dma_start3A_211 : memref<2000xf32, #tpu.memory_space<hbm>>) target_semaphore(%run_scoped3A : memref<!tpu.dma_semaphore, #tpu.memory_space<semaphore_mem>>)
      %dma_wait3A_214 = arith.constant 0 : i32
      %dma_wait3A_215 = tpu.memref_slice %arg8[%dma_wait3A_214] : memref<2000xf32, #tpu.memory_space<vmem>> -> memref<2000xf32, #tpu.memory_space<vmem>>
      %dma_wait3A_216 = tpu.memref_slice %arg5[%add3A_181] : memref<400384xf32, #tpu.memory_space<hbm>> -> memref<2000xf32, #tpu.memory_space<hbm>>
      %dma_wait3A_217 = tpu.memref_slice %arg5[%add3A_181] : memref<400384xf32, #tpu.memory_space<hbm>> -> memref<2000xf32, #tpu.memory_space<hbm>>
      %dma_wait3A_218 = arith.constant 0 : i32
      %dma_wait3A_219 = tpu.memref_slice %arg8[%dma_wait3A_218] : memref<2000xf32, #tpu.memory_space<vmem>> -> memref<2000xf32, #tpu.memory_space<vmem>>
      tpu.wait_dma2 semaphore(%run_scoped3A : memref<!tpu.dma_semaphore, #tpu.memory_space<semaphore_mem>>) src(%dma_wait3A_219 : memref<2000xf32, #tpu.memory_space<vmem>>) dst(%dma_wait3A_217 : memref<2000xf32, #tpu.memory_space<hbm>>)
      tpu.yield
    }) : () -> ()
    %mul3A_182 = arith.constant 6256 : i32
    %mul3A_183 = arith.muli %arg1, %mul3A_182 : i32
    %add3A_184 = arith.constant 4000 : i32
    %add3A_185 = arith.addi %mul3A_183, %add3A_184 : i32
    "tpu.region"() ({
      %run_scoped3A = tpu.sem_alloc : memref<!tpu.dma_semaphore, #tpu.memory_space<semaphore_mem>>
      %dma_start3A_208 = arith.constant 0 : i32
      %dma_start3A_209 = tpu.memref_slice %arg8[%dma_start3A_208] : memref<2000xf32, #tpu.memory_space<vmem>> -> memref<2000xf32, #tpu.memory_space<vmem>>
      %dma_start3A_210 = tpu.memref_slice %arg20[%add3A_185] : memref<100096xf32, #tpu.memory_space<vmem_shared>> -> memref<2000xf32, #tpu.memory_space<vmem_shared>>
      %dma_start3A_211 = arith.constant 0 : i32
      %dma_start3A_212 = tpu.memref_slice %arg8[%dma_start3A_211] : memref<2000xf32, #tpu.memory_space<vmem>> -> memref<2000xf32, #tpu.memory_space<vmem>>
      %dma_start3A_213 = tpu.memref_slice %arg20[%add3A_185] : memref<100096xf32, #tpu.memory_space<vmem_shared>> -> memref<2000xf32, #tpu.memory_space<vmem_shared>>
      tpu.enqueue_dma source(%dma_start3A_213 : memref<2000xf32, #tpu.memory_space<vmem_shared>>) target(%dma_start3A_212 : memref<2000xf32, #tpu.memory_space<vmem>>) target_semaphore(%run_scoped3A : memref<!tpu.dma_semaphore, #tpu.memory_space<semaphore_mem>>)
      %dma_wait3A_214 = arith.constant 0 : i32
      %dma_wait3A_215 = tpu.memref_slice %arg8[%dma_wait3A_214] : memref<2000xf32, #tpu.memory_space<vmem>> -> memref<2000xf32, #tpu.memory_space<vmem>>
      %dma_wait3A_216 = tpu.memref_slice %arg20[%add3A_185] : memref<100096xf32, #tpu.memory_space<vmem_shared>> -> memref<2000xf32, #tpu.memory_space<vmem_shared>>
      %dma_wait3A_217 = arith.constant 0 : i32
      %dma_wait3A_218 = tpu.memref_slice %arg8[%dma_wait3A_217] : memref<2000xf32, #tpu.memory_space<vmem>> -> memref<2000xf32, #tpu.memory_space<vmem>>
      %dma_wait3A_219 = tpu.memref_slice %arg20[%add3A_185] : memref<100096xf32, #tpu.memory_space<vmem_shared>> -> memref<2000xf32, #tpu.memory_space<vmem_shared>>
      tpu.wait_dma2 semaphore(%run_scoped3A : memref<!tpu.dma_semaphore, #tpu.memory_space<semaphore_mem>>) src(%dma_wait3A_219 : memref<2000xf32, #tpu.memory_space<vmem_shared>>) dst(%dma_wait3A_218 : memref<2000xf32, #tpu.memory_space<vmem>>)
      tpu.yield
    }) : () -> ()
    %add3A_186 = arith.constant 2 : i32
    %add3A_187 = arith.addi %add3A_186, %arg0 : i32
    %mul3A_188 = arith.constant 100096 : i32
    %mul3A_189 = arith.muli %add3A_187, %mul3A_188 : i32
    %mul3A_190 = arith.constant 6256 : i32
    %mul3A_191 = arith.muli %arg1, %mul3A_190 : i32
    %add3A_192 = arith.addi %mul3A_189, %mul3A_191 : i32
    %add3A_193 = arith.constant 4000 : i32
    %add3A_194 = arith.addi %add3A_192, %add3A_193 : i32
    "tpu.region"() ({
      %run_scoped3A = tpu.sem_alloc : memref<!tpu.dma_semaphore, #tpu.memory_space<semaphore_mem>>
      %dma_start3A_208 = arith.constant 0 : i32
      %dma_start3A_209 = tpu.memref_slice %arg8[%dma_start3A_208] : memref<2000xf32, #tpu.memory_space<vmem>> -> memref<2000xf32, #tpu.memory_space<vmem>>
      %dma_start3A_210 = tpu.memref_slice %arg5[%add3A_194] : memref<400384xf32, #tpu.memory_space<hbm>> -> memref<2000xf32, #tpu.memory_space<hbm>>
      %dma_start3A_211 = tpu.memref_slice %arg5[%add3A_194] : memref<400384xf32, #tpu.memory_space<hbm>> -> memref<2000xf32, #tpu.memory_space<hbm>>
      %dma_start3A_212 = arith.constant 0 : i32
      %dma_start3A_213 = tpu.memref_slice %arg8[%dma_start3A_212] : memref<2000xf32, #tpu.memory_space<vmem>> -> memref<2000xf32, #tpu.memory_space<vmem>>
      tpu.enqueue_dma source(%dma_start3A_213 : memref<2000xf32, #tpu.memory_space<vmem>>) target(%dma_start3A_211 : memref<2000xf32, #tpu.memory_space<hbm>>) target_semaphore(%run_scoped3A : memref<!tpu.dma_semaphore, #tpu.memory_space<semaphore_mem>>)
      %dma_wait3A_214 = arith.constant 0 : i32
      %dma_wait3A_215 = tpu.memref_slice %arg8[%dma_wait3A_214] : memref<2000xf32, #tpu.memory_space<vmem>> -> memref<2000xf32, #tpu.memory_space<vmem>>
      %dma_wait3A_216 = tpu.memref_slice %arg5[%add3A_194] : memref<400384xf32, #tpu.memory_space<hbm>> -> memref<2000xf32, #tpu.memory_space<hbm>>
      %dma_wait3A_217 = tpu.memref_slice %arg5[%add3A_194] : memref<400384xf32, #tpu.memory_space<hbm>> -> memref<2000xf32, #tpu.memory_space<hbm>>
      %dma_wait3A_218 = arith.constant 0 : i32
      %dma_wait3A_219 = tpu.memref_slice %arg8[%dma_wait3A_218] : memref<2000xf32, #tpu.memory_space<vmem>> -> memref<2000xf32, #tpu.memory_space<vmem>>
      tpu.wait_dma2 semaphore(%run_scoped3A : memref<!tpu.dma_semaphore, #tpu.memory_space<semaphore_mem>>) src(%dma_wait3A_219 : memref<2000xf32, #tpu.memory_space<vmem>>) dst(%dma_wait3A_217 : memref<2000xf32, #tpu.memory_space<hbm>>)
      tpu.yield
    }) : () -> ()
    %mul3A_195 = arith.constant 6256 : i32
    %mul3A_196 = arith.muli %arg1, %mul3A_195 : i32
    %add3A_197 = arith.constant 6000 : i32
    %add3A_198 = arith.addi %mul3A_196, %add3A_197 : i32
    "tpu.region"() ({
      %run_scoped3A = tpu.sem_alloc : memref<!tpu.dma_semaphore, #tpu.memory_space<semaphore_mem>>
      %dma_start3A_208 = arith.constant 0 : i32
      %dma_start3A_209 = tpu.memref_slice %arg8[%dma_start3A_208] : memref<2000xf32, #tpu.memory_space<vmem>> -> memref<256xf32, #tpu.memory_space<vmem>>
      %dma_start3A_210 = tpu.memref_slice %arg20[%add3A_198] : memref<100096xf32, #tpu.memory_space<vmem_shared>> -> memref<256xf32, #tpu.memory_space<vmem_shared>>
      %dma_start3A_211 = arith.constant 0 : i32
      %dma_start3A_212 = tpu.memref_slice %arg8[%dma_start3A_211] : memref<2000xf32, #tpu.memory_space<vmem>> -> memref<256xf32, #tpu.memory_space<vmem>>
      %dma_start3A_213 = tpu.memref_slice %arg20[%add3A_198] : memref<100096xf32, #tpu.memory_space<vmem_shared>> -> memref<256xf32, #tpu.memory_space<vmem_shared>>
      tpu.enqueue_dma source(%dma_start3A_213 : memref<256xf32, #tpu.memory_space<vmem_shared>>) target(%dma_start3A_212 : memref<256xf32, #tpu.memory_space<vmem>>) target_semaphore(%run_scoped3A : memref<!tpu.dma_semaphore, #tpu.memory_space<semaphore_mem>>)
      %dma_wait3A_214 = arith.constant 0 : i32
      %dma_wait3A_215 = tpu.memref_slice %arg8[%dma_wait3A_214] : memref<2000xf32, #tpu.memory_space<vmem>> -> memref<256xf32, #tpu.memory_space<vmem>>
      %dma_wait3A_216 = tpu.memref_slice %arg20[%add3A_198] : memref<100096xf32, #tpu.memory_space<vmem_shared>> -> memref<256xf32, #tpu.memory_space<vmem_shared>>
      %dma_wait3A_217 = arith.constant 0 : i32
      %dma_wait3A_218 = tpu.memref_slice %arg8[%dma_wait3A_217] : memref<2000xf32, #tpu.memory_space<vmem>> -> memref<256xf32, #tpu.memory_space<vmem>>
      %dma_wait3A_219 = tpu.memref_slice %arg20[%add3A_198] : memref<100096xf32, #tpu.memory_space<vmem_shared>> -> memref<256xf32, #tpu.memory_space<vmem_shared>>
      tpu.wait_dma2 semaphore(%run_scoped3A : memref<!tpu.dma_semaphore, #tpu.memory_space<semaphore_mem>>) src(%dma_wait3A_219 : memref<256xf32, #tpu.memory_space<vmem_shared>>) dst(%dma_wait3A_218 : memref<256xf32, #tpu.memory_space<vmem>>)
      tpu.yield
    }) : () -> ()
    %add3A_199 = arith.constant 2 : i32
    %add3A_200 = arith.addi %add3A_199, %arg0 : i32
    %mul3A_201 = arith.constant 100096 : i32
    %mul3A_202 = arith.muli %add3A_200, %mul3A_201 : i32
    %mul3A_203 = arith.constant 6256 : i32
    %mul3A_204 = arith.muli %arg1, %mul3A_203 : i32
    %add3A_205 = arith.addi %mul3A_202, %mul3A_204 : i32
    %add3A_206 = arith.constant 6000 : i32
    %add3A_207 = arith.addi %add3A_205, %add3A_206 : i32
    "tpu.region"() ({
      %run_scoped3A = tpu.sem_alloc : memref<!tpu.dma_semaphore, #tpu.memory_space<semaphore_mem>>
      %dma_start3A_208 = arith.constant 0 : i32
      %dma_start3A_209 = tpu.memref_slice %arg8[%dma_start3A_208] : memref<2000xf32, #tpu.memory_space<vmem>> -> memref<256xf32, #tpu.memory_space<vmem>>
      %dma_start3A_210 = tpu.memref_slice %arg5[%add3A_207] : memref<400384xf32, #tpu.memory_space<hbm>> -> memref<256xf32, #tpu.memory_space<hbm>>
      %dma_start3A_211 = tpu.memref_slice %arg5[%add3A_207] : memref<400384xf32, #tpu.memory_space<hbm>> -> memref<256xf32, #tpu.memory_space<hbm>>
      %dma_start3A_212 = arith.constant 0 : i32
      %dma_start3A_213 = tpu.memref_slice %arg8[%dma_start3A_212] : memref<2000xf32, #tpu.memory_space<vmem>> -> memref<256xf32, #tpu.memory_space<vmem>>
      tpu.enqueue_dma source(%dma_start3A_213 : memref<256xf32, #tpu.memory_space<vmem>>) target(%dma_start3A_211 : memref<256xf32, #tpu.memory_space<hbm>>) target_semaphore(%run_scoped3A : memref<!tpu.dma_semaphore, #tpu.memory_space<semaphore_mem>>)
      %dma_wait3A_214 = arith.constant 0 : i32
      %dma_wait3A_215 = tpu.memref_slice %arg8[%dma_wait3A_214] : memref<2000xf32, #tpu.memory_space<vmem>> -> memref<256xf32, #tpu.memory_space<vmem>>
      %dma_wait3A_216 = tpu.memref_slice %arg5[%add3A_207] : memref<400384xf32, #tpu.memory_space<hbm>> -> memref<256xf32, #tpu.memory_space<hbm>>
      %dma_wait3A_217 = tpu.memref_slice %arg5[%add3A_207] : memref<400384xf32, #tpu.memory_space<hbm>> -> memref<256xf32, #tpu.memory_space<hbm>>
      %dma_wait3A_218 = arith.constant 0 : i32
      %dma_wait3A_219 = tpu.memref_slice %arg8[%dma_wait3A_218] : memref<2000xf32, #tpu.memory_space<vmem>> -> memref<256xf32, #tpu.memory_space<vmem>>
      tpu.wait_dma2 semaphore(%run_scoped3A : memref<!tpu.dma_semaphore, #tpu.memory_space<semaphore_mem>>) src(%dma_wait3A_219 : memref<256xf32, #tpu.memory_space<vmem>>) dst(%dma_wait3A_217 : memref<256xf32, #tpu.memory_space<hbm>>)
      tpu.yield
    }) : () -> ()
    return
  }
}

module attributes {stable_mosaic.version = 14 : i64} {
  func.func @_t1_body(%arg0: memref<2x782x128xf32, #tpu.memory_space<vmem>>, %arg1: memref<782x128xf32, #tpu.memory_space<vmem>>, %arg2: memref<782x128xf32, #tpu.memory_space<vmem>>, %arg3: memref<782x128xf32, #tpu.memory_space<vmem>>, %arg4: memref<782x128xf32, #tpu.memory_space<vmem>>, %arg5: memref<782x128xf32, #tpu.memory_space<vmem>>) attributes {dimension_semantics = [], scalar_prefetch = 0 : i64, scratch_operands = 0 : i64, tpu.core_type = #tpu.core_type<tc>} {
    %get3A = arith.constant 0 : index
    %get3A_0 = arith.constant 0 : index
    %get3A_1 = arith.constant 0 : index
    %get3A_2 = vector.load %arg0[%get3A, %get3A_0, %get3A_1] : memref<2x782x128xf32, #tpu.memory_space<vmem>>, vector<1x782x128xf32>
    %get3A_3 = vector.shape_cast %get3A_2 : vector<1x782x128xf32> to vector<782x128xf32>
    %get3A_4 = arith.constant 1 : index
    %get3A_5 = arith.constant 0 : index
    %get3A_6 = arith.constant 0 : index
    %get3A_7 = vector.load %arg0[%get3A_4, %get3A_5, %get3A_6] : memref<2x782x128xf32, #tpu.memory_space<vmem>>, vector<1x782x128xf32>
    %get3A_8 = vector.shape_cast %get3A_7 : vector<1x782x128xf32> to vector<782x128xf32>
    %add3A = arith.addf %get3A_3, %get3A_8 : vector<782x128xf32>
    %add3A_9 = arith.constant 1.000000e+00 : f32
    %add3A_10 = vector.broadcast %add3A_9 : f32 to vector<782x128xf32>
    %add3A_11 = arith.addf %add3A, %add3A_10 : vector<782x128xf32>
    %rsqrt3A = math.rsqrt %add3A_11 : vector<782x128xf32>
    %div3A = arith.constant 1.000000e+00 : f32
    %div3A_12 = vector.broadcast %div3A : f32 to vector<782x128xf32>
    %div3A_13 = arith.divf %div3A_12, %add3A_11 : vector<782x128xf32>
    %get3A_14 = arith.constant 0 : index
    %get3A_15 = arith.constant 0 : index
    %get3A_16 = vector.load %arg1[%get3A_14, %get3A_15] : memref<782x128xf32, #tpu.memory_space<vmem>>, vector<782x128xf32>
    %swap3A = arith.constant 0 : index
    %swap3A_17 = arith.constant 0 : index
    %swap3A_18 = vector.load %arg2[%swap3A, %swap3A_17] : memref<782x128xf32, #tpu.memory_space<vmem>>, vector<782x128xf32>
    tpu.vector_store %arg2[%swap3A, %swap3A_17], %div3A_13 {strides = array<i32>} : memref<782x128xf32, #tpu.memory_space<vmem>>, vector<782x128xf32>,
    %swap3A_19 = arith.constant 0 : index
    %swap3A_20 = arith.constant 0 : index
    %swap3A_21 = vector.load %arg3[%swap3A_19, %swap3A_20] : memref<782x128xf32, #tpu.memory_space<vmem>>, vector<782x128xf32>
    tpu.vector_store %arg3[%swap3A_19, %swap3A_20], %rsqrt3A {strides = array<i32>} : memref<782x128xf32, #tpu.memory_space<vmem>>, vector<782x128xf32>,
    %mul3A = arith.mulf %rsqrt3A, %get3A_16 : vector<782x128xf32>
    %swap3A_22 = arith.constant 0 : index
    %swap3A_23 = arith.constant 0 : index
    %swap3A_24 = vector.load %arg4[%swap3A_22, %swap3A_23] : memref<782x128xf32, #tpu.memory_space<vmem>>, vector<782x128xf32>
    tpu.vector_store %arg4[%swap3A_22, %swap3A_23], %mul3A {strides = array<i32>} : memref<782x128xf32, #tpu.memory_space<vmem>>, vector<782x128xf32>,
    %mul3A_25 = arith.mulf %get3A_16, %div3A_13 : vector<782x128xf32>
    %swap3A_26 = arith.constant 0 : index
    %swap3A_27 = arith.constant 0 : index
    %swap3A_28 = vector.load %arg5[%swap3A_26, %swap3A_27] : memref<782x128xf32, #tpu.memory_space<vmem>>, vector<782x128xf32>
    tpu.vector_store %arg5[%swap3A_26, %swap3A_27], %mul3A_25 {strides = array<i32>} : memref<782x128xf32, #tpu.memory_space<vmem>>, vector<782x128xf32>,
    return
  }
}

module attributes {stable_mosaic.version = 14 : i64} {
  func.func @_t2_body(%arg0: memref<782x128xf32, #tpu.memory_space<vmem>>, %arg1: memref<2x782x128xf32, #tpu.memory_space<vmem>>, %arg2: memref<782x128xf32, #tpu.memory_space<vmem>>, %arg3: memref<782x128xf32, #tpu.memory_space<vmem>>, %arg4: memref<1x16xf32, #tpu.memory_space<smem>>, %arg5: memref<16xf32, #tpu.memory_space<smem>>, %arg6: memref<16x2xf32, #tpu.memory_space<smem>>, %arg7: memref<782x128xi32, #tpu.memory_space<vmem>>, %arg8: memref<782x128xf32, #tpu.memory_space<vmem>>, %arg9: memref<782x128xf32, #tpu.memory_space<vmem>>) attributes {dimension_semantics = [], scalar_prefetch = 0 : i64, scratch_operands = 0 : i64, tpu.core_type = #tpu.core_type<tc>} {
    %get3A = arith.constant 0 : index
    %get3A_0 = arith.constant 0 : index
    %get3A_1 = vector.load %arg0[%get3A, %get3A_0] : memref<782x128xf32, #tpu.memory_space<vmem>>, vector<782x128xf32>
    %get3A_2 = arith.constant 0 : index
    %get3A_3 = arith.constant 0 : index
    %get3A_4 = arith.constant 0 : index
    %get3A_5 = vector.load %arg1[%get3A_2, %get3A_3, %get3A_4] : memref<2x782x128xf32, #tpu.memory_space<vmem>>, vector<1x782x128xf32>
    %get3A_6 = vector.shape_cast %get3A_5 : vector<1x782x128xf32> to vector<782x128xf32>
    %get3A_7 = arith.constant 1 : index
    %get3A_8 = arith.constant 0 : index
    %get3A_9 = arith.constant 0 : index
    %get3A_10 = vector.load %arg1[%get3A_7, %get3A_8, %get3A_9] : memref<2x782x128xf32, #tpu.memory_space<vmem>>, vector<1x782x128xf32>
    %get3A_11 = vector.shape_cast %get3A_10 : vector<1x782x128xf32> to vector<782x128xf32>
    %add3A = arith.addf %get3A_6, %get3A_11 : vector<782x128xf32>
    %mul3A = arith.mulf %get3A_1, %add3A : vector<782x128xf32>
    %get3A_12 = arith.constant 0 : index
    %get3A_13 = arith.constant 0 : index
    %get3A_14 = vector.load %arg2[%get3A_12, %get3A_13] : memref<782x128xf32, #tpu.memory_space<vmem>>, vector<782x128xf32>
    %add3A_15 = arith.addf %mul3A, %get3A_14 : vector<782x128xf32>
    %broadcast_in_dim3A = arith.constant 0.000000e+00 : f32
    %broadcast_in_dim3A_16 = vector.broadcast %broadcast_in_dim3A : f32 to vector<782x128xf32>
    %broadcast_in_dim3A_17 = arith.constant 0.000000e+00 : f32
    %broadcast_in_dim3A_18 = vector.broadcast %broadcast_in_dim3A_17 : f32 to vector<782x128xf32>
    %get3A_19 = arith.constant 0 : index
    %get3A_20 = arith.constant 0 : index
    %get3A_21 = memref.load %arg4[%get3A_19, %get3A_20] : memref<1x16xf32, #tpu.memory_space<smem>>
    %mul3A_22 = vector.broadcast %get3A_21 : f32 to vector<782x128xf32>
    %mul3A_23 = arith.mulf %add3A_15, %mul3A_22 : vector<782x128xf32>
    %get3A_24 = arith.constant 0 : index
    %get3A_25 = memref.load %arg5[%get3A_24] : memref<16xf32, #tpu.memory_space<smem>>
    %add3A_26 = vector.broadcast %get3A_25 : f32 to vector<782x128xf32>
    %add3A_27 = arith.addf %mul3A_23, %add3A_26 : vector<782x128xf32>
    %max3A = arith.constant 0.000000e+00 : f32
    %max3A_28 = vector.broadcast %max3A : f32 to vector<782x128xf32>
    %max3A_29 = arith.maximumf %add3A_27, %max3A_28 : vector<782x128xf32>
    %get3A_30 = arith.constant 0 : index
    %get3A_31 = arith.constant 0 : index
    %get3A_32 = memref.load %arg6[%get3A_30, %get3A_31] : memref<16x2xf32, #tpu.memory_space<smem>>
    %mul3A_33 = vector.broadcast %get3A_32 : f32 to vector<782x128xf32>
    %mul3A_34 = arith.mulf %max3A_29, %mul3A_33 : vector<782x128xf32>
    %add3A_35 = arith.addf %broadcast_in_dim3A_16, %mul3A_34 : vector<782x128xf32>
    %get3A_36 = arith.constant 0 : index
    %get3A_37 = arith.constant 1 : index
    %get3A_38 = memref.load %arg6[%get3A_36, %get3A_37] : memref<16x2xf32, #tpu.memory_space<smem>>
    %mul3A_39 = vector.broadcast %get3A_38 : f32 to vector<782x128xf32>
    %mul3A_40 = arith.mulf %max3A_29, %mul3A_39 : vector<782x128xf32>
    %add3A_41 = arith.addf %broadcast_in_dim3A_18, %mul3A_40 : vector<782x128xf32>
    %get3A_42 = arith.constant 0 : index
    %get3A_43 = arith.constant 1 : index
    %get3A_44 = memref.load %arg4[%get3A_42, %get3A_43] : memref<1x16xf32, #tpu.memory_space<smem>>
    %mul3A_45 = vector.broadcast %get3A_44 : f32 to vector<782x128xf32>
    %mul3A_46 = arith.mulf %add3A_15, %mul3A_45 : vector<782x128xf32>
    %get3A_47 = arith.constant 1 : index
    %get3A_48 = memref.load %arg5[%get3A_47] : memref<16xf32, #tpu.memory_space<smem>>
    %add3A_49 = vector.broadcast %get3A_48 : f32 to vector<782x128xf32>
    %add3A_50 = arith.addf %mul3A_46, %add3A_49 : vector<782x128xf32>
    %max3A_51 = arith.constant 0.000000e+00 : f32
    %max3A_52 = vector.broadcast %max3A_51 : f32 to vector<782x128xf32>
    %max3A_53 = arith.maximumf %add3A_50, %max3A_52 : vector<782x128xf32>
    %get3A_54 = arith.constant 1 : index
    %get3A_55 = arith.constant 0 : index
    %get3A_56 = memref.load %arg6[%get3A_54, %get3A_55] : memref<16x2xf32, #tpu.memory_space<smem>>
    %mul3A_57 = vector.broadcast %get3A_56 : f32 to vector<782x128xf32>
    %mul3A_58 = arith.mulf %max3A_53, %mul3A_57 : vector<782x128xf32>
    %add3A_59 = arith.addf %add3A_35, %mul3A_58 : vector<782x128xf32>
    %get3A_60 = arith.constant 1 : index
    %get3A_61 = arith.constant 1 : index
    %get3A_62 = memref.load %arg6[%get3A_60, %get3A_61] : memref<16x2xf32, #tpu.memory_space<smem>>
    %mul3A_63 = vector.broadcast %get3A_62 : f32 to vector<782x128xf32>
    %mul3A_64 = arith.mulf %max3A_53, %mul3A_63 : vector<782x128xf32>
    %add3A_65 = arith.addf %add3A_41, %mul3A_64 : vector<782x128xf32>
    %get3A_66 = arith.constant 0 : index
    %get3A_67 = arith.constant 2 : index
    %get3A_68 = memref.load %arg4[%get3A_66, %get3A_67] : memref<1x16xf32, #tpu.memory_space<smem>>
    %mul3A_69 = vector.broadcast %get3A_68 : f32 to vector<782x128xf32>
    %mul3A_70 = arith.mulf %add3A_15, %mul3A_69 : vector<782x128xf32>
    %get3A_71 = arith.constant 2 : index
    %get3A_72 = memref.load %arg5[%get3A_71] : memref<16xf32, #tpu.memory_space<smem>>
    %add3A_73 = vector.broadcast %get3A_72 : f32 to vector<782x128xf32>
    %add3A_74 = arith.addf %mul3A_70, %add3A_73 : vector<782x128xf32>
    %max3A_75 = arith.constant 0.000000e+00 : f32
    %max3A_76 = vector.broadcast %max3A_75 : f32 to vector<782x128xf32>
    %max3A_77 = arith.maximumf %add3A_74, %max3A_76 : vector<782x128xf32>
    %get3A_78 = arith.constant 2 : index
    %get3A_79 = arith.constant 0 : index
    %get3A_80 = memref.load %arg6[%get3A_78, %get3A_79] : memref<16x2xf32, #tpu.memory_space<smem>>
    %mul3A_81 = vector.broadcast %get3A_80 : f32 to vector<782x128xf32>
    %mul3A_82 = arith.mulf %max3A_77, %mul3A_81 : vector<782x128xf32>
    %add3A_83 = arith.addf %add3A_59, %mul3A_82 : vector<782x128xf32>
    %get3A_84 = arith.constant 2 : index
    %get3A_85 = arith.constant 1 : index
    %get3A_86 = memref.load %arg6[%get3A_84, %get3A_85] : memref<16x2xf32, #tpu.memory_space<smem>>
    %mul3A_87 = vector.broadcast %get3A_86 : f32 to vector<782x128xf32>
    %mul3A_88 = arith.mulf %max3A_77, %mul3A_87 : vector<782x128xf32>
    %add3A_89 = arith.addf %add3A_65, %mul3A_88 : vector<782x128xf32>
    %get3A_90 = arith.constant 0 : index
    %get3A_91 = arith.constant 3 : index
    %get3A_92 = memref.load %arg4[%get3A_90, %get3A_91] : memref<1x16xf32, #tpu.memory_space<smem>>
    %mul3A_93 = vector.broadcast %get3A_92 : f32 to vector<782x128xf32>
    %mul3A_94 = arith.mulf %add3A_15, %mul3A_93 : vector<782x128xf32>
    %get3A_95 = arith.constant 3 : index
    %get3A_96 = memref.load %arg5[%get3A_95] : memref<16xf32, #tpu.memory_space<smem>>
    %add3A_97 = vector.broadcast %get3A_96 : f32 to vector<782x128xf32>
    %add3A_98 = arith.addf %mul3A_94, %add3A_97 : vector<782x128xf32>
    %max3A_99 = arith.constant 0.000000e+00 : f32
    %max3A_100 = vector.broadcast %max3A_99 : f32 to vector<782x128xf32>
    %max3A_101 = arith.maximumf %add3A_98, %max3A_100 : vector<782x128xf32>
    %get3A_102 = arith.constant 3 : index
    %get3A_103 = arith.constant 0 : index
    %get3A_104 = memref.load %arg6[%get3A_102, %get3A_103] : memref<16x2xf32, #tpu.memory_space<smem>>
    %mul3A_105 = vector.broadcast %get3A_104 : f32 to vector<782x128xf32>
    %mul3A_106 = arith.mulf %max3A_101, %mul3A_105 : vector<782x128xf32>
    %add3A_107 = arith.addf %add3A_83, %mul3A_106 : vector<782x128xf32>
    %get3A_108 = arith.constant 3 : index
    %get3A_109 = arith.constant 1 : index
    %get3A_110 = memref.load %arg6[%get3A_108, %get3A_109] : memref<16x2xf32, #tpu.memory_space<smem>>
    %mul3A_111 = vector.broadcast %get3A_110 : f32 to vector<782x128xf32>
    %mul3A_112 = arith.mulf %max3A_101, %mul3A_111 : vector<782x128xf32>
    %add3A_113 = arith.addf %add3A_89, %mul3A_112 : vector<782x128xf32>
    %get3A_114 = arith.constant 0 : index
    %get3A_115 = arith.constant 4 : index
    %get3A_116 = memref.load %arg4[%get3A_114, %get3A_115] : memref<1x16xf32, #tpu.memory_space<smem>>
    %mul3A_117 = vector.broadcast %get3A_116 : f32 to vector<782x128xf32>
    %mul3A_118 = arith.mulf %add3A_15, %mul3A_117 : vector<782x128xf32>
    %get3A_119 = arith.constant 4 : index
    %get3A_120 = memref.load %arg5[%get3A_119] : memref<16xf32, #tpu.memory_space<smem>>
    %add3A_121 = vector.broadcast %get3A_120 : f32 to vector<782x128xf32>
    %add3A_122 = arith.addf %mul3A_118, %add3A_121 : vector<782x128xf32>
    %max3A_123 = arith.constant 0.000000e+00 : f32
    %max3A_124 = vector.broadcast %max3A_123 : f32 to vector<782x128xf32>
    %max3A_125 = arith.maximumf %add3A_122, %max3A_124 : vector<782x128xf32>
    %get3A_126 = arith.constant 4 : index
    %get3A_127 = arith.constant 0 : index
    %get3A_128 = memref.load %arg6[%get3A_126, %get3A_127] : memref<16x2xf32, #tpu.memory_space<smem>>
    %mul3A_129 = vector.broadcast %get3A_128 : f32 to vector<782x128xf32>
    %mul3A_130 = arith.mulf %max3A_125, %mul3A_129 : vector<782x128xf32>
    %add3A_131 = arith.addf %add3A_107, %mul3A_130 : vector<782x128xf32>
    %get3A_132 = arith.constant 4 : index
    %get3A_133 = arith.constant 1 : index
    %get3A_134 = memref.load %arg6[%get3A_132, %get3A_133] : memref<16x2xf32, #tpu.memory_space<smem>>
    %mul3A_135 = vector.broadcast %get3A_134 : f32 to vector<782x128xf32>
    %mul3A_136 = arith.mulf %max3A_125, %mul3A_135 : vector<782x128xf32>
    %add3A_137 = arith.addf %add3A_113, %mul3A_136 : vector<782x128xf32>
    %get3A_138 = arith.constant 0 : index
    %get3A_139 = arith.constant 5 : index
    %get3A_140 = memref.load %arg4[%get3A_138, %get3A_139] : memref<1x16xf32, #tpu.memory_space<smem>>
    %mul3A_141 = vector.broadcast %get3A_140 : f32 to vector<782x128xf32>
    %mul3A_142 = arith.mulf %add3A_15, %mul3A_141 : vector<782x128xf32>
    %get3A_143 = arith.constant 5 : index
    %get3A_144 = memref.load %arg5[%get3A_143] : memref<16xf32, #tpu.memory_space<smem>>
    %add3A_145 = vector.broadcast %get3A_144 : f32 to vector<782x128xf32>
    %add3A_146 = arith.addf %mul3A_142, %add3A_145 : vector<782x128xf32>
    %max3A_147 = arith.constant 0.000000e+00 : f32
    %max3A_148 = vector.broadcast %max3A_147 : f32 to vector<782x128xf32>
    %max3A_149 = arith.maximumf %add3A_146, %max3A_148 : vector<782x128xf32>
    %get3A_150 = arith.constant 5 : index
    %get3A_151 = arith.constant 0 : index
    %get3A_152 = memref.load %arg6[%get3A_150, %get3A_151] : memref<16x2xf32, #tpu.memory_space<smem>>
    %mul3A_153 = vector.broadcast %get3A_152 : f32 to vector<782x128xf32>
    %mul3A_154 = arith.mulf %max3A_149, %mul3A_153 : vector<782x128xf32>
    %add3A_155 = arith.addf %add3A_131, %mul3A_154 : vector<782x128xf32>
    %get3A_156 = arith.constant 5 : index
    %get3A_157 = arith.constant 1 : index
    %get3A_158 = memref.load %arg6[%get3A_156, %get3A_157] : memref<16x2xf32, #tpu.memory_space<smem>>
    %mul3A_159 = vector.broadcast %get3A_158 : f32 to vector<782x128xf32>
    %mul3A_160 = arith.mulf %max3A_149, %mul3A_159 : vector<782x128xf32>
    %add3A_161 = arith.addf %add3A_137, %mul3A_160 : vector<782x128xf32>
    %get3A_162 = arith.constant 0 : index
    %get3A_163 = arith.constant 6 : index
    %get3A_164 = memref.load %arg4[%get3A_162, %get3A_163] : memref<1x16xf32, #tpu.memory_space<smem>>
    %mul3A_165 = vector.broadcast %get3A_164 : f32 to vector<782x128xf32>
    %mul3A_166 = arith.mulf %add3A_15, %mul3A_165 : vector<782x128xf32>
    %get3A_167 = arith.constant 6 : index
    %get3A_168 = memref.load %arg5[%get3A_167] : memref<16xf32, #tpu.memory_space<smem>>
    %add3A_169 = vector.broadcast %get3A_168 : f32 to vector<782x128xf32>
    %add3A_170 = arith.addf %mul3A_166, %add3A_169 : vector<782x128xf32>
    %max3A_171 = arith.constant 0.000000e+00 : f32
    %max3A_172 = vector.broadcast %max3A_171 : f32 to vector<782x128xf32>
    %max3A_173 = arith.maximumf %add3A_170, %max3A_172 : vector<782x128xf32>
    %get3A_174 = arith.constant 6 : index
    %get3A_175 = arith.constant 0 : index
    %get3A_176 = memref.load %arg6[%get3A_174, %get3A_175] : memref<16x2xf32, #tpu.memory_space<smem>>
    %mul3A_177 = vector.broadcast %get3A_176 : f32 to vector<782x128xf32>
    %mul3A_178 = arith.mulf %max3A_173, %mul3A_177 : vector<782x128xf32>
    %add3A_179 = arith.addf %add3A_155, %mul3A_178 : vector<782x128xf32>
    %get3A_180 = arith.constant 6 : index
    %get3A_181 = arith.constant 1 : index
    %get3A_182 = memref.load %arg6[%get3A_180, %get3A_181] : memref<16x2xf32, #tpu.memory_space<smem>>
    %mul3A_183 = vector.broadcast %get3A_182 : f32 to vector<782x128xf32>
    %mul3A_184 = arith.mulf %max3A_173, %mul3A_183 : vector<782x128xf32>
    %add3A_185 = arith.addf %add3A_161, %mul3A_184 : vector<782x128xf32>
    %get3A_186 = arith.constant 0 : index
    %get3A_187 = arith.constant 7 : index
    %get3A_188 = memref.load %arg4[%get3A_186, %get3A_187] : memref<1x16xf32, #tpu.memory_space<smem>>
    %mul3A_189 = vector.broadcast %get3A_188 : f32 to vector<782x128xf32>
    %mul3A_190 = arith.mulf %add3A_15, %mul3A_189 : vector<782x128xf32>
    %get3A_191 = arith.constant 7 : index
    %get3A_192 = memref.load %arg5[%get3A_191] : memref<16xf32, #tpu.memory_space<smem>>
    %add3A_193 = vector.broadcast %get3A_192 : f32 to vector<782x128xf32>
    %add3A_194 = arith.addf %mul3A_190, %add3A_193 : vector<782x128xf32>
    %max3A_195 = arith.constant 0.000000e+00 : f32
    %max3A_196 = vector.broadcast %max3A_195 : f32 to vector<782x128xf32>
    %max3A_197 = arith.maximumf %add3A_194, %max3A_196 : vector<782x128xf32>
    %get3A_198 = arith.constant 7 : index
    %get3A_199 = arith.constant 0 : index
    %get3A_200 = memref.load %arg6[%get3A_198, %get3A_199] : memref<16x2xf32, #tpu.memory_space<smem>>
    %mul3A_201 = vector.broadcast %get3A_200 : f32 to vector<782x128xf32>
    %mul3A_202 = arith.mulf %max3A_197, %mul3A_201 : vector<782x128xf32>
    %add3A_203 = arith.addf %add3A_179, %mul3A_202 : vector<782x128xf32>
    %get3A_204 = arith.constant 7 : index
    %get3A_205 = arith.constant 1 : index
    %get3A_206 = memref.load %arg6[%get3A_204, %get3A_205] : memref<16x2xf32, #tpu.memory_space<smem>>
    %mul3A_207 = vector.broadcast %get3A_206 : f32 to vector<782x128xf32>
    %mul3A_208 = arith.mulf %max3A_197, %mul3A_207 : vector<782x128xf32>
    %add3A_209 = arith.addf %add3A_185, %mul3A_208 : vector<782x128xf32>
    %get3A_210 = arith.constant 0 : index
    %get3A_211 = arith.constant 8 : index
    %get3A_212 = memref.load %arg4[%get3A_210, %get3A_211] : memref<1x16xf32, #tpu.memory_space<smem>>
    %mul3A_213 = vector.broadcast %get3A_212 : f32 to vector<782x128xf32>
    %mul3A_214 = arith.mulf %add3A_15, %mul3A_213 : vector<782x128xf32>
    %get3A_215 = arith.constant 8 : index
    %get3A_216 = memref.load %arg5[%get3A_215] : memref<16xf32, #tpu.memory_space<smem>>
    %add3A_217 = vector.broadcast %get3A_216 : f32 to vector<782x128xf32>
    %add3A_218 = arith.addf %mul3A_214, %add3A_217 : vector<782x128xf32>
    %max3A_219 = arith.constant 0.000000e+00 : f32
    %max3A_220 = vector.broadcast %max3A_219 : f32 to vector<782x128xf32>
    %max3A_221 = arith.maximumf %add3A_218, %max3A_220 : vector<782x128xf32>
    %get3A_222 = arith.constant 8 : index
    %get3A_223 = arith.constant 0 : index
    %get3A_224 = memref.load %arg6[%get3A_222, %get3A_223] : memref<16x2xf32, #tpu.memory_space<smem>>
    %mul3A_225 = vector.broadcast %get3A_224 : f32 to vector<782x128xf32>
    %mul3A_226 = arith.mulf %max3A_221, %mul3A_225 : vector<782x128xf32>
    %add3A_227 = arith.addf %add3A_203, %mul3A_226 : vector<782x128xf32>
    %get3A_228 = arith.constant 8 : index
    %get3A_229 = arith.constant 1 : index
    %get3A_230 = memref.load %arg6[%get3A_228, %get3A_229] : memref<16x2xf32, #tpu.memory_space<smem>>
    %mul3A_231 = vector.broadcast %get3A_230 : f32 to vector<782x128xf32>
    %mul3A_232 = arith.mulf %max3A_221, %mul3A_231 : vector<782x128xf32>
    %add3A_233 = arith.addf %add3A_209, %mul3A_232 : vector<782x128xf32>
    %get3A_234 = arith.constant 0 : index
    %get3A_235 = arith.constant 9 : index
    %get3A_236 = memref.load %arg4[%get3A_234, %get3A_235] : memref<1x16xf32, #tpu.memory_space<smem>>
    %mul3A_237 = vector.broadcast %get3A_236 : f32 to vector<782x128xf32>
    %mul3A_238 = arith.mulf %add3A_15, %mul3A_237 : vector<782x128xf32>
    %get3A_239 = arith.constant 9 : index
    %get3A_240 = memref.load %arg5[%get3A_239] : memref<16xf32, #tpu.memory_space<smem>>
    %add3A_241 = vector.broadcast %get3A_240 : f32 to vector<782x128xf32>
    %add3A_242 = arith.addf %mul3A_238, %add3A_241 : vector<782x128xf32>
    %max3A_243 = arith.constant 0.000000e+00 : f32
    %max3A_244 = vector.broadcast %max3A_243 : f32 to vector<782x128xf32>
    %max3A_245 = arith.maximumf %add3A_242, %max3A_244 : vector<782x128xf32>
    %get3A_246 = arith.constant 9 : index
    %get3A_247 = arith.constant 0 : index
    %get3A_248 = memref.load %arg6[%get3A_246, %get3A_247] : memref<16x2xf32, #tpu.memory_space<smem>>
    %mul3A_249 = vector.broadcast %get3A_248 : f32 to vector<782x128xf32>
    %mul3A_250 = arith.mulf %max3A_245, %mul3A_249 : vector<782x128xf32>
    %add3A_251 = arith.addf %add3A_227, %mul3A_250 : vector<782x128xf32>
    %get3A_252 = arith.constant 9 : index
    %get3A_253 = arith.constant 1 : index
    %get3A_254 = memref.load %arg6[%get3A_252, %get3A_253] : memref<16x2xf32, #tpu.memory_space<smem>>
    %mul3A_255 = vector.broadcast %get3A_254 : f32 to vector<782x128xf32>
    %mul3A_256 = arith.mulf %max3A_245, %mul3A_255 : vector<782x128xf32>
    %add3A_257 = arith.addf %add3A_233, %mul3A_256 : vector<782x128xf32>
    %get3A_258 = arith.constant 0 : index
    %get3A_259 = arith.constant 10 : index
    %get3A_260 = memref.load %arg4[%get3A_258, %get3A_259] : memref<1x16xf32, #tpu.memory_space<smem>>
    %mul3A_261 = vector.broadcast %get3A_260 : f32 to vector<782x128xf32>
    %mul3A_262 = arith.mulf %add3A_15, %mul3A_261 : vector<782x128xf32>
    %get3A_263 = arith.constant 10 : index
    %get3A_264 = memref.load %arg5[%get3A_263] : memref<16xf32, #tpu.memory_space<smem>>
    %add3A_265 = vector.broadcast %get3A_264 : f32 to vector<782x128xf32>
    %add3A_266 = arith.addf %mul3A_262, %add3A_265 : vector<782x128xf32>
    %max3A_267 = arith.constant 0.000000e+00 : f32
    %max3A_268 = vector.broadcast %max3A_267 : f32 to vector<782x128xf32>
    %max3A_269 = arith.maximumf %add3A_266, %max3A_268 : vector<782x128xf32>
    %get3A_270 = arith.constant 10 : index
    %get3A_271 = arith.constant 0 : index
    %get3A_272 = memref.load %arg6[%get3A_270, %get3A_271] : memref<16x2xf32, #tpu.memory_space<smem>>
    %mul3A_273 = vector.broadcast %get3A_272 : f32 to vector<782x128xf32>
    %mul3A_274 = arith.mulf %max3A_269, %mul3A_273 : vector<782x128xf32>
    %add3A_275 = arith.addf %add3A_251, %mul3A_274 : vector<782x128xf32>
    %get3A_276 = arith.constant 10 : index
    %get3A_277 = arith.constant 1 : index
    %get3A_278 = memref.load %arg6[%get3A_276, %get3A_277] : memref<16x2xf32, #tpu.memory_space<smem>>
    %mul3A_279 = vector.broadcast %get3A_278 : f32 to vector<782x128xf32>
    %mul3A_280 = arith.mulf %max3A_269, %mul3A_279 : vector<782x128xf32>
    %add3A_281 = arith.addf %add3A_257, %mul3A_280 : vector<782x128xf32>
    %get3A_282 = arith.constant 0 : index
    %get3A_283 = arith.constant 11 : index
    %get3A_284 = memref.load %arg4[%get3A_282, %get3A_283] : memref<1x16xf32, #tpu.memory_space<smem>>
    %mul3A_285 = vector.broadcast %get3A_284 : f32 to vector<782x128xf32>
    %mul3A_286 = arith.mulf %add3A_15, %mul3A_285 : vector<782x128xf32>
    %get3A_287 = arith.constant 11 : index
    %get3A_288 = memref.load %arg5[%get3A_287] : memref<16xf32, #tpu.memory_space<smem>>
    %add3A_289 = vector.broadcast %get3A_288 : f32 to vector<782x128xf32>
    %add3A_290 = arith.addf %mul3A_286, %add3A_289 : vector<782x128xf32>
    %max3A_291 = arith.constant 0.000000e+00 : f32
    %max3A_292 = vector.broadcast %max3A_291 : f32 to vector<782x128xf32>
    %max3A_293 = arith.maximumf %add3A_290, %max3A_292 : vector<782x128xf32>
    %get3A_294 = arith.constant 11 : index
    %get3A_295 = arith.constant 0 : index
    %get3A_296 = memref.load %arg6[%get3A_294, %get3A_295] : memref<16x2xf32, #tpu.memory_space<smem>>
    %mul3A_297 = vector.broadcast %get3A_296 : f32 to vector<782x128xf32>
    %mul3A_298 = arith.mulf %max3A_293, %mul3A_297 : vector<782x128xf32>
    %add3A_299 = arith.addf %add3A_275, %mul3A_298 : vector<782x128xf32>
    %get3A_300 = arith.constant 11 : index
    %get3A_301 = arith.constant 1 : index
    %get3A_302 = memref.load %arg6[%get3A_300, %get3A_301] : memref<16x2xf32, #tpu.memory_space<smem>>
    %mul3A_303 = vector.broadcast %get3A_302 : f32 to vector<782x128xf32>
    %mul3A_304 = arith.mulf %max3A_293, %mul3A_303 : vector<782x128xf32>
    %add3A_305 = arith.addf %add3A_281, %mul3A_304 : vector<782x128xf32>
    %get3A_306 = arith.constant 0 : index
    %get3A_307 = arith.constant 12 : index
    %get3A_308 = memref.load %arg4[%get3A_306, %get3A_307] : memref<1x16xf32, #tpu.memory_space<smem>>
    %mul3A_309 = vector.broadcast %get3A_308 : f32 to vector<782x128xf32>
    %mul3A_310 = arith.mulf %add3A_15, %mul3A_309 : vector<782x128xf32>
    %get3A_311 = arith.constant 12 : index
    %get3A_312 = memref.load %arg5[%get3A_311] : memref<16xf32, #tpu.memory_space<smem>>
    %add3A_313 = vector.broadcast %get3A_312 : f32 to vector<782x128xf32>
    %add3A_314 = arith.addf %mul3A_310, %add3A_313 : vector<782x128xf32>
    %max3A_315 = arith.constant 0.000000e+00 : f32
    %max3A_316 = vector.broadcast %max3A_315 : f32 to vector<782x128xf32>
    %max3A_317 = arith.maximumf %add3A_314, %max3A_316 : vector<782x128xf32>
    %get3A_318 = arith.constant 12 : index
    %get3A_319 = arith.constant 0 : index
    %get3A_320 = memref.load %arg6[%get3A_318, %get3A_319] : memref<16x2xf32, #tpu.memory_space<smem>>
    %mul3A_321 = vector.broadcast %get3A_320 : f32 to vector<782x128xf32>
    %mul3A_322 = arith.mulf %max3A_317, %mul3A_321 : vector<782x128xf32>
    %add3A_323 = arith.addf %add3A_299, %mul3A_322 : vector<782x128xf32>
    %get3A_324 = arith.constant 12 : index
    %get3A_325 = arith.constant 1 : index
    %get3A_326 = memref.load %arg6[%get3A_324, %get3A_325] : memref<16x2xf32, #tpu.memory_space<smem>>
    %mul3A_327 = vector.broadcast %get3A_326 : f32 to vector<782x128xf32>
    %mul3A_328 = arith.mulf %max3A_317, %mul3A_327 : vector<782x128xf32>
    %add3A_329 = arith.addf %add3A_305, %mul3A_328 : vector<782x128xf32>
    %get3A_330 = arith.constant 0 : index
    %get3A_331 = arith.constant 13 : index
    %get3A_332 = memref.load %arg4[%get3A_330, %get3A_331] : memref<1x16xf32, #tpu.memory_space<smem>>
    %mul3A_333 = vector.broadcast %get3A_332 : f32 to vector<782x128xf32>
    %mul3A_334 = arith.mulf %add3A_15, %mul3A_333 : vector<782x128xf32>
    %get3A_335 = arith.constant 13 : index
    %get3A_336 = memref.load %arg5[%get3A_335] : memref<16xf32, #tpu.memory_space<smem>>
    %add3A_337 = vector.broadcast %get3A_336 : f32 to vector<782x128xf32>
    %add3A_338 = arith.addf %mul3A_334, %add3A_337 : vector<782x128xf32>
    %max3A_339 = arith.constant 0.000000e+00 : f32
    %max3A_340 = vector.broadcast %max3A_339 : f32 to vector<782x128xf32>
    %max3A_341 = arith.maximumf %add3A_338, %max3A_340 : vector<782x128xf32>
    %get3A_342 = arith.constant 13 : index
    %get3A_343 = arith.constant 0 : index
    %get3A_344 = memref.load %arg6[%get3A_342, %get3A_343] : memref<16x2xf32, #tpu.memory_space<smem>>
    %mul3A_345 = vector.broadcast %get3A_344 : f32 to vector<782x128xf32>
    %mul3A_346 = arith.mulf %max3A_341, %mul3A_345 : vector<782x128xf32>
    %add3A_347 = arith.addf %add3A_323, %mul3A_346 : vector<782x128xf32>
    %get3A_348 = arith.constant 13 : index
    %get3A_349 = arith.constant 1 : index
    %get3A_350 = memref.load %arg6[%get3A_348, %get3A_349] : memref<16x2xf32, #tpu.memory_space<smem>>
    %mul3A_351 = vector.broadcast %get3A_350 : f32 to vector<782x128xf32>
    %mul3A_352 = arith.mulf %max3A_341, %mul3A_351 : vector<782x128xf32>
    %add3A_353 = arith.addf %add3A_329, %mul3A_352 : vector<782x128xf32>
    %get3A_354 = arith.constant 0 : index
    %get3A_355 = arith.constant 14 : index
    %get3A_356 = memref.load %arg4[%get3A_354, %get3A_355] : memref<1x16xf32, #tpu.memory_space<smem>>
    %mul3A_357 = vector.broadcast %get3A_356 : f32 to vector<782x128xf32>
    %mul3A_358 = arith.mulf %add3A_15, %mul3A_357 : vector<782x128xf32>
    %get3A_359 = arith.constant 14 : index
    %get3A_360 = memref.load %arg5[%get3A_359] : memref<16xf32, #tpu.memory_space<smem>>
    %add3A_361 = vector.broadcast %get3A_360 : f32 to vector<782x128xf32>
    %add3A_362 = arith.addf %mul3A_358, %add3A_361 : vector<782x128xf32>
    %max3A_363 = arith.constant 0.000000e+00 : f32
    %max3A_364 = vector.broadcast %max3A_363 : f32 to vector<782x128xf32>
    %max3A_365 = arith.maximumf %add3A_362, %max3A_364 : vector<782x128xf32>
    %get3A_366 = arith.constant 14 : index
    %get3A_367 = arith.constant 0 : index
    %get3A_368 = memref.load %arg6[%get3A_366, %get3A_367] : memref<16x2xf32, #tpu.memory_space<smem>>
    %mul3A_369 = vector.broadcast %get3A_368 : f32 to vector<782x128xf32>
    %mul3A_370 = arith.mulf %max3A_365, %mul3A_369 : vector<782x128xf32>
    %add3A_371 = arith.addf %add3A_347, %mul3A_370 : vector<782x128xf32>
    %get3A_372 = arith.constant 14 : index
    %get3A_373 = arith.constant 1 : index
    %get3A_374 = memref.load %arg6[%get3A_372, %get3A_373] : memref<16x2xf32, #tpu.memory_space<smem>>
    %mul3A_375 = vector.broadcast %get3A_374 : f32 to vector<782x128xf32>
    %mul3A_376 = arith.mulf %max3A_365, %mul3A_375 : vector<782x128xf32>
    %add3A_377 = arith.addf %add3A_353, %mul3A_376 : vector<782x128xf32>
    %get3A_378 = arith.constant 0 : index
    %get3A_379 = arith.constant 15 : index
    %get3A_380 = memref.load %arg4[%get3A_378, %get3A_379] : memref<1x16xf32, #tpu.memory_space<smem>>
    %mul3A_381 = vector.broadcast %get3A_380 : f32 to vector<782x128xf32>
    %mul3A_382 = arith.mulf %add3A_15, %mul3A_381 : vector<782x128xf32>
    %get3A_383 = arith.constant 15 : index
    %get3A_384 = memref.load %arg5[%get3A_383] : memref<16xf32, #tpu.memory_space<smem>>
    %add3A_385 = vector.broadcast %get3A_384 : f32 to vector<782x128xf32>
    %add3A_386 = arith.addf %mul3A_382, %add3A_385 : vector<782x128xf32>
    %max3A_387 = arith.constant 0.000000e+00 : f32
    %max3A_388 = vector.broadcast %max3A_387 : f32 to vector<782x128xf32>
    %max3A_389 = arith.maximumf %add3A_386, %max3A_388 : vector<782x128xf32>
    %get3A_390 = arith.constant 15 : index
    %get3A_391 = arith.constant 0 : index
    %get3A_392 = memref.load %arg6[%get3A_390, %get3A_391] : memref<16x2xf32, #tpu.memory_space<smem>>
    %mul3A_393 = vector.broadcast %get3A_392 : f32 to vector<782x128xf32>
    %mul3A_394 = arith.mulf %max3A_389, %mul3A_393 : vector<782x128xf32>
    %add3A_395 = arith.addf %add3A_371, %mul3A_394 : vector<782x128xf32>
    %get3A_396 = arith.constant 15 : index
    %get3A_397 = arith.constant 1 : index
    %get3A_398 = memref.load %arg6[%get3A_396, %get3A_397] : memref<16x2xf32, #tpu.memory_space<smem>>
    %mul3A_399 = vector.broadcast %get3A_398 : f32 to vector<782x128xf32>
    %mul3A_400 = arith.mulf %max3A_389, %mul3A_399 : vector<782x128xf32>
    %add3A_401 = arith.addf %add3A_377, %mul3A_400 : vector<782x128xf32>
    %get3A_402 = arith.constant 0 : index
    %get3A_403 = arith.constant 0 : index
    %get3A_404 = vector.load %arg3[%get3A_402, %get3A_403] : memref<782x128xf32, #tpu.memory_space<vmem>>, vector<782x128xf32>
    %mul3A_405 = arith.mulf %get3A_1, %add3A_395 : vector<782x128xf32>
    %convert_element_type3A = arith.truncf %mul3A_405 : vector<782x128xf32> to vector<782x128xbf16>
    %bitcast_convert_type3A = tpu.bitcast %convert_element_type3A : vector<782x128xbf16> -> vector<782x128xi16>
    %convert_element_type3A_406 = arith.extui %bitcast_convert_type3A : vector<782x128xi16> to vector<782x128xi32>
    %mul3A_407 = arith.mulf %get3A_1, %add3A_401 : vector<782x128xf32>
    %convert_element_type3A_408 = arith.truncf %mul3A_407 : vector<782x128xf32> to vector<782x128xbf16>
    %bitcast_convert_type3A_409 = tpu.bitcast %convert_element_type3A_408 : vector<782x128xbf16> -> vector<782x128xi16>
    %convert_element_type3A_410 = arith.extui %bitcast_convert_type3A_409 : vector<782x128xi16> to vector<782x128xi32>
    %shift_left3A = arith.constant 16 : i32
    %shift_left3A_411 = vector.broadcast %shift_left3A : i32 to vector<782x128xi32>
    %shift_left3A_412 = arith.shli %convert_element_type3A_410, %shift_left3A_411 : vector<782x128xi32>
    %or3A = arith.ori %shift_left3A_412, %convert_element_type3A_406 : vector<782x128xi32>
    %swap3A = arith.constant 0 : index
    %swap3A_413 = arith.constant 0 : index
    %swap3A_414 = vector.load %arg7[%swap3A, %swap3A_413] : memref<782x128xi32, #tpu.memory_space<vmem>>, vector<782x128xi32>
    tpu.vector_store %arg7[%swap3A, %swap3A_413], %or3A {strides = array<i32>} : memref<782x128xi32, #tpu.memory_space<vmem>>, vector<782x128xi32>,
    %mul3A_415 = arith.mulf %add3A_395, %get3A_404 : vector<782x128xf32>
    %swap3A_416 = arith.constant 0 : index
    %swap3A_417 = arith.constant 0 : index
    %swap3A_418 = vector.load %arg8[%swap3A_416, %swap3A_417] : memref<782x128xf32, #tpu.memory_space<vmem>>, vector<782x128xf32>
    tpu.vector_store %arg8[%swap3A_416, %swap3A_417], %mul3A_415 {strides = array<i32>} : memref<782x128xf32, #tpu.memory_space<vmem>>, vector<782x128xf32>,
    %mul3A_419 = arith.mulf %add3A_401, %get3A_404 : vector<782x128xf32>
    %swap3A_420 = arith.constant 0 : index
    %swap3A_421 = arith.constant 0 : index
    %swap3A_422 = vector.load %arg9[%swap3A_420, %swap3A_421] : memref<782x128xf32, #tpu.memory_space<vmem>>, vector<782x128xf32>
    tpu.vector_store %arg9[%swap3A_420, %swap3A_421], %mul3A_419 {strides = array<i32>} : memref<782x128xf32, #tpu.memory_space<vmem>>, vector<782x128xf32>,
    return
  }
}

module attributes {stable_mosaic.version = 14 : i64} {
  func.func @_t3_body(%arg0: memref<782x128xf32, #tpu.memory_space<vmem>>, %arg1: memref<2x782x128xf32, #tpu.memory_space<vmem>>, %arg2: memref<2x782x128xf32, #tpu.memory_space<vmem>>, %arg3: memref<782x128xf32, #tpu.memory_space<vmem>>, %arg4: memref<782x128xf32, #tpu.memory_space<vmem>>, %arg5: memref<2xf32, #tpu.memory_space<smem>>, %arg6: memref<782x128xf32, #tpu.memory_space<vmem>>, %arg7: memref<782x128xf32, #tpu.memory_space<vmem>>) attributes {dimension_semantics = [], scalar_prefetch = 0 : i64, scratch_operands = 0 : i64, tpu.core_type = #tpu.core_type<tc>} {
    %get3A = arith.constant 0 : index
    %get3A_0 = arith.constant 0 : index
    %get3A_1 = vector.load %arg0[%get3A, %get3A_0] : memref<782x128xf32, #tpu.memory_space<vmem>>, vector<782x128xf32>
    %get3A_2 = arith.constant 0 : index
    %get3A_3 = arith.constant 0 : index
    %get3A_4 = arith.constant 0 : index
    %get3A_5 = vector.load %arg1[%get3A_2, %get3A_3, %get3A_4] : memref<2x782x128xf32, #tpu.memory_space<vmem>>, vector<1x782x128xf32>
    %get3A_6 = vector.shape_cast %get3A_5 : vector<1x782x128xf32> to vector<782x128xf32>
    %get3A_7 = arith.constant 1 : index
    %get3A_8 = arith.constant 0 : index
    %get3A_9 = arith.constant 0 : index
    %get3A_10 = vector.load %arg1[%get3A_7, %get3A_8, %get3A_9] : memref<2x782x128xf32, #tpu.memory_space<vmem>>, vector<1x782x128xf32>
    %get3A_11 = vector.shape_cast %get3A_10 : vector<1x782x128xf32> to vector<782x128xf32>
    %add3A = arith.addf %get3A_6, %get3A_11 : vector<782x128xf32>
    %mul3A = arith.mulf %get3A_1, %add3A : vector<782x128xf32>
    %get3A_12 = arith.constant 0 : index
    %get3A_13 = arith.constant 0 : index
    %get3A_14 = vector.load %arg3[%get3A_12, %get3A_13] : memref<782x128xf32, #tpu.memory_space<vmem>>, vector<782x128xf32>
    %add3A_15 = arith.addf %mul3A, %get3A_14 : vector<782x128xf32>
    %get3A_16 = arith.constant 0 : index
    %get3A_17 = memref.load %arg5[%get3A_16] : memref<2xf32, #tpu.memory_space<smem>>
    %add3A_18 = vector.broadcast %get3A_17 : f32 to vector<782x128xf32>
    %add3A_19 = arith.addf %add3A_15, %add3A_18 : vector<782x128xf32>
    %get3A_20 = arith.constant 0 : index
    %get3A_21 = arith.constant 0 : index
    %get3A_22 = arith.constant 0 : index
    %get3A_23 = vector.load %arg2[%get3A_20, %get3A_21, %get3A_22] : memref<2x782x128xf32, #tpu.memory_space<vmem>>, vector<1x782x128xf32>
    %get3A_24 = vector.shape_cast %get3A_23 : vector<1x782x128xf32> to vector<782x128xf32>
    %get3A_25 = arith.constant 1 : index
    %get3A_26 = arith.constant 0 : index
    %get3A_27 = arith.constant 0 : index
    %get3A_28 = vector.load %arg2[%get3A_25, %get3A_26, %get3A_27] : memref<2x782x128xf32, #tpu.memory_space<vmem>>, vector<1x782x128xf32>
    %get3A_29 = vector.shape_cast %get3A_28 : vector<1x782x128xf32> to vector<782x128xf32>
    %add3A_30 = arith.addf %get3A_24, %get3A_29 : vector<782x128xf32>
    %mul3A_31 = arith.mulf %get3A_1, %add3A_30 : vector<782x128xf32>
    %get3A_32 = arith.constant 0 : index
    %get3A_33 = arith.constant 0 : index
    %get3A_34 = vector.load %arg4[%get3A_32, %get3A_33] : memref<782x128xf32, #tpu.memory_space<vmem>>, vector<782x128xf32>
    %add3A_35 = arith.addf %mul3A_31, %get3A_34 : vector<782x128xf32>
    %get3A_36 = arith.constant 1 : index
    %get3A_37 = memref.load %arg5[%get3A_36] : memref<2xf32, #tpu.memory_space<smem>>
    %add3A_38 = vector.broadcast %get3A_37 : f32 to vector<782x128xf32>
    %add3A_39 = arith.addf %add3A_35, %add3A_38 : vector<782x128xf32>
    %max3A = arith.maximumf %add3A_19, %add3A_39 : vector<782x128xf32>
    %sub3A = arith.subf %add3A_19, %max3A : vector<782x128xf32>
    %exp3A = math.exp %sub3A : vector<782x128xf32>
    %sub3A_40 = arith.subf %add3A_39, %max3A : vector<782x128xf32>
    %exp3A_41 = math.exp %sub3A_40 : vector<782x128xf32>
    %add3A_42 = arith.addf %exp3A, %exp3A_41 : vector<782x128xf32>
    %div3A = arith.divf %exp3A, %add3A_42 : vector<782x128xf32>
    %swap3A = arith.constant 0 : index
    %swap3A_43 = arith.constant 0 : index
    %swap3A_44 = vector.load %arg6[%swap3A, %swap3A_43] : memref<782x128xf32, #tpu.memory_space<vmem>>, vector<782x128xf32>
    tpu.vector_store %arg6[%swap3A, %swap3A_43], %div3A {strides = array<i32>} : memref<782x128xf32, #tpu.memory_space<vmem>>, vector<782x128xf32>,
    %div3A_45 = arith.divf %exp3A_41, %add3A_42 : vector<782x128xf32>
    %swap3A_46 = arith.constant 0 : index
    %swap3A_47 = arith.constant 0 : index
    %swap3A_48 = vector.load %arg7[%swap3A_46, %swap3A_47] : memref<782x128xf32, #tpu.memory_space<vmem>>, vector<782x128xf32>
    tpu.vector_store %arg7[%swap3A_46, %swap3A_47], %div3A_45 {strides = array<i32>} : memref<782x128xf32, #tpu.memory_space<vmem>>, vector<782x128xf32>,
    return
  }
}

</mosaic_0001>

<sc_bundles>
// kernel: kernel.11.cloned.1.call-start
scs
__scs_entry_jumppad:
0x0: {  	(pc) =	sbr.rel $0x88, $3  }
0x1: {  	(tag) =	ssettag $0x0;
	lr =	simm.s32 $0x1  }
0x2: {  	[smem:$0x3F9B] =	sst lr;
	_ =	strace $0xD0000000  }
0x3: {  	_ = 	snop  }
0x4: {  	_ = 	snop  }
0x5: {  	_ = 	snop  }
0x6: {  	_ = 	snop  }
0x7: {  	_ = 	snop  }
__scs_overlays_trampoline_lowered:
0x8: {  	[smem:$0x3FAA] =	sst s0  }
0x9: {  	[smem:$0x3FAB] =	sst s1  }
0xa: {  	[smem:$0x3FAC] =	sst s2  }
0xb: {  	[smem:$0x3FAD] =	sst s3  }
0xc: {  	[smem:$0x3FAE] =	sst s4  }
0xd: {  	[smem:$0x3FAF] =	sst s5  }
0xe: {  	[smem:$0x3FB0] =	sst s6  }
0xf: {  	[smem:$0x3FB1] =	sst s7  }
0x10: {  	[smem:$0x3FB2] =	sst s8  }
0x11: {  	[smem:$0x3FB3] =	sst s9;
	s0 =	simm.s32 @!p0 $0x0  }
0x12: {  	s1 =	sld [smem:$0x3F99];
	s0 =	simm.s32 @p0 $0x1  }
0x13: {  	[smem:$0x3FB4] =	sst s0;
	s0 =	simm.s32 @!p1 $0x0  }
0x14: {  	s2 =	sld [smem:$0x3F98];
	s0 =	simm.s32 @p1 $0x1  }
0x15: {  	[smem:$0x3FB5] =	sst s0;
	s0 =	simm.s32 @!p2 $0x0  }
0x16: {  	s3 =	sld [smem:$0x3FDB];
	s0 =	simm.s32 @p2 $0x1  }
0x17: {  	s4 =	simm.s32 $0x1BF5;
	[smem:$0x3FB7] =	sst s0  }
0x18: {  	s0 =	sld [smem:$0x3F9A];
	_ =	swait.ge [sflag:s4], $0x0  }
0x19: {  	s7 =	sld [smem:$0x3F9B]  }
0x1a: {  	s8 =	sadd.s32 $0xFFFFE003, lr  }
0x1b: {  	s9 =	sadd.s32 $0xFFFFFEF7, lr;
	s5 =	simm.s32 $0xFFFFFFFF;
	p2 =	slt.u32 s8, $0xFFFFF086  }
0x1c: {  	p1 =	slt.u32 s9, $0xF7A;
	s5 =	simm.s32 @!p2 $0x0  }
0x1d: {  	s5 =	simm.s32 @p1 $0x1;
	p0 =	seq.s32 s7, s2  }
0x1e: {  	s7 =	smul.u32 @!p0 $0xF7A, s2;
	p2 =	seq.s32 @!p0 s5, $0x0  }
0x1f: {  	s9 =	smul.u32 $0xF7A, s1;
	s8 =	simm.s32 @!p0 $0x1BF5;
	p2 =	por !p2, p0  }
0x20: {  	[sflag:s8] =	ssyncset.s32 @!p0 $0xFFFFF086;
	s6 =	sadd.s32 @!p0 s3, s7;
	s7 =	simm.s32 @!p0 $0x108  }
0x21: {  	s3 =	sadd.s32 s3, s9;
	s6 =	sadd.s32 @!p0 $0x88, s6;
	s7 =	simm.s32 @p2 $0x1082  }
0x22: {  	[simem:s7], [sflag:s8] =	dma.local @!p0 [hbm:s6], $0xF7A  }
0x23: {  	s9 =	sor.u32 $0xD0000000, s2;
	s6 =	simm.s32 $0x108;
	_ =	swait.ge @!p0 [sflag:s8], $0x0  }
0x24: {  	s3 =	sadd.s32 $0x88, s3;
	s6 =	simm.s32 @!p1 $0x1082;
	[sflag:s4] =	ssyncset.s32 $0xFFFFF086  }
0x25: {  	[simem:s6], [sflag:s4] =	dma.local [hbm:s3], $0xF7A  }
0x26: {  	[smem:$0x3F9B] =	sst s1;
	(tag) =	ssettag s2;
	_ =	strace s9  }
0x27: {  	s1 =	sld [smem:$0x3FAB]  }
0x28: {  	s2 =	sld [smem:$0x3FAC]  }
0x29: {  	s4 =	sld [smem:$0x3FAE]  }
0x2a: {  	p0 =	seq.s32 s5, $0x0;
	s5 =	sld [smem:$0x3FAF]  }
0x2b: {  	s6 =	sld [smem:$0x3FB0]  }
0x2c: {  	s7 =	sld [smem:$0x3FB1]  }
0x2d: {  	s3 =	simm.s32 $0x108;
	s8 =	sld [smem:$0x3FB2]  }
0x2e: {  	s3 =	simm.s32 @!p0 $0x1082;
	s9 =	sld [smem:$0x3FB3]  }
0x2f: {  	lr =	sadd.s32 s0, s3;
	s0 =	sld [smem:$0x3FAA]  }
0x30: {  	s3 =	sld [smem:$0x3FAD]  }
0x31: {  	[smem:$0x3FB6] =	sst s10  }
0x32: {  	s10 =	sld [smem:$0x3FB4];
	_ =	sdelay $0x3  }
0x33: {  	p0 =	seq.s32 s10, $0x1;
	s10 =	sld [smem:$0x3FB6];
	_ =	sdelay $0x3  }
0x34: {  	[smem:$0x3FB6] =	sst s10  }
0x35: {  	s10 =	sld [smem:$0x3FB5];
	_ =	sdelay $0x3  }
0x36: {  	p1 =	seq.s32 s10, $0x1;
	s10 =	sld [smem:$0x3FB6];
	_ =	sdelay $0x3  }
0x37: {  	[smem:$0x3FB6] =	sst s10  }
0x38: {  	s10 =	sld [smem:$0x3FB7]  }
0x39: {  	_ = 	snop;
	(pc) =	sbr.ind lr, $3  }
0x3a: {  	_ = 	snop  }
0x3b: {  	_ = 	snop  }
0x3c: {  	p2 =	seq.s32 s10, $0x1;
	s10 =	sld [smem:$0x3FB6]  }
0x3d: {  	_ =	shalt  }
0x3e: {  	_ =	shalt  }
0x3f: {  	_ =	shalt  }
0x40: {  	_ =	shalt  }
0x41: {  	_ =	shalt  }
0x42: {  	_ =	shalt  }
0x43: {  	_ =	shalt  }
0x44: {  	_ =	shalt  }
0x45: {  	_ =	shalt  }
0x46: {  	_ =	shalt  }
0x47: {  	_ =	shalt  }
0x48: {  	_ =	shalt  }
0x49: {  	_ =	shalt  }
0x4a: {  	_ =	shalt  }
0x4b: {  	_ =	shalt  }
0x4c: {  	_ =	shalt  }
0x4d: {  	_ =	shalt  }
0x4e: {  	_ =	shalt  }
0x4f: {  	_ =	shalt  }
0x50: {  	_ =	shalt  }
0x51: {  	_ =	shalt  }
0x52: {  	_ =	shalt  }
0x53: {  	_ =	shalt  }
0x54: {  	_ =	shalt  }
0x55: {  	_ =	shalt  }
0x56: {  	_ =	shalt  }
0x57: {  	_ =	shalt  }
0x58: {  	_ =	shalt  }
0x59: {  	_ =	shalt  }
0x5a: {  	_ =	shalt  }
0x5b: {  	_ =	shalt  }
0x5c: {  	_ =	shalt  }
0x5d: {  	_ =	shalt  }
0x5e: {  	_ =	shalt  }
0x5f: {  	_ =	shalt  }
0x60: {  	_ =	shalt  }
0x61: {  	_ =	shalt  }
0x62: {  	_ =	shalt  }
0x63: {  	_ =	shalt  }
0x64: {  	_ =	shalt  }
0x65: {  	_ =	shalt  }
0x66: {  	_ =	shalt  }
0x67: {  	_ =	shalt  }
0x68: {  	_ =	shalt  }
0x69: {  	_ =	shalt  }
0x6a: {  	_ =	shalt  }
0x6b: {  	_ =	shalt  }
0x6c: {  	_ =	shalt  }
0x6d: {  	_ =	shalt  }
0x6e: {  	_ =	shalt  }
0x6f: {  	_ =	shalt  }
0x70: {  	_ =	shalt  }
0x71: {  	_ =	shalt  }
0x72: {  	_ =	shalt  }
0x73: {  	_ =	shalt  }
0x74: {  	_ =	shalt  }
0x75: {  	_ =	shalt  }
0x76: {  	_ =	shalt  }
0x77: {  	_ =	shalt  }
0x78: {  	_ =	shalt  }
0x79: {  	_ =	shalt  }
0x7a: {  	_ =	shalt  }
0x7b: {  	_ =	shalt  }
0x7c: {  	_ =	shalt  }
0x7d: {  	_ =	shalt  }
0x7e: {  	_ =	shalt  }
0x7f: {  	_ =	shalt  }
0x80: {  	_ =	shalt  }
0x81: {  	_ =	shalt  }
0x82: {  	_ =	shalt  }
0x83: {  	_ =	shalt  }
0x84: {  	_ =	shalt  }
0x85: {  	_ =	shalt  }
0x86: {  	_ =	shalt  }
0x87: {  	_ =	shalt  }
.Lfunc_end0:
.L_simem_size_0:
called_computation.1_lowered:
.L_overlay_start_0:
0x88: {  	s2 =	sld [smem:$0x3FD9]  }
0x89: {  	s3 =	sld [smem:$0x3FFE];
	_ =	sdelay $0x1  }
0x8a: {  	s1 =	srdreg.scid  }
0x8b: {  	s0 =	sand.u32 $0x1, s1  }
0x8c: {  	s17 =	sshll.u32 s0, $0xA;
	s2 =	sadd.s32 s3, s2  }
0x8d: {  	s2 =	sadd.s32 s2, s17  }
0x8e: {  	[smem:$0x3FC2] =	sst s2  }
0x8f: {  	_ = 	snop  }
0x90: {  	s2 =	sld [smem:$0x3FD0];
	(tm) =	ssettm $0x1  }
0x91: {  	s18 =	sld [smem:$0x3FFB];
	_ =	sdelay $0x3  }
0x92: {  	_ =	strace s18  }
0x93: {  	s3 =	sld [smem:$0x3FFC];
	_ =	sdelay $0x3  }
0x94: {  	_ =	strace s3  }
0x95: {  	s3 =	sld [smem:$0x3FFD];
	_ =	sdelay $0x3  }
0x96: {  	_ =	strace s3  }
0x97: {  	_ =	strace $0x8FFFFFFF  }
0x98: {  	s19 =	sld [smem:$0x3FDB];
	_ =	sdelay $0x1  }
0x99: {  	s4 =	simm.s32 $_scs_section_size  }
0x9a: {  	s5 =	simm.s32 $_size__tile_overlayer_lowered;
	s6 =	simm.s32 $_tile_overlayer_lowered  }
0x9b: {  	s22 =	simm.s32 $0x1BFF;
	s21 =	sshll.u32 s6, $0x1;
	s3 =	sadd.s32 s4, s19  }
0x9c: {  	s7 =	simm.s32 $0x0;
	s20 =	sshll.u32 s5, $0x1;
	s5 =	sadd.s32 s21, s3  }
0x9d: {  	[timem:s7], [sflag:s22] =	dma.local [hbm:s5], s20  }
0x9e: {  	_ =	swait.ge [sflag:s22], s20  }
0x9f: {  	s4 =	ssub.s32 $0x0, s20;
	[sflag:s22] =	ssyncset.done $0x0  }
0xa0: {  	[sflag:s22] =	ssyncadd.s32 s4;
	_ =	sdelay $0x1  }
0xa1: {  	s23 =	simm.s32 $0x1B8B  }
0xa2: {  	_ =	swait.ge [sflag:s23], $0x1  }
0xa3: {  	[sflag:s23] =	ssyncset.done $0x0  }
0xa4: {  	s25 =	simm.s32 $0x1B8E;
	s24 =	sld [smem:$0x3FFE];
	[sflag:s23] =	ssyncadd.s32 $0xFFFFFFFF  }
0xa5: {  	s26 =	simm.s32 $execute0_lowered;
	[smem:$0x3FD2] =	sst s25  }
0xa6: {  	s5 =	sshll.u32 s26, $0x1;
	_ =	strace $0x80000049;
	[dreg:$0x1] =	wrdreg $0xFFFFFFFF  }
0xa7: {  	s28 =	simm.s32 $_size_execute0_lowered;
	s3 =	sadd.s32 s3, s5;
	[dreg:$0x0] =	wrdreg $0x0  }
0xa8: {  	s5 =	sshll.u32 s28, $0x1;
	[dreg:$0x2] =	wrdreg s3  }
0xa9: {  	[dreg:$0x3] =	wrdreg s5  }
0xaa: {  	[dreg:$0x4] =	wrdreg $0xC0  }
0xab: {  	_ =	task [dreg:s7], $0x5FFFF  }
0xac: {  	[dreg:$0x1] =	wrdreg $0xFFFFFFFF  }
0xad: {  	[dreg:$0x0] =	wrdreg $0x60  }
0xae: {  	[dreg:$0x2] =	wrdreg s2  }
0xaf: {  	[dreg:$0x3] =	wrdreg s24  }
0xb0: {  	[dreg:$0x4] =	wrdreg $0x1E7000  }
0xb1: {  	[dreg:$0x5] =	wrdreg $0x9  }
0xb2: {  	_ =	task.clear_ibuf [dreg:s7], $0x6FFFF;
	_ =	strace $0x90000049  }
0xb3: {  	s29 =	simm.s32 $0x9;
	_ =	strace $0x8000004B  }
0xb4: {  	_ =	swait.ge [sflag:s29], $0x1  }
0xb5: {  	[sflag:s29] =	ssyncadd.s32 $0xFFFFFFFF  }
0xb6: {  	_ =	strace $0x9000004B  }
0xb7: {  	_ =	sfence  }
0xb8: {  	s30 =	sld [smem:$0x0];
	_ =	sdelay $0x2  }
0xb9: {  	s31 =	sshll.u32 s1, $0xD;
	s1 =	sshrl.u32 s1, $0x2  }
0xba: {  	s3 =	sand.u32 $0x4000, s31;
	s1 =	sadd.s32 s1, s30  }
0xbb: {  	s0 =	sor.u32 s3, s0;
	s1 =	sshll.u32 s1, $0x11  }
0xbc: {  	s0 =	sor.u32 s1, s0  }
0xbd: {  	s0 =	sadd.s32 $0x8F2B, s0  }
0xbe: {  	[sflag:s0] =	ssyncadd.remote.s32 $0x1  }
0xbf: {  	_ =	sfence.sel $0xFFFF  }
0xc0: {  	[dreg:$0x0] =	wrdreg $0xFFFFFFFF;
	(pc) =	sbr.abs _section_cstart, $3  }
0xc1: {  	[dreg:$0x1] =	wrdreg $0xFFFFFFFF  }
0xc2: {  	_ =	task.clear_ibuf [dreg:s7], $0x2FFFF;
	_ =	strace $0x9FFFFFFF  }
0xc3: {  	(tm) =	ssettm $0x7FFFFFFF  }
tec
execute0_lowered:
.L_overlay_start_1:
0x0: {  	(tag) =	ssettag $0x1  }
0x1: {  	s0 =	rddreg [dreg:$0x1]  }
0x2: {  	s3 =	rddreg [dreg:$0x2];
	s1 =	srdreg.scid  }
0x3: {  	s5 =	stileid.u32;
	s4 =	simm.s32 $0x0;
	s18 =	simm.s32 $0x6000  }
0x4: {  	s19 =	simm.s32 $0x5;
	s20 =	simm.s32 $0x2000;
	s21 =	simm.s32 $0x1000  }
0x5: {  	s22 =	simm.s32 $0x3000;
	s23 =	simm.s32 $0x4000;
	s24 =	simm.s32 $0x1  }
0x6: {  	s28 =	simm.s32 $0x5000;
	s29 =	simm.s32 $0x2;
	s30 =	simm.s32 $0x4  }
0x7: {  	s31 =	simm.s32 $0x0;
	s1 =	sand.u32 $0x1, s1;
	s2 =	smul.u32 $0x1870, s5  }
0x8: {  	[smem:$0x7FF] =	sst s4;
	s7 =	sshll.u32 s5, $0x1;
	s5 =	sadd.s32 $0x1E00, s0  }
0x9: {  	s6 =	smul.u32 $0x18700, s1;
	s7 =	sor.u32 s1, s7;
	s1 =	ssub.s32 $0x2, s1  }
0xa: {  	_ =	strace $0x8000004A;
	s9 =	smul.u32 $0x30D40, s7;
	s25 =	sshrl.u32 s1, $0x1  }
0xb: {  	s7 =	sadd.s32 s2, s3;
	s6 =	sadd.s32 s2, s6;
	s1 =	ssub.s32 s1, s25  }
0xc: {  	s25 =	simm.s32 $0xFA0;
	s8 =	sshrl.u32 s6, $0x3;
	s6 =	sadd.s32 $0xC5400, s0  }
0xd: {  	s26 =	sshrl.u32 s9, $0x3;
	s13 =	sadd.s32 $0x1F40, s9;
	s14 =	sadd.s32 $0x2EE0, s9  }
0xe: {  	s17 =	smax.u32 s1, $0x1;
	s0 =	sadd.s32 s8, s0;
	s10 =	sadd.s32 s5, s26  }
0xf: {  	s8 =	sadd.s32 $0xFA0, s7;
	s12 =	sadd.s32 $0x1F4, s26;
	[dreg:$0x4] =	wrdreg s10  }
0x10: {  	s10 =	sadd.s32 s6, s26;
	s11 =	sadd.s32 s5, s12;
	s12 =	sadd.s32 s6, s12  }
0x11: {  	v0 =	vimm.f32 $0.0e+00;
	s15 =	sadd.s32 $0x188A00, s0;
	s16 =	sadd.s32 $0x188BF4, s0;
	s26 =	simm.s32 $0x3  }
.LBB2_1:
0x12: {  	s0 =	rddreg [dreg:$0x0]  }
0x13: {  	[tilespmem:s18], [sflag:$0x5] =	stream.linear.gather [hbm4b:s0+s4], $0x18700, $0x38;
	[tilespmem:$0x1FF70] =	vst v63  }
0x14: {  	_ =	swait.ge [sflag:s19], $0x18700  }
0x15: {  	[sflag:s19] =	ssyncset.done $0x0  }
0x16: {  	s1 =	simm.s32 $0x0;
	s0 =	simm.s32 $0x40;
	[sflag:s19] =	ssyncadd.s32 $0xFFFE7900  }
.LBB2_2:
0x17: {  	p0 =	sne.s32 s0, $0x3E40;
	[tilespmem:s1+$0x2000] =	vst v0;
	s1 =	smov.u32 s0;
	s0 =	sadd.s32 $0x40, s0  }
.Ltmp0:
0x18: {  	(pc) =	sbr.rel @p0 .LBB2_2-.Ltmp0, $2  }
0x19: {  	_ =	sdelay $0x2  }
0x1a: {  	s1 =	sshra.s32 s1, $0x2  }
0x1b: {  	[tilespmem:s1+$0x2000] =	vst v0  }
0x1c: {  	[spmem:s7] =	stream.linear.scatter [tilespmem:s20], [sflag:$0x5], $0xFA0, $0x38;
	[tilespmem:$0x1FF70] =	vst v63  }
0x1d: {  	_ =	swait.ge [sflag:s19], $0xFA0  }
0x1e: {  	[sflag:s19] =	ssyncset.done $0x0  }
0x1f: {  	[sflag:s19] =	ssyncadd.s32 $0xFFFFF060  }
0x20: {  	[spmem:s8] =	stream.linear.scatter [tilespmem:s20], [sflag:$0x5], $0x8D0, $0x38;
	[tilespmem:$0x1FF70] =	vst v63  }
0x21: {  	_ =	swait.ge [sflag:s19], $0x8D0  }
0x22: {  	[sflag:s19] =	ssyncset.done $0x0  }
0x23: {  	[sflag:s19] =	ssyncadd.s32 $0xFFFFF730  }
0x24: {  	[bflag:$0x0] =	sbarrier.arrive $0xFFFF  }
0x25: {  	s0 =	simm.s32 $0x0;
	s9 =	rddreg [dreg:$0x4]  }
0x26: {  	[tilespmem:s0], [sflag:$0x1] =	stream.linear.gather [hbm4b:s9+s0], $0xFA0, $0x38;
	[tilespmem:$0x1FF70] =	vst v63  }
0x27: {  	_ = 	snop  }
0x28: {  	[tilespmem:s21], [sflag:$0x1] =	stream.linear.gather [hbm4b:s10+s0], $0xFA0, $0x38;
	[tilespmem:$0x1FF70] =	vst v63  }
0x29: {  	_ = 	snop  }
0x2a: {  	[tilespmem:s22], [sflag:$0x3] =	stream.linear.gather [hbm4b:s11+s0], $0xFA0, $0x38;
	[tilespmem:$0x1FF70] =	vst v63  }
0x2b: {  	_ = 	snop  }
0x2c: {  	[tilespmem:s23], [sflag:$0x3] =	stream.linear.gather [hbm4b:s12+s0], $0xFA0, $0x38;
	[tilespmem:$0x1FF70] =	vst v63  }
.LBB2_4:
0x2d: {  	_ =	swait.ge [sflag:s24], $0xFA0  }
0x2e: {  	[sflag:s24] =	ssyncset.done $0x0  }
0x2f: {  	[sflag:s24] =	ssyncadd.s32 $0xFFFFF060  }
0x30: {  	_ =	swait.ge [sflag:s24], $0xFA0  }
0x31: {  	[sflag:s24] =	ssyncset.done $0x0  }
0x32: {  	s2 =	simm.s32 $0x0;
	[sflag:s24] =	ssyncadd.s32 $0xFFFFF060  }
0x33: {  	v1 =	vld [tilespmem:s2+$0x0];
	_ =	sdelay $0x7  }
0x34: {  	s1 =	simm.s32 $0x10;
	s9 =	simm.s32 $0x80;
	v1 =	vld.idx.msk [tilespmem:v1+s18+$0x0], $0xffff  }
.LBB2_5:
0x35: {  	p0 =	sne.s32 s9, $0x3E40;
	v2 =	vld [tilespmem:s1+$0x0];
	_ =	sdelay $0x3  }
.Ltmp1:
0x36: {  	(pc) =	sbr.rel @p0 .LBB2_5-.Ltmp1, $2  }
0x37: {  	[tilespmem:s2+$0x2000] =	vst v1;
	s2 =	smov.u32 s1;
	_ =	sdelay $0x2  }
0x38: {  	s1 =	sshra.s32 s9, $0x2;
	s9 =	sadd.s32 $0x40, s9;
	v1 =	vld.idx.msk [tilespmem:v2+s18+$0x0], $0xffff  }
0x39: {  	v2 =	vld [tilespmem:s1+$0x0];
	_ =	sdelay $0x6  }
0x3a: {  	[tilespmem:s2+$0x2000] =	vst v1  }
0x3b: {  	v1 =	vld.idx.msk [tilespmem:v2+s18+$0x0], $0xffff;
	_ =	sdelay $0x4  }
0x3c: {  	[tilespmem:s1+$0x2000] =	vst v1  }
0x3d: {  	[spmem:s3] =	stream.indirect.scatter.add.f32 [tilespmem:s20], [sflag:$0x2], $0x1, s21, s25, $0xb8;
	[tilespmem:$0x1FF70] =	vst v63  }
0x3e: {  	_ =	swait.ge [sflag:s26], $0xFA0  }
0x3f: {  	[sflag:s26] =	ssyncset.done $0x0  }
0x40: {  	[sflag:s26] =	ssyncadd.s32 $0xFFFFF060  }
0x41: {  	_ =	swait.ge [sflag:s26], $0xFA0  }
0x42: {  	[sflag:s26] =	ssyncset.done $0x0  }
0x43: {  	s2 =	simm.s32 $0x0;
	[sflag:s26] =	ssyncadd.s32 $0xFFFFF060  }
0x44: {  	v1 =	vld [tilespmem:s2+$0x3000];
	_ =	sdelay $0x7  }
0x45: {  	s9 =	simm.s32 $0x80;
	s1 =	simm.s32 $0x10;
	v1 =	vld.idx.msk [tilespmem:v1+s18+$0x0], $0xffff  }
.LBB2_7:
0x46: {  	p0 =	sne.s32 s9, $0x3E40;
	v2 =	vld [tilespmem:s1+$0x3000];
	_ =	sdelay $0x3  }
.Ltmp2:
0x47: {  	(pc) =	sbr.rel @p0 .LBB2_7-.Ltmp2, $2  }
0x48: {  	[tilespmem:s2+$0x5000] =	vst v1;
	s2 =	smov.u32 s1;
	_ =	sdelay $0x2  }
0x49: {  	s1 =	sshra.s32 s9, $0x2;
	s9 =	sadd.s32 $0x40, s9;
	v1 =	vld.idx.msk [tilespmem:v2+s18+$0x0], $0xffff  }
0x4a: {  	v2 =	vld [tilespmem:s1+$0x3000];
	_ =	sdelay $0x6  }
0x4b: {  	[tilespmem:s2+$0x5000] =	vst v1  }
0x4c: {  	v1 =	vld.idx.msk [tilespmem:v2+s18+$0x0], $0xffff;
	_ =	sdelay $0x4  }
0x4d: {  	[tilespmem:s1+$0x5000] =	vst v1;
	s1 =	smul.u32 $0x1F40, s0  }
0x4e: {  	[spmem:s3] =	stream.indirect.scatter.add.f32 [tilespmem:s28], [sflag:$0x4], $0x1, s23, s25, $0xb8;
	[tilespmem:$0x1FF70] =	vst v63  }
0x4f: {  	_ =	swait.ge [sflag:s29], $0xFA0;
	s9 =	sadd.s32 s1, s13  }
0x50: {  	[sflag:s29] =	ssyncset.done $0x0;
	s2 =	sshrl.u32 s9, $0x3  }
0x51: {  	[sflag:s29] =	ssyncadd.s32 $0xFFFFF060;
	s9 =	sadd.s32 s5, s2  }
0x52: {  	[tilespmem:s4], [sflag:$0x1] =	stream.linear.gather [hbm4b:s9+s4], $0xFA0, $0x38;
	[tilespmem:$0x1FF70] =	vst v63  }
0x53: {  	s0 =	sadd.s32 $0x1, s0;
	s2 =	sadd.s32 s6, s2  }
0x54: {  	[tilespmem:s21], [sflag:$0x1] =	stream.linear.gather [hbm4b:s2+s4], $0xFA0, $0x38;
	[tilespmem:$0x1FF70] =	vst v63  }
0x55: {  	p0 =	sne.s32 s0, $0x18;
	s1 =	sadd.s32 s1, s14;
	_ =	swait.ge [sflag:s30], $0xFA0  }
.Ltmp3:
0x56: {  	s1 =	sshrl.u32 s1, $0x3;
	[sflag:s30] =	ssyncset.done $0x0;
	(pc) =	sbr.rel @p0 .LBB2_4-.Ltmp3, $4  }
0x57: {  	s9 =	sadd.s32 s5, s1;
	[sflag:s30] =	ssyncadd.s32 $0xFFFFF060  }
0x58: {  	[tilespmem:s22], [sflag:$0x3] =	stream.linear.gather [hbm4b:s9+s4], $0xFA0, $0x38;
	[tilespmem:$0x1FF70] =	vst v63  }
0x59: {  	s1 =	sadd.s32 s6, s1  }
0x5a: {  	[tilespmem:s23], [sflag:$0x3] =	stream.linear.gather [hbm4b:s1+s4], $0xFA0, $0x38;
	[tilespmem:$0x1FF70] =	vst v63  }
0x5b: {  	_ =	swait.ge [sflag:s24], $0xFA0  }
0x5c: {  	[sflag:s24] =	ssyncset.done $0x0  }
0x5d: {  	[sflag:s24] =	ssyncadd.s32 $0xFFFFF060  }
0x5e: {  	_ =	swait.ge [sflag:s24], $0xFA0  }
0x5f: {  	[sflag:s24] =	ssyncset.done $0x0  }
0x60: {  	s0 =	simm.s32 $0x0;
	[sflag:s24] =	ssyncadd.s32 $0xFFFFF060  }
0x61: {  	v1 =	vld [tilespmem:s0+$0x0];
	_ =	sdelay $0x7  }
0x62: {  	s1 =	simm.s32 $0x10;
	s2 =	simm.s32 $0x80;
	v1 =	vld.idx.msk [tilespmem:v1+s18+$0x0], $0xffff  }
.LBB2_10:
0x63: {  	p0 =	sne.s32 s2, $0x3E40;
	v2 =	vld [tilespmem:s1+$0x0];
	_ =	sdelay $0x3  }
.Ltmp4:
0x64: {  	(pc) =	sbr.rel @p0 .LBB2_10-.Ltmp4, $2  }
0x65: {  	[tilespmem:s0+$0x2000] =	vst v1;
	s0 =	smov.u32 s1;
	_ =	sdelay $0x2  }
0x66: {  	s1 =	sshra.s32 s2, $0x2;
	s2 =	sadd.s32 $0x40, s2;
	v1 =	vld.idx.msk [tilespmem:v2+s18+$0x0], $0xffff  }
0x67: {  	v2 =	vld [tilespmem:s1+$0x0];
	_ =	sdelay $0x6  }
0x68: {  	[tilespmem:s0+$0x2000] =	vst v1  }
0x69: {  	v1 =	vld.idx.msk [tilespmem:v2+s18+$0x0], $0xffff;
	_ =	sdelay $0x4  }
0x6a: {  	[tilespmem:s1+$0x2000] =	vst v1  }
0x6b: {  	[spmem:s3] =	stream.indirect.scatter.add.f32 [tilespmem:s20], [sflag:$0x2], $0x1, s21, s25, $0xb8;
	[tilespmem:$0x1FF70] =	vst v63  }
0x6c: {  	_ =	swait.ge [sflag:s26], $0xFA0  }
0x6d: {  	[sflag:s26] =	ssyncset.done $0x0  }
0x6e: {  	[sflag:s26] =	ssyncadd.s32 $0xFFFFF060  }
0x6f: {  	_ =	swait.ge [sflag:s26], $0xFA0  }
0x70: {  	[sflag:s26] =	ssyncset.done $0x0  }
0x71: {  	s0 =	simm.s32 $0x0;
	[sflag:s26] =	ssyncadd.s32 $0xFFFFF060  }
0x72: {  	v1 =	vld [tilespmem:s0+$0x3000];
	_ =	sdelay $0x7  }
0x73: {  	s2 =	simm.s32 $0x80;
	s1 =	simm.s32 $0x10;
	v1 =	vld.idx.msk [tilespmem:v1+s18+$0x0], $0xffff  }
.LBB2_12:
0x74: {  	p0 =	sne.s32 s2, $0x3E40;
	v2 =	vld [tilespmem:s1+$0x3000];
	_ =	sdelay $0x3  }
.Ltmp5:
0x75: {  	(pc) =	sbr.rel @p0 .LBB2_12-.Ltmp5, $2  }
0x76: {  	[tilespmem:s0+$0x5000] =	vst v1;
	s0 =	smov.u32 s1;
	_ =	sdelay $0x2  }
0x77: {  	s1 =	sshra.s32 s2, $0x2;
	s2 =	sadd.s32 $0x40, s2;
	v1 =	vld.idx.msk [tilespmem:v2+s18+$0x0], $0xffff  }
0x78: {  	v2 =	vld [tilespmem:s1+$0x3000];
	_ =	sdelay $0x6  }
0x79: {  	[tilespmem:s0+$0x5000] =	vst v1  }
0x7a: {  	v1 =	vld.idx.msk [tilespmem:v2+s18+$0x0], $0xffff;
	_ =	sdelay $0x4  }
0x7b: {  	[tilespmem:s1+$0x5000] =	vst v1  }
0x7c: {  	[spmem:s3] =	stream.indirect.scatter.add.f32 [tilespmem:s28], [sflag:$0x4], $0x1, s23, s25, $0xb8;
	[tilespmem:$0x1FF70] =	vst v63  }
0x7d: {  	_ =	swait.ge [sflag:s29], $0xFA0  }
0x7e: {  	[sflag:s29] =	ssyncset.done $0x0  }
0x7f: {  	[sflag:s29] =	ssyncadd.s32 $0xFFFFF060  }
0x80: {  	_ =	swait.ge [sflag:s30], $0xFA0  }
0x81: {  	[sflag:s30] =	ssyncset.done $0x0  }
0x82: {  	[sflag:s30] =	ssyncadd.s32 $0xFFFFF060  }
0x83: {  	[bflag:$0x0] =	sbarrier.arrive $0xFFFF  }
0x84: {  	[tilespmem:s20], [sflag:$0x5] =	stream.linear.gather [spmem:s7], $0xFA0, $0x38;
	[tilespmem:$0x1FF70] =	vst v63  }
0x85: {  	_ =	swait.ge [sflag:s19], $0xFA0  }
0x86: {  	[sflag:s19] =	ssyncset.done $0x0  }
0x87: {  	[sflag:s19] =	ssyncadd.s32 $0xFFFFF060  }
0x88: {  	[hbm4b:s15+s4] =	stream.linear.scatter [tilespmem:s20], [sflag:$0x5], $0xFA0, $0x38;
	[tilespmem:$0x1FF70] =	vst v63  }
0x89: {  	_ =	swait.ge [sflag:s19], $0xFA0  }
0x8a: {  	[sflag:s19] =	ssyncset.done $0x0  }
0x8b: {  	[sflag:s19] =	ssyncadd.s32 $0xFFFFF060  }
0x8c: {  	[tilespmem:s20], [sflag:$0x5] =	stream.linear.gather [spmem:s8], $0x8D0, $0x38;
	[tilespmem:$0x1FF70] =	vst v63  }
0x8d: {  	s31 =	sadd.s32 $0x1, s31;
	_ =	swait.ge [sflag:s19], $0x8D0  }
0x8e: {  	p0 =	sne.s32 s31, s17;
	[sflag:s19] =	ssyncset.done $0x0  }
.Ltmp6:
0x8f: {  	[sflag:s19] =	ssyncadd.s32 $0xFFFFF730;
	(pc) =	sbr.rel @p0 .LBB2_1-.Ltmp6, $4  }
0x90: {  	[hbm4b:s16+s4] =	stream.linear.scatter [tilespmem:s20], [sflag:$0x5], $0x8D0, $0x38;
	[tilespmem:$0x1FF70] =	vst v63  }
0x91: {  	_ =	swait.ge [sflag:s19], $0x8D0  }
0x92: {  	[sflag:s19] =	ssyncset.done $0x0  }
0x93: {  	[sflag:s19] =	ssyncadd.s32 $0xFFFFF730  }
0x94: {  	_ =	sfence.sel $0x180000  }
0x95: {  	[bflag:$0x0] =	sbarrier.arrive $0xFFFF  }
0x96: {  	_ =	strace $0x9000004A  }
0x97: {  	s0 =	stileid.u32;
	[bflag:$0x2] =	sbarrier.arrive $0xFFFF  }
0x98: {  	p0 =	sne.s32 s0, $0x0;
	s0 =	rddreg [dreg:$0x3]  }
0x99: {  	s0 =	sadd.s32 @!p0 $0x100000, s0  }
0x9a: {  	[sflag:s0] =	ssyncadd.tile.s32 @!p0 $0x1;
	_ =	shalt  }
.Lfunc_end2:
_tile_overlayer_lowered:
.L_overlay_start_2:
0x9b: {  	(tag) =	ssettag $0x2  }
0x9c: {  	s0 =	rddreg [dreg:$0x0];
	s2 =	stileid.u32  }
0x9d: {  	s1 =	rddreg [dreg:$0x1];
	p0 =	sne.s32 s2, $0x0  }
0x9e: {  	s3 =	rddreg [dreg:$0x2];
	[bflag:$0x3] =	sbarrier.arrive $0xFFFF;
	s2 =	simm.s32 @!p0 $0x1C05  }
0x9f: {  	[timem:s3], [sflag:s2] =	dma.local @!p0 [hbm:s0], s1  }
0xa0: {  	s0 =	simm.s32 @!p0 $0x5  }
0xa1: {  	_ =	swait.ge @!p0 [sflag:s0], s1  }
0xa2: {  	s1 =	ssub.s32 @!p0 $0x0, s1;
	[sflag:s0] =	ssyncset.done @!p0 $0x0  }
0xa3: {  	[sflag:s0] =	ssyncadd.s32 @!p0 s1  }
0xa4: {  	[bflag:$0x3] =	sbarrier.arrive $0xFFFF  }
0xa5: {  	_ =	shalt  }

// kernel: kernel.14.cloned.1.call-start
scs
__scs_entry_jumppad:
0x0: {  	(pc) =	sbr.rel $0x88, $3  }
0x1: {  	(tag) =	ssettag $0x0;
	lr =	simm.s32 $0x1  }
0x2: {  	[smem:$0x3F9B] =	sst lr;
	_ =	strace $0xD0000000  }
0x3: {  	_ = 	snop  }
0x4: {  	_ = 	snop  }
0x5: {  	_ = 	snop  }
0x6: {  	_ = 	snop  }
0x7: {  	_ = 	snop  }
__scs_overlays_trampoline_lowered:
0x8: {  	[smem:$0x3FAA] =	sst s0  }
0x9: {  	[smem:$0x3FAB] =	sst s1  }
0xa: {  	[smem:$0x3FAC] =	sst s2  }
0xb: {  	[smem:$0x3FAD] =	sst s3  }
0xc: {  	[smem:$0x3FAE] =	sst s4  }
0xd: {  	[smem:$0x3FAF] =	sst s5  }
0xe: {  	[smem:$0x3FB0] =	sst s6  }
0xf: {  	[smem:$0x3FB1] =	sst s7  }
0x10: {  	[smem:$0x3FB2] =	sst s8  }
0x11: {  	[smem:$0x3FB3] =	sst s9;
	s0 =	simm.s32 @!p0 $0x0  }
0x12: {  	s1 =	sld [smem:$0x3F99];
	s0 =	simm.s32 @p0 $0x1  }
0x13: {  	[smem:$0x3FB4] =	sst s0;
	s0 =	simm.s32 @!p1 $0x0  }
0x14: {  	s2 =	sld [smem:$0x3F98];
	s0 =	simm.s32 @p1 $0x1  }
0x15: {  	[smem:$0x3FB5] =	sst s0;
	s0 =	simm.s32 @!p2 $0x0  }
0x16: {  	s3 =	sld [smem:$0x3FDB];
	s0 =	simm.s32 @p2 $0x1  }
0x17: {  	s4 =	simm.s32 $0x1BF5;
	[smem:$0x3FB7] =	sst s0  }
0x18: {  	s0 =	sld [smem:$0x3F9A];
	_ =	swait.ge [sflag:s4], $0x0  }
0x19: {  	s7 =	sld [smem:$0x3F9B]  }
0x1a: {  	s8 =	sadd.s32 $0xFFFFE003, lr  }
0x1b: {  	s9 =	sadd.s32 $0xFFFFFEF7, lr;
	s5 =	simm.s32 $0xFFFFFFFF;
	p2 =	slt.u32 s8, $0xFFFFF086  }
0x1c: {  	p1 =	slt.u32 s9, $0xF7A;
	s5 =	simm.s32 @!p2 $0x0  }
0x1d: {  	s5 =	simm.s32 @p1 $0x1;
	p0 =	seq.s32 s7, s2  }
0x1e: {  	s7 =	smul.u32 @!p0 $0xF7A, s2;
	p2 =	seq.s32 @!p0 s5, $0x0  }
0x1f: {  	s9 =	smul.u32 $0xF7A, s1;
	s8 =	simm.s32 @!p0 $0x1BF5;
	p2 =	por !p2, p0  }
0x20: {  	[sflag:s8] =	ssyncset.s32 @!p0 $0xFFFFF086;
	s6 =	sadd.s32 @!p0 s3, s7;
	s7 =	simm.s32 @!p0 $0x108  }
0x21: {  	s3 =	sadd.s32 s3, s9;
	s6 =	sadd.s32 @!p0 $0x88, s6;
	s7 =	simm.s32 @p2 $0x1082  }
0x22: {  	[simem:s7], [sflag:s8] =	dma.local @!p0 [hbm:s6], $0xF7A  }
0x23: {  	s9 =	sor.u32 $0xD0000000, s2;
	s6 =	simm.s32 $0x108;
	_ =	swait.ge @!p0 [sflag:s8], $0x0  }
0x24: {  	s3 =	sadd.s32 $0x88, s3;
	s6 =	simm.s32 @!p1 $0x1082;
	[sflag:s4] =	ssyncset.s32 $0xFFFFF086  }
0x25: {  	[simem:s6], [sflag:s4] =	dma.local [hbm:s3], $0xF7A  }
0x26: {  	[smem:$0x3F9B] =	sst s1;
	(tag) =	ssettag s2;
	_ =	strace s9  }
0x27: {  	s1 =	sld [smem:$0x3FAB]  }
0x28: {  	s2 =	sld [smem:$0x3FAC]  }
0x29: {  	s4 =	sld [smem:$0x3FAE]  }
0x2a: {  	p0 =	seq.s32 s5, $0x0;
	s5 =	sld [smem:$0x3FAF]  }
0x2b: {  	s6 =	sld [smem:$0x3FB0]  }
0x2c: {  	s7 =	sld [smem:$0x3FB1]  }
0x2d: {  	s3 =	simm.s32 $0x108;
	s8 =	sld [smem:$0x3FB2]  }
0x2e: {  	s3 =	simm.s32 @!p0 $0x1082;
	s9 =	sld [smem:$0x3FB3]  }
0x2f: {  	lr =	sadd.s32 s0, s3;
	s0 =	sld [smem:$0x3FAA]  }
0x30: {  	s3 =	sld [smem:$0x3FAD]  }
0x31: {  	[smem:$0x3FB6] =	sst s10  }
0x32: {  	s10 =	sld [smem:$0x3FB4];
	_ =	sdelay $0x3  }
0x33: {  	p0 =	seq.s32 s10, $0x1;
	s10 =	sld [smem:$0x3FB6];
	_ =	sdelay $0x3  }
0x34: {  	[smem:$0x3FB6] =	sst s10  }
0x35: {  	s10 =	sld [smem:$0x3FB5];
	_ =	sdelay $0x3  }
0x36: {  	p1 =	seq.s32 s10, $0x1;
	s10 =	sld [smem:$0x3FB6];
	_ =	sdelay $0x3  }
0x37: {  	[smem:$0x3FB6] =	sst s10  }
0x38: {  	s10 =	sld [smem:$0x3FB7]  }
0x39: {  	_ = 	snop;
	(pc) =	sbr.ind lr, $3  }
0x3a: {  	_ = 	snop  }
0x3b: {  	_ = 	snop  }
0x3c: {  	p2 =	seq.s32 s10, $0x1;
	s10 =	sld [smem:$0x3FB6]  }
0x3d: {  	_ =	shalt  }
0x3e: {  	_ =	shalt  }
0x3f: {  	_ =	shalt  }
0x40: {  	_ =	shalt  }
0x41: {  	_ =	shalt  }
0x42: {  	_ =	shalt  }
0x43: {  	_ =	shalt  }
0x44: {  	_ =	shalt  }
0x45: {  	_ =	shalt  }
0x46: {  	_ =	shalt  }
0x47: {  	_ =	shalt  }
0x48: {  	_ =	shalt  }
0x49: {  	_ =	shalt  }
0x4a: {  	_ =	shalt  }
0x4b: {  	_ =	shalt  }
0x4c: {  	_ =	shalt  }
0x4d: {  	_ =	shalt  }
0x4e: {  	_ =	shalt  }
0x4f: {  	_ =	shalt  }
0x50: {  	_ =	shalt  }
0x51: {  	_ =	shalt  }
0x52: {  	_ =	shalt  }
0x53: {  	_ =	shalt  }
0x54: {  	_ =	shalt  }
0x55: {  	_ =	shalt  }
0x56: {  	_ =	shalt  }
0x57: {  	_ =	shalt  }
0x58: {  	_ =	shalt  }
0x59: {  	_ =	shalt  }
0x5a: {  	_ =	shalt  }
0x5b: {  	_ =	shalt  }
0x5c: {  	_ =	shalt  }
0x5d: {  	_ =	shalt  }
0x5e: {  	_ =	shalt  }
0x5f: {  	_ =	shalt  }
0x60: {  	_ =	shalt  }
0x61: {  	_ =	shalt  }
0x62: {  	_ =	shalt  }
0x63: {  	_ =	shalt  }
0x64: {  	_ =	shalt  }
0x65: {  	_ =	shalt  }
0x66: {  	_ =	shalt  }
0x67: {  	_ =	shalt  }
0x68: {  	_ =	shalt  }
0x69: {  	_ =	shalt  }
0x6a: {  	_ =	shalt  }
0x6b: {  	_ =	shalt  }
0x6c: {  	_ =	shalt  }
0x6d: {  	_ =	shalt  }
0x6e: {  	_ =	shalt  }
0x6f: {  	_ =	shalt  }
0x70: {  	_ =	shalt  }
0x71: {  	_ =	shalt  }
0x72: {  	_ =	shalt  }
0x73: {  	_ =	shalt  }
0x74: {  	_ =	shalt  }
0x75: {  	_ =	shalt  }
0x76: {  	_ =	shalt  }
0x77: {  	_ =	shalt  }
0x78: {  	_ =	shalt  }
0x79: {  	_ =	shalt  }
0x7a: {  	_ =	shalt  }
0x7b: {  	_ =	shalt  }
0x7c: {  	_ =	shalt  }
0x7d: {  	_ =	shalt  }
0x7e: {  	_ =	shalt  }
0x7f: {  	_ =	shalt  }
0x80: {  	_ =	shalt  }
0x81: {  	_ =	shalt  }
0x82: {  	_ =	shalt  }
0x83: {  	_ =	shalt  }
0x84: {  	_ =	shalt  }
0x85: {  	_ =	shalt  }
0x86: {  	_ =	shalt  }
0x87: {  	_ =	shalt  }
.Lfunc_end0:
.L_simem_size_0:
called_computation.2_lowered:
.L_overlay_start_0:
0x88: {  	s2 =	sld [smem:$0x3FD9]  }
0x89: {  	s3 =	sld [smem:$0x3FFE];
	_ =	sdelay $0x1  }
0x8a: {  	s1 =	srdreg.scid  }
0x8b: {  	s0 =	sand.u32 $0x1, s1  }
0x8c: {  	s17 =	sshll.u32 s0, $0xA;
	s2 =	sadd.s32 s3, s2  }
0x8d: {  	s2 =	sadd.s32 s2, s17  }
0x8e: {  	[smem:$0x3FC2] =	sst s2  }
0x8f: {  	_ = 	snop  }
0x90: {  	s2 =	sld [smem:$0x3FD0];
	(tm) =	ssettm $0x1  }
0x91: {  	s18 =	sld [smem:$0x3FFB];
	_ =	sdelay $0x3  }
0x92: {  	_ =	strace s18  }
0x93: {  	s3 =	sld [smem:$0x3FFC];
	_ =	sdelay $0x3  }
0x94: {  	_ =	strace s3  }
0x95: {  	s3 =	sld [smem:$0x3FFD];
	_ =	sdelay $0x3  }
0x96: {  	_ =	strace s3  }
0x97: {  	_ =	strace $0x8FFFFFFF  }
0x98: {  	s19 =	sld [smem:$0x3FDB];
	_ =	sdelay $0x1  }
0x99: {  	s4 =	simm.s32 $_scs_section_size  }
0x9a: {  	s5 =	simm.s32 $_size__tile_overlayer_lowered;
	s6 =	simm.s32 $_tile_overlayer_lowered  }
0x9b: {  	s22 =	simm.s32 $0x1BFF;
	s21 =	sshll.u32 s6, $0x1;
	s3 =	sadd.s32 s4, s19  }
0x9c: {  	s7 =	simm.s32 $0x0;
	s20 =	sshll.u32 s5, $0x1;
	s5 =	sadd.s32 s21, s3  }
0x9d: {  	[timem:s7], [sflag:s22] =	dma.local [hbm:s5], s20  }
0x9e: {  	_ =	swait.ge [sflag:s22], s20  }
0x9f: {  	s4 =	ssub.s32 $0x0, s20;
	[sflag:s22] =	ssyncset.done $0x0  }
0xa0: {  	[sflag:s22] =	ssyncadd.s32 s4;
	_ =	sdelay $0x1  }
0xa1: {  	s23 =	simm.s32 $0x1B8B  }
0xa2: {  	_ =	swait.ge [sflag:s23], $0x1  }
0xa3: {  	[sflag:s23] =	ssyncset.done $0x0  }
0xa4: {  	s25 =	simm.s32 $0x1B8E;
	s24 =	sld [smem:$0x3FFE];
	[sflag:s23] =	ssyncadd.s32 $0xFFFFFFFF  }
0xa5: {  	s26 =	simm.s32 $execute0_lowered;
	[smem:$0x3FD2] =	sst s25  }
0xa6: {  	s5 =	sshll.u32 s26, $0x1;
	_ =	strace $0x8000004C;
	[dreg:$0x1] =	wrdreg $0xFFFFFFFF  }
0xa7: {  	s28 =	simm.s32 $_size_execute0_lowered;
	s3 =	sadd.s32 s3, s5;
	[dreg:$0x0] =	wrdreg $0x0  }
0xa8: {  	s5 =	sshll.u32 s28, $0x1;
	[dreg:$0x2] =	wrdreg s3  }
0xa9: {  	[dreg:$0x3] =	wrdreg s5  }
0xaa: {  	[dreg:$0x4] =	wrdreg $0xC0  }
0xab: {  	_ =	task [dreg:s7], $0x5FFFF  }
0xac: {  	[dreg:$0x1] =	wrdreg $0xFFFFFFFF  }
0xad: {  	[dreg:$0x0] =	wrdreg $0x60  }
0xae: {  	[dreg:$0x2] =	wrdreg s2  }
0xaf: {  	[dreg:$0x3] =	wrdreg s24  }
0xb0: {  	[dreg:$0x4] =	wrdreg $0x1C7000  }
0xb1: {  	[dreg:$0x5] =	wrdreg $0x1DF700  }
0xb2: {  	[dreg:$0x6] =	wrdreg $0x9  }
0xb3: {  	_ =	task.clear_ibuf [dreg:s7], $0x7FFFF;
	_ =	strace $0x9000004C  }
0xb4: {  	s29 =	simm.s32 $0x9;
	_ =	strace $0x8000004E  }
0xb5: {  	_ =	swait.ge [sflag:s29], $0x1  }
0xb6: {  	[sflag:s29] =	ssyncadd.s32 $0xFFFFFFFF  }
0xb7: {  	_ =	strace $0x9000004E  }
0xb8: {  	_ =	sfence  }
0xb9: {  	s30 =	sld [smem:$0x0];
	_ =	sdelay $0x2  }
0xba: {  	s31 =	sshll.u32 s1, $0xD;
	s1 =	sshrl.u32 s1, $0x2  }
0xbb: {  	s3 =	sand.u32 $0x4000, s31;
	s1 =	sadd.s32 s1, s30  }
0xbc: {  	s0 =	sor.u32 s3, s0;
	s1 =	sshll.u32 s1, $0x11  }
0xbd: {  	s0 =	sor.u32 s1, s0  }
0xbe: {  	s0 =	sadd.s32 $0x8F2B, s0  }
0xbf: {  	[sflag:s0] =	ssyncadd.remote.s32 $0x1  }
0xc0: {  	_ =	sfence.sel $0xFFFF  }
0xc1: {  	[dreg:$0x0] =	wrdreg $0xFFFFFFFF;
	(pc) =	sbr.abs _section_cstart, $3  }
0xc2: {  	[dreg:$0x1] =	wrdreg $0xFFFFFFFF  }
0xc3: {  	_ =	task.clear_ibuf [dreg:s7], $0x2FFFF;
	_ =	strace $0x9FFFFFFF  }
0xc4: {  	(tm) =	ssettm $0x7FFFFFFF  }
0xc5: {  	_ =	shalt  }
tec
execute0_lowered:
.L_overlay_start_1:
0x0: {  	(tag) =	ssettag $0x1  }
0x1: {  	s0 =	rddreg [dreg:$0x1]  }
0x2: {  	s3 =	rddreg [dreg:$0x2]  }
0x3: {  	s4 =	rddreg [dreg:$0x3]  }
0x4: {  	s1 =	srdreg.scid;
	s11 =	stileid.u32;
	s5 =	simm.s32 $0x0  }
0x5: {  	s28 =	simm.s32 $0x2;
	s1 =	sand.u32 $0x1, s1;
	s2 =	smul.u32 $0x1870, s11  }
0x6: {  	[smem:$0x7FF] =	sst s5;
	s6 =	sadd.s32 $0x1E00, s0;
	s18 =	sshll.u32 s11, $0x1  }
0x7: {  	s7 =	smul.u32 $0x18700, s1;
	_ =	strace $0x8000004D;
	s9 =	ssub.s32 $0x2, s1  }
0x8: {  	s1 =	sor.u32 s1, s18;
	s10 =	sshrl.u32 s9, $0x1;
	s19 =	sadd.s32 $0x7D0, s2  }
0x9: {  	s20 =	sadd.s32 $0xFA0, s2;
	s15 =	sadd.s32 $0x1770, s2;
	s1 =	smul.u32 $0x30D40, s1  }
0xa: {  	s8 =	sadd.s32 s2, s7;
	s7 =	sadd.s32 $0xC5400, s0;
	s21 =	sadd.s32 s19, s3  }
0xb: {  	s22 =	sadd.s32 s20, s3;
	s23 =	sadd.s32 s15, s3;
	[dreg:$0x5] =	wrdreg s21  }
0xc: {  	s8 =	sshrl.u32 s8, $0x3;
	[dreg:$0x6] =	wrdreg s22;
	s24 =	sshrl.u32 s1, $0x3  }
0xd: {  	[dreg:$0x7] =	wrdreg s23;
	s0 =	sadd.s32 s8, s0;
	s25 =	sadd.s32 s6, s24  }
0xe: {  	s8 =	ssub.s32 s9, s10;
	s10 =	sadd.s32 s7, s24;
	[dreg:$0x8] =	wrdreg s25  }
0xf: {  	s29 =	simm.s32 $0x4;
	[dreg:$0x9] =	wrdreg s10;
	s11 =	sadd.s32 $0x188A00, s0  }
0x10: {  	s26 =	sadd.s32 $0xFA, s24;
	s16 =	sadd.s32 $0x188AFA, s0;
	[dreg:$0xa] =	wrdreg s11  }
0x11: {  	s13 =	sadd.s32 s19, s4;
	s19 =	sadd.s32 s6, s26;
	[dreg:$0xb] =	wrdreg s16  }
0x12: {  	s14 =	sadd.s32 s20, s4;
	s20 =	sadd.s32 $0x188BF4, s0;
	[dreg:$0xc] =	wrdreg s19  }
0x13: {  	s30 =	simm.s32 $0x0;
	s21 =	sadd.s32 $0x188CEE, s0;
	[dreg:$0xd] =	wrdreg s20  }
0x14: {  	s31 =	sadd.s32 s2, s3;
	s22 =	sadd.s32 s7, s26;
	[dreg:$0xe] =	wrdreg s21  }
0x15: {  	s12 =	sadd.s32 s2, s4;
	s23 =	sadd.s32 $0x18EBC0, s0;
	[dreg:$0xf] =	wrdreg s22  }
0x16: {  	s15 =	sadd.s32 s15, s4;
	s24 =	sadd.s32 $0x18ECBA, s0;
	[dreg:$0x10] =	wrdreg s23  }
0x17: {  	s2 =	simm.s32 $0x5;
	s25 =	sadd.s32 $0x18EDB4, s0;
	[dreg:$0x11] =	wrdreg s24  }
0x18: {  	s17 =	sadd.s32 $0xFA0, s1;
	s0 =	sadd.s32 $0x18EEAE, s0;
	[dreg:$0x12] =	wrdreg s25  }
0x19: {  	s18 =	sadd.s32 $0x1770, s1;
	s26 =	smax.u32 s8, $0x1;
	[dreg:$0x13] =	wrdreg s0  }
0x1a: {  	s1 =	simm.s32 $0x1000;
	[dreg:$0x14] =	wrdreg s26;
	s0 =	simm.s32 $0x4000  }
0x1b: {  	s16 =	simm.s32 $0x800;
	s19 =	simm.s32 $0x2000;
	s20 =	simm.s32 $0x2800  }
0x1c: {  	s21 =	simm.s32 $0x1;
	s22 =	simm.s32 $0x7D0;
	s23 =	simm.s32 $0x1800  }
0x1d: {  	v0 =	vimm.f32 $0.0e+00;
	s24 =	simm.s32 $0x3;
	s25 =	simm.s32 $0x3000;
	s26 =	simm.s32 $0x3800  }
.LBB2_1:
0x1e: {  	s8 =	rddreg [dreg:$0x0]  }
0x1f: {  	[tilespmem:s0], [sflag:$0x5] =	stream.linear.gather [hbm4b:s8+s5], $0x18700, $0x38;
	[tilespmem:$0x1F7E0] =	vst v63  }
0x20: {  	_ =	swait.ge [sflag:s2], $0x18700  }
0x21: {  	[sflag:s2] =	ssyncset.done $0x0  }
0x22: {  	s9 =	simm.s32 $0x0;
	s8 =	simm.s32 $0x40;
	[sflag:s2] =	ssyncadd.s32 $0xFFFE7900  }
.LBB2_2:
0x23: {  	p0 =	sne.s32 s8, $0x1F00;
	[tilespmem:s9+$0x1000] =	vst v0;
	s9 =	smov.u32 s8;
	s8 =	sadd.s32 $0x40, s8  }
.Ltmp0:
0x24: {  	(pc) =	sbr.rel @p0 .LBB2_2-.Ltmp0, $2  }
0x25: {  	_ =	sdelay $0x2  }
0x26: {  	s9 =	sshra.s32 s9, $0x2  }
0x27: {  	[tilespmem:s9+$0x1000] =	vst v0  }
0x28: {  	[spmem:s31] =	stream.linear.scatter [tilespmem:s1], [sflag:$0x5], $0x7D0, $0x38;
	[tilespmem:$0x1F7E0] =	vst v63  }
0x29: {  	_ =	swait.ge [sflag:s2], $0x7D0  }
0x2a: {  	[sflag:s2] =	ssyncset.done $0x0  }
0x2b: {  	s8 =	rddreg [dreg:$0x5];
	[sflag:s2] =	ssyncadd.s32 $0xFFFFF830  }
0x2c: {  	[spmem:s8] =	stream.linear.scatter [tilespmem:s1], [sflag:$0x5], $0x7D0, $0x38;
	[tilespmem:$0x1F7E0] =	vst v63  }
0x2d: {  	_ =	swait.ge [sflag:s2], $0x7D0  }
0x2e: {  	[sflag:s2] =	ssyncset.done $0x0  }
0x2f: {  	s9 =	rddreg [dreg:$0x6];
	[sflag:s2] =	ssyncadd.s32 $0xFFFFF830  }
0x30: {  	[spmem:s9] =	stream.linear.scatter [tilespmem:s1], [sflag:$0x5], $0x7D0, $0x38;
	[tilespmem:$0x1F7E0] =	vst v63  }
0x31: {  	_ =	swait.ge [sflag:s2], $0x7D0  }
0x32: {  	[sflag:s2] =	ssyncset.done $0x0  }
0x33: {  	s10 =	rddreg [dreg:$0x7];
	[sflag:s2] =	ssyncadd.s32 $0xFFFFF830  }
0x34: {  	[spmem:s10] =	stream.linear.scatter [tilespmem:s1], [sflag:$0x5], $0x100, $0x38;
	[tilespmem:$0x1F7E0] =	vst v63  }
0x35: {  	_ =	swait.ge [sflag:s2], $0x100  }
0x36: {  	[sflag:s2] =	ssyncset.done $0x0  }
0x37: {  	[sflag:s2] =	ssyncadd.s32 $0xFFFFFF00  }
0x38: {  	[spmem:s12] =	stream.linear.scatter [tilespmem:s1], [sflag:$0x5], $0x7D0, $0x38;
	[tilespmem:$0x1F7E0] =	vst v63  }
0x39: {  	_ =	swait.ge [sflag:s2], $0x7D0  }
0x3a: {  	[sflag:s2] =	ssyncset.done $0x0  }
0x3b: {  	[sflag:s2] =	ssyncadd.s32 $0xFFFFF830  }
0x3c: {  	[spmem:s13] =	stream.linear.scatter [tilespmem:s1], [sflag:$0x5], $0x7D0, $0x38;
	[tilespmem:$0x1F7E0] =	vst v63  }
0x3d: {  	_ =	swait.ge [sflag:s2], $0x7D0  }
0x3e: {  	[sflag:s2] =	ssyncset.done $0x0  }
0x3f: {  	[sflag:s2] =	ssyncadd.s32 $0xFFFFF830  }
0x40: {  	[spmem:s14] =	stream.linear.scatter [tilespmem:s1], [sflag:$0x5], $0x7D0, $0x38;
	[tilespmem:$0x1F7E0] =	vst v63  }
0x41: {  	_ =	swait.ge [sflag:s2], $0x7D0  }
0x42: {  	[sflag:s2] =	ssyncset.done $0x0  }
0x43: {  	[sflag:s2] =	ssyncadd.s32 $0xFFFFF830  }
0x44: {  	[spmem:s15] =	stream.linear.scatter [tilespmem:s1], [sflag:$0x5], $0x100, $0x38;
	[tilespmem:$0x1F7E0] =	vst v63  }
0x45: {  	_ =	swait.ge [sflag:s2], $0x100  }
0x46: {  	[sflag:s2] =	ssyncset.done $0x0  }
0x47: {  	[sflag:s2] =	ssyncadd.s32 $0xFFFFFF00  }
0x48: {  	[bflag:$0x0] =	sbarrier.arrive $0xFFFF  }
0x49: {  	s11 =	smov.u32 s31;
	s31 =	simm.s32 $0x0;
	s9 =	rddreg [dreg:$0x8]  }
0x4a: {  	[tilespmem:s31], [sflag:$0x1] =	stream.linear.gather [hbm4b:s9+s31], $0x7D0, $0x38;
	[tilespmem:$0x1F7E0] =	vst v63  }
0x4b: {  	s10 =	rddreg [dreg:$0x9]  }
0x4c: {  	[tilespmem:s16], [sflag:$0x1] =	stream.linear.gather [hbm4b:s10+s31], $0x7D0, $0x38;
	[tilespmem:$0x1F7E0] =	vst v63  }
0x4d: {  	s9 =	rddreg [dreg:$0xc]  }
0x4e: {  	[tilespmem:s19], [sflag:$0x3] =	stream.linear.gather [hbm4b:s9+s31], $0x7D0, $0x38;
	[tilespmem:$0x1F7E0] =	vst v63  }
0x4f: {  	s10 =	rddreg [dreg:$0xf]  }
0x50: {  	[tilespmem:s20], [sflag:$0x3] =	stream.linear.gather [hbm4b:s10+s31], $0x7D0, $0x38;
	[tilespmem:$0x1F7E0] =	vst v63  }
.LBB2_4:
0x51: {  	_ =	swait.ge [sflag:s21], $0x7D0  }
0x52: {  	[sflag:s21] =	ssyncset.done $0x0  }
0x53: {  	[sflag:s21] =	ssyncadd.s32 $0xFFFFF830  }
0x54: {  	_ =	swait.ge [sflag:s21], $0x7D0  }
0x55: {  	[sflag:s21] =	ssyncset.done $0x0  }
0x56: {  	s9 =	simm.s32 $0x0;
	[sflag:s21] =	ssyncadd.s32 $0xFFFFF830  }
0x57: {  	v1 =	vld [tilespmem:s9+$0x0];
	_ =	sdelay $0x7  }
0x58: {  	s8 =	simm.s32 $0x10;
	s10 =	simm.s32 $0x80;
	v1 =	vld.idx.msk [tilespmem:v1+s0+$0x0], $0xffff  }
.LBB2_5:
0x59: {  	p0 =	sne.s32 s10, $0x1F00;
	v2 =	vld [tilespmem:s8+$0x0];
	_ =	sdelay $0x3  }
.Ltmp1:
0x5a: {  	(pc) =	sbr.rel @p0 .LBB2_5-.Ltmp1, $4  }
0x5b: {  	v3 =	vshll.u32 v1, $0x10;
	v1 =	vand.u32 $0xFFFF0000, v1  }
0x5c: {  	[tilespmem:s9+$0x1000] =	vst v3  }
0x5d: {  	[tilespmem:s9+$0x1800] =	vst v1;
	s9 =	smov.u32 s8  }
0x5e: {  	s8 =	sshra.s32 s10, $0x2;
	s10 =	sadd.s32 $0x40, s10;
	v1 =	vld.idx.msk [tilespmem:v2+s0+$0x0], $0xffff  }
0x5f: {  	v2 =	vld [tilespmem:s8+$0x0];
	_ =	sdelay $0x4  }
0x60: {  	v3 =	vshll.u32 v1, $0x10  }
0x61: {  	v1 =	vand.u32 $0xFFFF0000, v1;
	[tilespmem:s9+$0x1000] =	vst v3  }
0x62: {  	[tilespmem:s9+$0x1800] =	vst v1  }
0x63: {  	v1 =	vld.idx.msk [tilespmem:v2+s0+$0x0], $0xffff;
	_ =	sdelay $0x4  }
0x64: {  	v2 =	vshll.u32 v1, $0x10  }
0x65: {  	v1 =	vand.u32 $0xFFFF0000, v1;
	[tilespmem:s8+$0x1000] =	vst v2  }
0x66: {  	[tilespmem:s8+$0x1800] =	vst v1  }
0x67: {  	[spmem:s3] =	stream.indirect.scatter.add.f32 [tilespmem:s1], [sflag:$0x2], $0x1, s16, s22, $0xb8;
	[tilespmem:$0x1F7E0] =	vst v63  }
0x68: {  	_ = 	snop  }
0x69: {  	[spmem:s4] =	stream.indirect.scatter.add.f32 [tilespmem:s23], [sflag:$0x2], $0x1, s16, s22, $0xb8;
	[tilespmem:$0x1F7E0] =	vst v63  }
0x6a: {  	_ =	swait.ge [sflag:s24], $0x7D0  }
0x6b: {  	[sflag:s24] =	ssyncset.done $0x0  }
0x6c: {  	[sflag:s24] =	ssyncadd.s32 $0xFFFFF830  }
0x6d: {  	_ =	swait.ge [sflag:s24], $0x7D0  }
0x6e: {  	[sflag:s24] =	ssyncset.done $0x0  }
0x6f: {  	s9 =	simm.s32 $0x0;
	[sflag:s24] =	ssyncadd.s32 $0xFFFFF830  }
0x70: {  	v1 =	vld [tilespmem:s9+$0x2000];
	_ =	sdelay $0x7  }
0x71: {  	s10 =	simm.s32 $0x80;
	s8 =	simm.s32 $0x10;
	v1 =	vld.idx.msk [tilespmem:v1+s0+$0x0], $0xffff  }
.LBB2_7:
0x72: {  	p0 =	sne.s32 s10, $0x1F00;
	v2 =	vld [tilespmem:s8+$0x2000];
	_ =	sdelay $0x3  }
.Ltmp2:
0x73: {  	(pc) =	sbr.rel @p0 .LBB2_7-.Ltmp2, $4  }
0x74: {  	v3 =	vshll.u32 v1, $0x10;
	v1 =	vand.u32 $0xFFFF0000, v1  }
0x75: {  	[tilespmem:s9+$0x3000] =	vst v3  }
0x76: {  	[tilespmem:s9+$0x3800] =	vst v1;
	s9 =	smov.u32 s8  }
0x77: {  	s8 =	sshra.s32 s10, $0x2;
	s10 =	sadd.s32 $0x40, s10;
	v1 =	vld.idx.msk [tilespmem:v2+s0+$0x0], $0xffff  }
0x78: {  	v2 =	vld [tilespmem:s8+$0x2000];
	_ =	sdelay $0x4  }
0x79: {  	v3 =	vshll.u32 v1, $0x10  }
0x7a: {  	v1 =	vand.u32 $0xFFFF0000, v1;
	[tilespmem:s9+$0x3000] =	vst v3  }
0x7b: {  	[tilespmem:s9+$0x3800] =	vst v1  }
0x7c: {  	v1 =	vld.idx.msk [tilespmem:v2+s0+$0x0], $0xffff;
	_ =	sdelay $0x4  }
0x7d: {  	v2 =	vshll.u32 v1, $0x10  }
0x7e: {  	v1 =	vand.u32 $0xFFFF0000, v1;
	[tilespmem:s8+$0x3000] =	vst v2  }
0x7f: {  	[tilespmem:s8+$0x3800] =	vst v1  }
0x80: {  	[spmem:s3] =	stream.indirect.scatter.add.f32 [tilespmem:s25], [sflag:$0x4], $0x1, s20, s22, $0xb8;
	[tilespmem:$0x1F7E0] =	vst v63  }
0x81: {  	_ = 	snop  }
0x82: {  	[spmem:s4] =	stream.indirect.scatter.add.f32 [tilespmem:s26], [sflag:$0x4], $0x1, s20, s22, $0xb8;
	[tilespmem:$0x1F7E0] =	vst v63  }
0x83: {  	_ =	swait.ge [sflag:s28], $0x7D0  }
0x84: {  	s8 =	smul.u32 $0xFA0, s31;
	[sflag:s28] =	ssyncset.done $0x0  }
0x85: {  	[sflag:s28] =	ssyncadd.s32 $0xFFFFF830  }
0x86: {  	s10 =	sadd.s32 s8, s17;
	_ =	swait.ge [sflag:s28], $0x7D0  }
0x87: {  	s9 =	sshrl.u32 s10, $0x3;
	[sflag:s28] =	ssyncset.done $0x0  }
0x88: {  	s10 =	sadd.s32 s6, s9;
	[sflag:s28] =	ssyncadd.s32 $0xFFFFF830  }
0x89: {  	[tilespmem:s5], [sflag:$0x1] =	stream.linear.gather [hbm4b:s10+s5], $0x7D0, $0x38;
	[tilespmem:$0x1F7E0] =	vst v63  }
0x8a: {  	s9 =	sadd.s32 s7, s9  }
0x8b: {  	[tilespmem:s16], [sflag:$0x1] =	stream.linear.gather [hbm4b:s9+s5], $0x7D0, $0x38;
	[tilespmem:$0x1F7E0] =	vst v63  }
0x8c: {  	_ =	swait.ge [sflag:s29], $0x7D0  }
0x8d: {  	[sflag:s29] =	ssyncset.done $0x0  }
0x8e: {  	s31 =	sadd.s32 $0x1, s31;
	[sflag:s29] =	ssyncadd.s32 $0xFFFFF830  }
0x8f: {  	p0 =	sne.s32 s31, $0x31;
	s8 =	sadd.s32 s8, s18;
	_ =	swait.ge [sflag:s29], $0x7D0  }
.Ltmp3:
0x90: {  	s8 =	sshrl.u32 s8, $0x3;
	[sflag:s29] =	ssyncset.done $0x0;
	(pc) =	sbr.rel @p0 .LBB2_4-.Ltmp3, $4  }
0x91: {  	s10 =	sadd.s32 s6, s8;
	[sflag:s29] =	ssyncadd.s32 $0xFFFFF830  }
0x92: {  	[tilespmem:s19], [sflag:$0x3] =	stream.linear.gather [hbm4b:s10+s5], $0x7D0, $0x38;
	[tilespmem:$0x1F7E0] =	vst v63  }
0x93: {  	s8 =	sadd.s32 s7, s8  }
0x94: {  	[tilespmem:s20], [sflag:$0x3] =	stream.linear.gather [hbm4b:s8+s5], $0x7D0, $0x38;
	[tilespmem:$0x1F7E0] =	vst v63  }
0x95: {  	_ =	swait.ge [sflag:s21], $0x7D0  }
0x96: {  	[sflag:s21] =	ssyncset.done $0x0  }
0x97: {  	[sflag:s21] =	ssyncadd.s32 $0xFFFFF830  }
0x98: {  	_ =	swait.ge [sflag:s21], $0x7D0  }
0x99: {  	[sflag:s21] =	ssyncset.done $0x0  }
0x9a: {  	s9 =	simm.s32 $0x0;
	[sflag:s21] =	ssyncadd.s32 $0xFFFFF830  }
0x9b: {  	v1 =	vld [tilespmem:s9+$0x0];
	_ =	sdelay $0x7  }
0x9c: {  	s8 =	simm.s32 $0x10;
	s10 =	simm.s32 $0x80;
	v1 =	vld.idx.msk [tilespmem:v1+s0+$0x0], $0xffff  }
.LBB2_10:
0x9d: {  	p0 =	sne.s32 s10, $0x1F00;
	v2 =	vld [tilespmem:s8+$0x0];
	_ =	sdelay $0x3  }
.Ltmp4:
0x9e: {  	(pc) =	sbr.rel @p0 .LBB2_10-.Ltmp4, $4  }
0x9f: {  	v3 =	vshll.u32 v1, $0x10;
	v1 =	vand.u32 $0xFFFF0000, v1  }
0xa0: {  	[tilespmem:s9+$0x1000] =	vst v3  }
0xa1: {  	[tilespmem:s9+$0x1800] =	vst v1;
	s9 =	smov.u32 s8  }
0xa2: {  	s8 =	sshra.s32 s10, $0x2;
	s10 =	sadd.s32 $0x40, s10;
	v1 =	vld.idx.msk [tilespmem:v2+s0+$0x0], $0xffff  }
0xa3: {  	v2 =	vld [tilespmem:s8+$0x0];
	_ =	sdelay $0x4  }
0xa4: {  	v3 =	vshll.u32 v1, $0x10  }
0xa5: {  	v1 =	vand.u32 $0xFFFF0000, v1;
	[tilespmem:s9+$0x1000] =	vst v3  }
0xa6: {  	[tilespmem:s9+$0x1800] =	vst v1  }
0xa7: {  	v1 =	vld.idx.msk [tilespmem:v2+s0+$0x0], $0xffff;
	_ =	sdelay $0x4  }
0xa8: {  	v2 =	vshll.u32 v1, $0x10  }
0xa9: {  	v1 =	vand.u32 $0xFFFF0000, v1;
	[tilespmem:s8+$0x1000] =	vst v2  }
0xaa: {  	[tilespmem:s8+$0x1800] =	vst v1  }
0xab: {  	[spmem:s3] =	stream.indirect.scatter.add.f32 [tilespmem:s1], [sflag:$0x2], $0x1, s16, s22, $0xb8;
	[tilespmem:$0x1F7E0] =	vst v63  }
0xac: {  	_ = 	snop  }
0xad: {  	[spmem:s4] =	stream.indirect.scatter.add.f32 [tilespmem:s23], [sflag:$0x2], $0x1, s16, s22, $0xb8;
	[tilespmem:$0x1F7E0] =	vst v63  }
0xae: {  	_ =	swait.ge [sflag:s24], $0x7D0  }
0xaf: {  	[sflag:s24] =	ssyncset.done $0x0  }
0xb0: {  	[sflag:s24] =	ssyncadd.s32 $0xFFFFF830  }
0xb1: {  	_ =	swait.ge [sflag:s24], $0x7D0  }
0xb2: {  	[sflag:s24] =	ssyncset.done $0x0  }
0xb3: {  	s9 =	simm.s32 $0x0;
	[sflag:s24] =	ssyncadd.s32 $0xFFFFF830  }
0xb4: {  	v1 =	vld [tilespmem:s9+$0x2000];
	_ =	sdelay $0x7  }
0xb5: {  	s10 =	simm.s32 $0x80;
	s31 =	smov.u32 s11;
	s8 =	simm.s32 $0x10;
	v1 =	vld.idx.msk [tilespmem:v1+s0+$0x0], $0xffff  }
.LBB2_12:
0xb6: {  	p0 =	sne.s32 s10, $0x1F00;
	v2 =	vld [tilespmem:s8+$0x2000];
	_ =	sdelay $0x3  }
.Ltmp5:
0xb7: {  	(pc) =	sbr.rel @p0 .LBB2_12-.Ltmp5, $4  }
0xb8: {  	v3 =	vshll.u32 v1, $0x10;
	v1 =	vand.u32 $0xFFFF0000, v1  }
0xb9: {  	[tilespmem:s9+$0x3000] =	vst v3  }
0xba: {  	[tilespmem:s9+$0x3800] =	vst v1;
	s9 =	smov.u32 s8  }
0xbb: {  	s8 =	sshra.s32 s10, $0x2;
	s10 =	sadd.s32 $0x40, s10;
	v1 =	vld.idx.msk [tilespmem:v2+s0+$0x0], $0xffff  }
0xbc: {  	v2 =	vld [tilespmem:s8+$0x2000];
	_ =	sdelay $0x4  }
0xbd: {  	v3 =	vshll.u32 v1, $0x10  }
0xbe: {  	v1 =	vand.u32 $0xFFFF0000, v1;
	[tilespmem:s9+$0x3000] =	vst v3  }
0xbf: {  	[tilespmem:s9+$0x3800] =	vst v1  }
0xc0: {  	v1 =	vld.idx.msk [tilespmem:v2+s0+$0x0], $0xffff;
	_ =	sdelay $0x4  }
0xc1: {  	v2 =	vshll.u32 v1, $0x10  }
0xc2: {  	v1 =	vand.u32 $0xFFFF0000, v1;
	[tilespmem:s8+$0x3000] =	vst v2  }
0xc3: {  	[tilespmem:s8+$0x3800] =	vst v1  }
0xc4: {  	[spmem:s3] =	stream.indirect.scatter.add.f32 [tilespmem:s25], [sflag:$0x4], $0x1, s20, s22, $0xb8;
	[tilespmem:$0x1F7E0] =	vst v63  }
0xc5: {  	_ = 	snop  }
0xc6: {  	[spmem:s4] =	stream.indirect.scatter.add.f32 [tilespmem:s26], [sflag:$0x4], $0x1, s20, s22, $0xb8;
	[tilespmem:$0x1F7E0] =	vst v63  }
0xc7: {  	_ =	swait.ge [sflag:s28], $0x7D0  }
0xc8: {  	[sflag:s28] =	ssyncset.done $0x0  }
0xc9: {  	[sflag:s28] =	ssyncadd.s32 $0xFFFFF830  }
0xca: {  	_ =	swait.ge [sflag:s28], $0x7D0  }
0xcb: {  	[sflag:s28] =	ssyncset.done $0x0  }
0xcc: {  	[sflag:s28] =	ssyncadd.s32 $0xFFFFF830  }
0xcd: {  	_ =	swait.ge [sflag:s29], $0x7D0  }
0xce: {  	[sflag:s29] =	ssyncset.done $0x0  }
0xcf: {  	[sflag:s29] =	ssyncadd.s32 $0xFFFFF830  }
0xd0: {  	_ =	swait.ge [sflag:s29], $0x7D0  }
0xd1: {  	[sflag:s29] =	ssyncset.done $0x0  }
0xd2: {  	[sflag:s29] =	ssyncadd.s32 $0xFFFFF830  }
0xd3: {  	[bflag:$0x0] =	sbarrier.arrive $0xFFFF  }
0xd4: {  	[tilespmem:s1], [sflag:$0x5] =	stream.linear.gather [spmem:s31], $0x7D0, $0x38;
	[tilespmem:$0x1F7E0] =	vst v63  }
0xd5: {  	_ =	swait.ge [sflag:s2], $0x7D0  }
0xd6: {  	[sflag:s2] =	ssyncset.done $0x0  }
0xd7: {  	s9 =	rddreg [dreg:$0xa];
	[sflag:s2] =	ssyncadd.s32 $0xFFFFF830  }
0xd8: {  	[hbm4b:s9+s5] =	stream.linear.scatter [tilespmem:s1], [sflag:$0x5], $0x7D0, $0x38;
	[tilespmem:$0x1F7E0] =	vst v63  }
0xd9: {  	_ =	swait.ge [sflag:s2], $0x7D0  }
0xda: {  	[sflag:s2] =	ssyncset.done $0x0  }
0xdb: {  	s10 =	rddreg [dreg:$0x5];
	[sflag:s2] =	ssyncadd.s32 $0xFFFFF830  }
0xdc: {  	[tilespmem:s1], [sflag:$0x5] =	stream.linear.gather [spmem:s10], $0x7D0, $0x38;
	[tilespmem:$0x1F7E0] =	vst v63  }
0xdd: {  	_ =	swait.ge [sflag:s2], $0x7D0  }
0xde: {  	[sflag:s2] =	ssyncset.done $0x0  }
0xdf: {  	s11 =	rddreg [dreg:$0xb];
	[sflag:s2] =	ssyncadd.s32 $0xFFFFF830  }
0xe0: {  	[hbm4b:s11+s5] =	stream.linear.scatter [tilespmem:s1], [sflag:$0x5], $0x7D0, $0x38;
	[tilespmem:$0x1F7E0] =	vst v63  }
0xe1: {  	_ =	swait.ge [sflag:s2], $0x7D0  }
0xe2: {  	[sflag:s2] =	ssyncset.done $0x0  }
0xe3: {  	s9 =	rddreg [dreg:$0x6];
	[sflag:s2] =	ssyncadd.s32 $0xFFFFF830  }
0xe4: {  	[tilespmem:s1], [sflag:$0x5] =	stream.linear.gather [spmem:s9], $0x7D0, $0x38;
	[tilespmem:$0x1F7E0] =	vst v63  }
0xe5: {  	_ =	swait.ge [sflag:s2], $0x7D0  }
0xe6: {  	[sflag:s2] =	ssyncset.done $0x0  }
0xe7: {  	s10 =	rddreg [dreg:$0xd];
	[sflag:s2] =	ssyncadd.s32 $0xFFFFF830  }
0xe8: {  	[hbm4b:s10+s5] =	stream.linear.scatter [tilespmem:s1], [sflag:$0x5], $0x7D0, $0x38;
	[tilespmem:$0x1F7E0] =	vst v63  }
0xe9: {  	_ =	swait.ge [sflag:s2], $0x7D0  }
0xea: {  	[sflag:s2] =	ssyncset.done $0x0  }
0xeb: {  	s11 =	rddreg [dreg:$0x7];
	[sflag:s2] =	ssyncadd.s32 $0xFFFFF830  }
0xec: {  	[tilespmem:s1], [sflag:$0x5] =	stream.linear.gather [spmem:s11], $0x100, $0x38;
	[tilespmem:$0x1F7E0] =	vst v63  }
0xed: {  	_ =	swait.ge [sflag:s2], $0x100  }
0xee: {  	[sflag:s2] =	ssyncset.done $0x0  }
0xef: {  	s9 =	rddreg [dreg:$0xe];
	[sflag:s2] =	ssyncadd.s32 $0xFFFFFF00  }
0xf0: {  	[hbm4b:s9+s5] =	stream.linear.scatter [tilespmem:s1], [sflag:$0x5], $0x100, $0x38;
	[tilespmem:$0x1F7E0] =	vst v63  }
0xf1: {  	_ =	swait.ge [sflag:s2], $0x100  }
0xf2: {  	[sflag:s2] =	ssyncset.done $0x0  }
0xf3: {  	[sflag:s2] =	ssyncadd.s32 $0xFFFFFF00  }
0xf4: {  	[tilespmem:s1], [sflag:$0x5] =	stream.linear.gather [spmem:s12], $0x7D0, $0x38;
	[tilespmem:$0x1F7E0] =	vst v63  }
0xf5: {  	_ =	swait.ge [sflag:s2], $0x7D0  }
0xf6: {  	[sflag:s2] =	ssyncset.done $0x0  }
0xf7: {  	s10 =	rddreg [dreg:$0x10];
	[sflag:s2] =	ssyncadd.s32 $0xFFFFF830  }
0xf8: {  	[hbm4b:s10+s5] =	stream.linear.scatter [tilespmem:s1], [sflag:$0x5], $0x7D0, $0x38;
	[tilespmem:$0x1F7E0] =	vst v63  }
0xf9: {  	_ =	swait.ge [sflag:s2], $0x7D0  }
0xfa: {  	[sflag:s2] =	ssyncset.done $0x0  }
0xfb: {  	[sflag:s2] =	ssyncadd.s32 $0xFFFFF830  }
0xfc: {  	[tilespmem:s1], [sflag:$0x5] =	stream.linear.gather [spmem:s13], $0x7D0, $0x38;
	[tilespmem:$0x1F7E0] =	vst v63  }
0xfd: {  	_ =	swait.ge [sflag:s2], $0x7D0  }
0xfe: {  	[sflag:s2] =	ssyncset.done $0x0  }
0xff: {  	s11 =	rddreg [dreg:$0x11];
	[sflag:s2] =	ssyncadd.s32 $0xFFFFF830  }
0x100: {  	[hbm4b:s11+s5] =	stream.linear.scatter [tilespmem:s1], [sflag:$0x5], $0x7D0, $0x38;
	[tilespmem:$0x1F7E0] =	vst v63  }
0x101: {  	_ =	swait.ge [sflag:s2], $0x7D0  }
0x102: {  	[sflag:s2] =	ssyncset.done $0x0  }
0x103: {  	[sflag:s2] =	ssyncadd.s32 $0xFFFFF830  }
0x104: {  	[tilespmem:s1], [sflag:$0x5] =	stream.linear.gather [spmem:s14], $0x7D0, $0x38;
	[tilespmem:$0x1F7E0] =	vst v63  }
0x105: {  	_ =	swait.ge [sflag:s2], $0x7D0  }
0x106: {  	[sflag:s2] =	ssyncset.done $0x0  }
0x107: {  	s9 =	rddreg [dreg:$0x12];
	[sflag:s2] =	ssyncadd.s32 $0xFFFFF830  }
0x108: {  	[hbm4b:s9+s5] =	stream.linear.scatter [tilespmem:s1], [sflag:$0x5], $0x7D0, $0x38;
	[tilespmem:$0x1F7E0] =	vst v63  }
0x109: {  	_ =	swait.ge [sflag:s2], $0x7D0  }
0x10a: {  	[sflag:s2] =	ssyncset.done $0x0  }
0x10b: {  	[sflag:s2] =	ssyncadd.s32 $0xFFFFF830  }
0x10c: {  	[tilespmem:s1], [sflag:$0x5] =	stream.linear.gather [spmem:s15], $0x100, $0x38;
	[tilespmem:$0x1F7E0] =	vst v63  }
0x10d: {  	_ =	swait.ge [sflag:s2], $0x100  }
0x10e: {  	[sflag:s2] =	ssyncset.done $0x0  }
0x10f: {  	s10 =	rddreg [dreg:$0x13];
	[sflag:s2] =	ssyncadd.s32 $0xFFFFFF00  }
0x110: {  	[hbm4b:s10+s5] =	stream.linear.scatter [tilespmem:s1], [sflag:$0x5], $0x100, $0x38;
	[tilespmem:$0x1F7E0] =	vst v63  }
0x111: {  	_ =	swait.ge [sflag:s2], $0x100  }
0x112: {  	s30 =	sadd.s32 $0x1, s30;
	s11 =	rddreg [dreg:$0x14]  }
0x113: {  	p0 =	sne.s32 s30, s11  }
.Ltmp6:
0x114: {  	_ = 	snop;
	(pc) =	sbr.rel @p0 .LBB2_1-.Ltmp6, $3  }
0x115: {  	_ =	sdelay $0x1  }
0x116: {  	[sflag:s2] =	ssyncset.done $0x0  }
0x117: {  	[sflag:s2] =	ssyncadd.s32 $0xFFFFFF00  }
0x118: {  	_ =	sfence.sel $0x180000  }
0x119: {  	[bflag:$0x0] =	sbarrier.arrive $0xFFFF  }
0x11a: {  	_ =	strace $0x9000004D  }
0x11b: {  	s0 =	stileid.u32;
	[bflag:$0x2] =	sbarrier.arrive $0xFFFF  }
0x11c: {  	p0 =	sne.s32 s0, $0x0;
	s0 =	rddreg [dreg:$0x4]  }
0x11d: {  	s0 =	sadd.s32 @!p0 $0x100000, s0  }
0x11e: {  	[sflag:s0] =	ssyncadd.tile.s32 @!p0 $0x1;
	_ =	shalt  }
.Lfunc_end2:
_tile_overlayer_lowered:
.L_overlay_start_2:
0x11f: {  	(tag) =	ssettag $0x2  }
0x120: {  	s0 =	rddreg [dreg:$0x0];
	s2 =	stileid.u32  }
0x121: {  	s1 =	rddreg [dreg:$0x1];
	p0 =	sne.s32 s2, $0x0  }
0x122: {  	s3 =	rddreg [dreg:$0x2];
	[bflag:$0x3] =	sbarrier.arrive $0xFFFF;
	s2 =	simm.s32 @!p0 $0x1C05  }
0x123: {  	[timem:s3], [sflag:s2] =	dma.local @!p0 [hbm:s0], s1  }
0x124: {  	s0 =	simm.s32 @!p0 $0x5  }
0x125: {  	_ =	swait.ge @!p0 [sflag:s0], s1  }
0x126: {  	s1 =	ssub.s32 @!p0 $0x0, s1;
	[sflag:s0] =	ssyncset.done @!p0 $0x0  }
0x127: {  	[sflag:s0] =	ssyncadd.s32 @!p0 s1  }
0x128: {  	[bflag:$0x3] =	sbarrier.arrive $0xFFFF  }
0x129: {  	_ =	shalt  }

// kernel: kernel.8.cloned.1.call-start
scs
__scs_entry_jumppad:
0x0: {  	(pc) =	sbr.rel $0x88, $3  }
0x1: {  	(tag) =	ssettag $0x0;
	lr =	simm.s32 $0x1  }
0x2: {  	[smem:$0x3F9B] =	sst lr;
	_ =	strace $0xD0000000  }
0x3: {  	_ = 	snop  }
0x4: {  	_ = 	snop  }
0x5: {  	_ = 	snop  }
0x6: {  	_ = 	snop  }
0x7: {  	_ = 	snop  }
__scs_overlays_trampoline_lowered:
0x8: {  	[smem:$0x3FAA] =	sst s0  }
0x9: {  	[smem:$0x3FAB] =	sst s1  }
0xa: {  	[smem:$0x3FAC] =	sst s2  }
0xb: {  	[smem:$0x3FAD] =	sst s3  }
0xc: {  	[smem:$0x3FAE] =	sst s4  }
0xd: {  	[smem:$0x3FAF] =	sst s5  }
0xe: {  	[smem:$0x3FB0] =	sst s6  }
0xf: {  	[smem:$0x3FB1] =	sst s7  }
0x10: {  	[smem:$0x3FB2] =	sst s8  }
0x11: {  	[smem:$0x3FB3] =	sst s9;
	s0 =	simm.s32 @!p0 $0x0  }
0x12: {  	s1 =	sld [smem:$0x3F99];
	s0 =	simm.s32 @p0 $0x1  }
0x13: {  	[smem:$0x3FB4] =	sst s0;
	s0 =	simm.s32 @!p1 $0x0  }
0x14: {  	s2 =	sld [smem:$0x3F98];
	s0 =	simm.s32 @p1 $0x1  }
0x15: {  	[smem:$0x3FB5] =	sst s0;
	s0 =	simm.s32 @!p2 $0x0  }
0x16: {  	s3 =	sld [smem:$0x3FDB];
	s0 =	simm.s32 @p2 $0x1  }
0x17: {  	s4 =	simm.s32 $0x1BF5;
	[smem:$0x3FB7] =	sst s0  }
0x18: {  	s0 =	sld [smem:$0x3F9A];
	_ =	swait.ge [sflag:s4], $0x0  }
0x19: {  	s7 =	sld [smem:$0x3F9B]  }
0x1a: {  	s8 =	sadd.s32 $0xFFFFE003, lr  }
0x1b: {  	s9 =	sadd.s32 $0xFFFFFEF7, lr;
	s5 =	simm.s32 $0xFFFFFFFF;
	p2 =	slt.u32 s8, $0xFFFFF086  }
0x1c: {  	p1 =	slt.u32 s9, $0xF7A;
	s5 =	simm.s32 @!p2 $0x0  }
0x1d: {  	s5 =	simm.s32 @p1 $0x1;
	p0 =	seq.s32 s7, s2  }
0x1e: {  	s7 =	smul.u32 @!p0 $0xF7A, s2;
	p2 =	seq.s32 @!p0 s5, $0x0  }
0x1f: {  	s9 =	smul.u32 $0xF7A, s1;
	s8 =	simm.s32 @!p0 $0x1BF5;
	p2 =	por !p2, p0  }
0x20: {  	[sflag:s8] =	ssyncset.s32 @!p0 $0xFFFFF086;
	s6 =	sadd.s32 @!p0 s3, s7;
	s7 =	simm.s32 @!p0 $0x108  }
0x21: {  	s3 =	sadd.s32 s3, s9;
	s6 =	sadd.s32 @!p0 $0x88, s6;
	s7 =	simm.s32 @p2 $0x1082  }
0x22: {  	[simem:s7], [sflag:s8] =	dma.local @!p0 [hbm:s6], $0xF7A  }
0x23: {  	s9 =	sor.u32 $0xD0000000, s2;
	s6 =	simm.s32 $0x108;
	_ =	swait.ge @!p0 [sflag:s8], $0x0  }
0x24: {  	s3 =	sadd.s32 $0x88, s3;
	s6 =	simm.s32 @!p1 $0x1082;
	[sflag:s4] =	ssyncset.s32 $0xFFFFF086  }
0x25: {  	[simem:s6], [sflag:s4] =	dma.local [hbm:s3], $0xF7A  }
0x26: {  	[smem:$0x3F9B] =	sst s1;
	(tag) =	ssettag s2;
	_ =	strace s9  }
0x27: {  	s1 =	sld [smem:$0x3FAB]  }
0x28: {  	s2 =	sld [smem:$0x3FAC]  }
0x29: {  	s4 =	sld [smem:$0x3FAE]  }
0x2a: {  	p0 =	seq.s32 s5, $0x0;
	s5 =	sld [smem:$0x3FAF]  }
0x2b: {  	s6 =	sld [smem:$0x3FB0]  }
0x2c: {  	s7 =	sld [smem:$0x3FB1]  }
0x2d: {  	s3 =	simm.s32 $0x108;
	s8 =	sld [smem:$0x3FB2]  }
0x2e: {  	s3 =	simm.s32 @!p0 $0x1082;
	s9 =	sld [smem:$0x3FB3]  }
0x2f: {  	lr =	sadd.s32 s0, s3;
	s0 =	sld [smem:$0x3FAA]  }
0x30: {  	s3 =	sld [smem:$0x3FAD]  }
0x31: {  	[smem:$0x3FB6] =	sst s10  }
0x32: {  	s10 =	sld [smem:$0x3FB4];
	_ =	sdelay $0x3  }
0x33: {  	p0 =	seq.s32 s10, $0x1;
	s10 =	sld [smem:$0x3FB6];
	_ =	sdelay $0x3  }
0x34: {  	[smem:$0x3FB6] =	sst s10  }
0x35: {  	s10 =	sld [smem:$0x3FB5];
	_ =	sdelay $0x3  }
0x36: {  	p1 =	seq.s32 s10, $0x1;
	s10 =	sld [smem:$0x3FB6];
	_ =	sdelay $0x3  }
0x37: {  	[smem:$0x3FB6] =	sst s10  }
0x38: {  	s10 =	sld [smem:$0x3FB7]  }
0x39: {  	_ = 	snop;
	(pc) =	sbr.ind lr, $3  }
0x3a: {  	_ = 	snop  }
0x3b: {  	_ = 	snop  }
0x3c: {  	p2 =	seq.s32 s10, $0x1;
	s10 =	sld [smem:$0x3FB6]  }
0x3d: {  	_ =	shalt  }
0x3e: {  	_ =	shalt  }
0x3f: {  	_ =	shalt  }
0x40: {  	_ =	shalt  }
0x41: {  	_ =	shalt  }
0x42: {  	_ =	shalt  }
0x43: {  	_ =	shalt  }
0x44: {  	_ =	shalt  }
0x45: {  	_ =	shalt  }
0x46: {  	_ =	shalt  }
0x47: {  	_ =	shalt  }
0x48: {  	_ =	shalt  }
0x49: {  	_ =	shalt  }
0x4a: {  	_ =	shalt  }
0x4b: {  	_ =	shalt  }
0x4c: {  	_ =	shalt  }
0x4d: {  	_ =	shalt  }
0x4e: {  	_ =	shalt  }
0x4f: {  	_ =	shalt  }
0x50: {  	_ =	shalt  }
0x51: {  	_ =	shalt  }
0x52: {  	_ =	shalt  }
0x53: {  	_ =	shalt  }
0x54: {  	_ =	shalt  }
0x55: {  	_ =	shalt  }
0x56: {  	_ =	shalt  }
0x57: {  	_ =	shalt  }
0x58: {  	_ =	shalt  }
0x59: {  	_ =	shalt  }
0x5a: {  	_ =	shalt  }
0x5b: {  	_ =	shalt  }
0x5c: {  	_ =	shalt  }
0x5d: {  	_ =	shalt  }
0x5e: {  	_ =	shalt  }
0x5f: {  	_ =	shalt  }
0x60: {  	_ =	shalt  }
0x61: {  	_ =	shalt  }
0x62: {  	_ =	shalt  }
0x63: {  	_ =	shalt  }
0x64: {  	_ =	shalt  }
0x65: {  	_ =	shalt  }
0x66: {  	_ =	shalt  }
0x67: {  	_ =	shalt  }
0x68: {  	_ =	shalt  }
0x69: {  	_ =	shalt  }
0x6a: {  	_ =	shalt  }
0x6b: {  	_ =	shalt  }
0x6c: {  	_ =	shalt  }
0x6d: {  	_ =	shalt  }
0x6e: {  	_ =	shalt  }
0x6f: {  	_ =	shalt  }
0x70: {  	_ =	shalt  }
0x71: {  	_ =	shalt  }
0x72: {  	_ =	shalt  }
0x73: {  	_ =	shalt  }
0x74: {  	_ =	shalt  }
0x75: {  	_ =	shalt  }
0x76: {  	_ =	shalt  }
0x77: {  	_ =	shalt  }
0x78: {  	_ =	shalt  }
0x79: {  	_ =	shalt  }
0x7a: {  	_ =	shalt  }
0x7b: {  	_ =	shalt  }
0x7c: {  	_ =	shalt  }
0x7d: {  	_ =	shalt  }
0x7e: {  	_ =	shalt  }
0x7f: {  	_ =	shalt  }
0x80: {  	_ =	shalt  }
0x81: {  	_ =	shalt  }
0x82: {  	_ =	shalt  }
0x83: {  	_ =	shalt  }
0x84: {  	_ =	shalt  }
0x85: {  	_ =	shalt  }
0x86: {  	_ =	shalt  }
0x87: {  	_ =	shalt  }
.Lfunc_end0:
.L_simem_size_0:
called_computation_lowered:
.L_overlay_start_0:
0x88: {  	s2 =	sld [smem:$0x3FD9]  }
0x89: {  	s3 =	sld [smem:$0x3FFE];
	_ =	sdelay $0x1  }
0x8a: {  	s1 =	srdreg.scid  }
0x8b: {  	s0 =	sand.u32 $0x1, s1  }
0x8c: {  	s16 =	sshll.u32 s0, $0xA;
	s2 =	sadd.s32 s3, s2  }
0x8d: {  	s2 =	sadd.s32 s2, s16  }
0x8e: {  	[smem:$0x3FC2] =	sst s2  }
0x8f: {  	_ = 	snop  }
0x90: {  	(tm) =	ssettm $0x1  }
0x91: {  	s17 =	sld [smem:$0x3FFB];
	_ =	sdelay $0x3  }
0x92: {  	_ =	strace s17  }
0x93: {  	s2 =	sld [smem:$0x3FFC];
	_ =	sdelay $0x3  }
0x94: {  	_ =	strace s2  }
0x95: {  	s2 =	sld [smem:$0x3FFD];
	_ =	sdelay $0x3  }
0x96: {  	_ =	strace s2  }
0x97: {  	_ =	strace $0x8FFFFFFF  }
0x98: {  	s18 =	sld [smem:$0x3FDB];
	_ =	sdelay $0x1  }
0x99: {  	s19 =	simm.s32 $_scs_section_size  }
0x9a: {  	s4 =	simm.s32 $_size__tile_overlayer_lowered;
	s5 =	simm.s32 $_tile_overlayer_lowered  }
0x9b: {  	s22 =	simm.s32 $0x1BFF;
	s21 =	sshll.u32 s5, $0x1;
	s2 =	sadd.s32 s19, s18  }
0x9c: {  	s6 =	simm.s32 $0x0;
	s20 =	sshll.u32 s4, $0x1;
	s4 =	sadd.s32 s21, s2  }
0x9d: {  	[timem:s6], [sflag:s22] =	dma.local [hbm:s4], s20  }
0x9e: {  	_ =	swait.ge [sflag:s22], s20  }
0x9f: {  	s3 =	ssub.s32 $0x0, s20;
	[sflag:s22] =	ssyncset.done $0x0  }
0xa0: {  	[sflag:s22] =	ssyncadd.s32 s3;
	_ =	sdelay $0x1  }
0xa1: {  	s23 =	simm.s32 $0x1B8B  }
0xa2: {  	_ =	swait.ge [sflag:s23], $0x1  }
0xa3: {  	[sflag:s23] =	ssyncset.done $0x0  }
0xa4: {  	s25 =	simm.s32 $0x1B8E;
	s24 =	sld [smem:$0x3FFE];
	[sflag:s23] =	ssyncadd.s32 $0xFFFFFFFF  }
0xa5: {  	s26 =	simm.s32 $execute0_lowered;
	[smem:$0x3FD2] =	sst s25  }
0xa6: {  	s4 =	sshll.u32 s26, $0x1;
	_ =	strace $0x80000046;
	[dreg:$0x1] =	wrdreg $0xFFFFFFFF  }
0xa7: {  	s28 =	simm.s32 $_size_execute0_lowered;
	s2 =	sadd.s32 s2, s4;
	[dreg:$0x0] =	wrdreg $0x0  }
0xa8: {  	s4 =	sshll.u32 s28, $0x1;
	[dreg:$0x2] =	wrdreg s2  }
0xa9: {  	[dreg:$0x3] =	wrdreg s4  }
0xaa: {  	[dreg:$0x4] =	wrdreg $0xC0  }
0xab: {  	_ =	task [dreg:s6], $0x5FFFF  }
0xac: {  	[dreg:$0x1] =	wrdreg $0xFFFFFFFF  }
0xad: {  	[dreg:$0x0] =	wrdreg $0x60  }
0xae: {  	[dreg:$0x2] =	wrdreg s24  }
0xaf: {  	[dreg:$0x3] =	wrdreg $0x30800  }
0xb0: {  	[dreg:$0x4] =	wrdreg $0x9  }
0xb1: {  	_ =	task.clear_ibuf [dreg:s6], $0x5FFFF;
	_ =	strace $0x90000046  }
0xb2: {  	s29 =	simm.s32 $0x9;
	_ =	strace $0x80000048  }
0xb3: {  	_ =	swait.ge [sflag:s29], $0x1  }
0xb4: {  	[sflag:s29] =	ssyncadd.s32 $0xFFFFFFFF  }
0xb5: {  	_ =	strace $0x90000048  }
0xb6: {  	_ =	sfence  }
0xb7: {  	s30 =	sld [smem:$0x0];
	_ =	sdelay $0x2  }
0xb8: {  	s31 =	sshll.u32 s1, $0xD;
	s1 =	sshrl.u32 s1, $0x2  }
0xb9: {  	s3 =	sand.u32 $0x4000, s31;
	s1 =	sadd.s32 s1, s30  }
0xba: {  	s0 =	sor.u32 s3, s0;
	s1 =	sshll.u32 s1, $0x11  }
0xbb: {  	s0 =	sor.u32 s1, s0  }
0xbc: {  	s0 =	sadd.s32 $0x8F2B, s0  }
0xbd: {  	[sflag:s0] =	ssyncadd.remote.s32 $0x1  }
0xbe: {  	_ =	sfence.sel $0xFFFF  }
0xbf: {  	[dreg:$0x0] =	wrdreg $0xFFFFFFFF;
	(pc) =	sbr.abs _section_cstart, $3  }
0xc0: {  	[dreg:$0x1] =	wrdreg $0xFFFFFFFF  }
0xc1: {  	_ =	task.clear_ibuf [dreg:s6], $0x2FFFF;
	_ =	strace $0x9FFFFFFF  }
0xc2: {  	(tm) =	ssettm $0x7FFFFFFF  }
0xc3: {  	_ =	shalt  }
tec
execute0_lowered:
.L_overlay_start_1:
0x0: {  	(tag) =	ssettag $0x1  }
0x1: {  	s5 =	rddreg [dreg:$0x0]  }
0x2: {  	s2 =	rddreg [dreg:$0x1]  }
0x3: {  	s0 =	rddreg [dreg:$0x2];
	s3 =	simm.s32 $0x0;
	s4 =	srdreg.scid  }
0x4: {  	s1 =	stileid.u32;
	s13 =	simm.s32 $0x5;
	s14 =	simm.s32 $0x800  }
0x5: {  	s15 =	simm.s32 $0x1;
	s16 =	simm.s32 $0x7D0;
	s17 =	simm.s32 $0x1000  }
0x6: {  	s18 =	simm.s32 $0x2;
	s19 =	simm.s32 $0x3;
	s7 =	smul.u32 $0x1870, s1  }
0x7: {  	s20 =	simm.s32 $0x4;
	s6 =	sand.u32 $0x1, s4;
	s10 =	smul.u32 $0x61A80, s1  }
0x8: {  	s30 =	sshll.u32 s1, $0x1;
	[smem:$0x7FF] =	sst s3;
	s8 =	smul.u32 $0x18700, s6  }
0x9: {  	s4 =	sor.u32 s6, s30;
	s11 =	ssub.s32 $0x2, s6;
	s6 =	smul.u32 $0x30D40, s6  }
0xa: {  	s21 =	simm.s32 $0x0;
	_ =	strace $0x80000047;
	s9 =	smul.u32 $0x30D40, s4  }
0xb: {  	s4 =	sadd.s32 $0xC5400, s5;
	s31 =	sshrl.u32 s11, $0x1;
	s8 =	sadd.s32 s7, s8  }
0xc: {  	s11 =	ssub.s32 s11, s31;
	s12 =	sadd.s32 s6, s10;
	s6 =	sadd.s32 s7, s2  }
0xd: {  	s8 =	sshrl.u32 s8, $0x3;
	s9 =	sshrl.u32 s9, $0x3;
	s10 =	sadd.s32 $0x1770, s12  }
0xe: {  	s8 =	sadd.s32 s8, s5;
	s5 =	sadd.s32 s4, s9;
	s9 =	smax.u32 s11, $0x1  }
0xf: {  	s10 =	sshrl.u32 s10, $0x3;
	s11 =	sadd.s32 $0xFA0, s12;
	s12 =	simm.s32 $0x1800  }
0x10: {  	v0 =	vimm.f32 $1.000000000e+00;
	v1 =	vimm.f32 $0.0e+00;
	s7 =	sadd.s32 $0xFA, s5;
	s8 =	sadd.s32 $0x188A00, s8;
	s10 =	sadd.s32 s10, s4  }
.LBB2_1:
0x11: {  	s22 =	simm.s32 $0x0  }
.LBB2_2:
0x12: {  	p0 =	sne.s32 s22, $0x1F00  }
.Ltmp0:
0x13: {  	_ = 	snop;
	(pc) =	sbr.rel @p0 .LBB2_2-.Ltmp0, $3  }
0x14: {  	_ =	sdelay $0x1  }
0x15: {  	s23 =	sshra.s32 s22, $0x2  }
0x16: {  	s22 =	sadd.s32 $0x40, s22;
	[tilespmem:s23+$0x1000] =	vst v0  }
0x17: {  	s22 =	simm.s32 $0x40;
	s23 =	simm.s32 $0x0  }
.LBB2_4:
0x18: {  	p0 =	sne.s32 s22, $0x6180;
	[tilespmem:s23+$0x1800] =	vst v1;
	s23 =	smov.u32 s22;
	s22 =	sadd.s32 $0x40, s22  }
.Ltmp1:
0x19: {  	(pc) =	sbr.rel @p0 .LBB2_4-.Ltmp1, $2  }
0x1a: {  	_ =	sdelay $0x2  }
0x1b: {  	s23 =	sshra.s32 s23, $0x2  }
0x1c: {  	[tilespmem:s23+$0x1800] =	vst v1  }
0x1d: {  	[spmem:s6] =	stream.linear.scatter [tilespmem:s12], [sflag:$0x5], $0x1870, $0x38;
	[tilespmem:$0x48F0] =	vst v63  }
0x1e: {  	_ =	swait.ge [sflag:s13], $0x1870  }
0x1f: {  	[sflag:s13] =	ssyncset.done $0x0  }
0x20: {  	[sflag:s13] =	ssyncadd.s32 $0xFFFFE790  }
0x21: {  	s22 =	simm.s32 $0x0;
	[bflag:$0x0] =	sbarrier.arrive $0xFFFF  }
0x22: {  	[tilespmem:s22], [sflag:$0x1] =	stream.linear.gather [hbm4b:s5+s22], $0x7D0, $0x38;
	[tilespmem:$0x48F0] =	vst v63  }
0x23: {  	_ = 	snop  }
0x24: {  	[tilespmem:s14], [sflag:$0x2] =	stream.linear.gather [hbm4b:s7+s22], $0x7D0, $0x38;
	[tilespmem:$0x48F0] =	vst v63  }
0x25: {  	_ =	swait.ge [sflag:s15], $0x7D0  }
0x26: {  	[sflag:s15] =	ssyncset.done $0x0  }
0x27: {  	[sflag:s15] =	ssyncadd.s32 $0xFFFFF830  }
0x28: {  	[spmem:s2] =	stream.indirect.scatter.add.f32 [tilespmem:s17], [sflag:$0x3], $0x1, s3, s16, $0xb8;
	[tilespmem:$0x48F0] =	vst v63  }
0x29: {  	_ =	swait.ge [sflag:s18], $0x7D0  }
0x2a: {  	[sflag:s18] =	ssyncset.done $0x0  }
0x2b: {  	[sflag:s18] =	ssyncadd.s32 $0xFFFFF830  }
0x2c: {  	[spmem:s2] =	stream.indirect.scatter.add.f32 [tilespmem:s17], [sflag:$0x4], $0x1, s14, s16, $0xb8;
	[tilespmem:$0x48F0] =	vst v63  }
0x2d: {  	_ =	swait.ge [sflag:s19], $0x7D0  }
0x2e: {  	s31 =	sshrl.u32 s11, $0x3;
	[sflag:s19] =	ssyncset.done $0x0  }
0x2f: {  	s22 =	sadd.s32 s4, s31;
	[sflag:s19] =	ssyncadd.s32 $0xFFFFF830  }
0x30: {  	[tilespmem:s3], [sflag:$0x1] =	stream.linear.gather [hbm4b:s22+s3], $0x7D0, $0x38;
	[tilespmem:$0x48F0] =	vst v63  }
0x31: {  	_ =	swait.ge [sflag:s20], $0x7D0  }
0x32: {  	s24 =	sadd.s32 $0x0, s10;
	[sflag:s20] =	ssyncset.done $0x0  }
0x33: {  	s23 =	sadd.s32 $0xFA0, s11;
	s22 =	simm.s32 $0x1F4;
	[sflag:s20] =	ssyncadd.s32 $0xFFFFF830  }
.LBB2_6:
0x34: {  	[tilespmem:s14], [sflag:$0x2] =	stream.linear.gather [hbm4b:s24+s3], $0x7D0, $0x38;
	[tilespmem:$0x48F0] =	vst v63  }
0x35: {  	s24 =	smov.u32 s22  }
0x36: {  	p0 =	sne.s32 s22, $0x5DC0;
	s22 =	sadd.s32 $0x1F4, s22;
	_ =	swait.ge [sflag:s15], $0x7D0  }
0x37: {  	[sflag:s15] =	ssyncset.done $0x0  }
0x38: {  	[sflag:s15] =	ssyncadd.s32 $0xFFFFF830  }
0x39: {  	[spmem:s2] =	stream.indirect.scatter.add.f32 [tilespmem:s17], [sflag:$0x3], $0x1, s3, s16, $0xb8;
	[tilespmem:$0x48F0] =	vst v63  }
0x3a: {  	_ =	swait.ge [sflag:s18], $0x7D0  }
0x3b: {  	[sflag:s18] =	ssyncset.done $0x0  }
0x3c: {  	[sflag:s18] =	ssyncadd.s32 $0xFFFFF830  }
0x3d: {  	[spmem:s2] =	stream.indirect.scatter.add.f32 [tilespmem:s17], [sflag:$0x4], $0x1, s14, s16, $0xb8;
	[tilespmem:$0x48F0] =	vst v63  }
0x3e: {  	_ =	swait.ge [sflag:s19], $0x7D0  }
0x3f: {  	s25 =	sshrl.u32 s23, $0x3;
	[sflag:s19] =	ssyncset.done $0x0  }
.Ltmp2:
0x40: {  	s25 =	sadd.s32 s4, s25;
	[sflag:s19] =	ssyncadd.s32 $0xFFFFF830;
	(pc) =	sbr.rel @p0 .LBB2_6-.Ltmp2, $4  }
0x41: {  	[tilespmem:s3], [sflag:$0x1] =	stream.linear.gather [hbm4b:s25+s3], $0x7D0, $0x38;
	[tilespmem:$0x48F0] =	vst v63  }
0x42: {  	_ =	swait.ge [sflag:s20], $0x7D0  }
0x43: {  	[sflag:s20] =	ssyncset.done $0x0  }
0x44: {  	s23 =	sadd.s32 $0xFA0, s23;
	s24 =	sadd.s32 s24, s10;
	[sflag:s20] =	ssyncadd.s32 $0xFFFFF830  }
0x45: {  	[tilespmem:s14], [sflag:$0x2] =	stream.linear.gather [hbm4b:s24+s3], $0x7D0, $0x38;
	[tilespmem:$0x48F0] =	vst v63  }
0x46: {  	_ =	swait.ge [sflag:s15], $0x7D0  }
0x47: {  	[sflag:s15] =	ssyncset.done $0x0  }
0x48: {  	[sflag:s15] =	ssyncadd.s32 $0xFFFFF830  }
0x49: {  	[spmem:s2] =	stream.indirect.scatter.add.f32 [tilespmem:s17], [sflag:$0x3], $0x1, s3, s16, $0xb8;
	[tilespmem:$0x48F0] =	vst v63  }
0x4a: {  	_ =	swait.ge [sflag:s18], $0x7D0  }
0x4b: {  	[sflag:s18] =	ssyncset.done $0x0  }
0x4c: {  	[sflag:s18] =	ssyncadd.s32 $0xFFFFF830  }
0x4d: {  	[spmem:s2] =	stream.indirect.scatter.add.f32 [tilespmem:s17], [sflag:$0x4], $0x1, s14, s16, $0xb8;
	[tilespmem:$0x48F0] =	vst v63  }
0x4e: {  	_ =	swait.ge [sflag:s19], $0x7D0  }
0x4f: {  	[sflag:s19] =	ssyncset.done $0x0  }
0x50: {  	[sflag:s19] =	ssyncadd.s32 $0xFFFFF830  }
0x51: {  	_ =	swait.ge [sflag:s20], $0x7D0  }
0x52: {  	[sflag:s20] =	ssyncset.done $0x0  }
0x53: {  	[sflag:s20] =	ssyncadd.s32 $0xFFFFF830  }
0x54: {  	[bflag:$0x0] =	sbarrier.arrive $0xFFFF  }
0x55: {  	[tilespmem:s12], [sflag:$0x5] =	stream.linear.gather [spmem:s6], $0x1870, $0x38;
	[tilespmem:$0x48F0] =	vst v63  }
0x56: {  	s21 =	sadd.s32 $0x1, s21;
	_ =	swait.ge [sflag:s13], $0x1870  }
0x57: {  	p0 =	sne.s32 s21, s9;
	[sflag:s13] =	ssyncset.done $0x0  }
.Ltmp3:
0x58: {  	[sflag:s13] =	ssyncadd.s32 $0xFFFFE790;
	(pc) =	sbr.rel @p0 .LBB2_1-.Ltmp3, $4  }
0x59: {  	[hbm4b:s8+s3] =	stream.linear.scatter [tilespmem:s12], [sflag:$0x5], $0x1870, $0x38;
	[tilespmem:$0x48F0] =	vst v63  }
0x5a: {  	_ =	swait.ge [sflag:s13], $0x1870  }
0x5b: {  	[sflag:s13] =	ssyncset.done $0x0  }
0x5c: {  	[sflag:s13] =	ssyncadd.s32 $0xFFFFE790  }
0x5d: {  	_ =	sfence.sel $0x180000  }
0x5e: {  	[bflag:$0x0] =	sbarrier.arrive $0xFFFF  }
0x5f: {  	p0 =	sne.s32 s1, $0x0;
	_ =	strace $0x90000047  }
0x60: {  	s0 =	sadd.s32 @!p0 $0x100000, s0;
	[bflag:$0x2] =	sbarrier.arrive $0xFFFF  }
0x61: {  	[sflag:s0] =	ssyncadd.tile.s32 @!p0 $0x1;
	_ =	shalt  }
.Lfunc_end2:
_tile_overlayer_lowered:
.L_overlay_start_2:
0x62: {  	(tag) =	ssettag $0x2  }
0x63: {  	s0 =	rddreg [dreg:$0x0];
	s2 =	stileid.u32  }
0x64: {  	s1 =	rddreg [dreg:$0x1];
	p0 =	sne.s32 s2, $0x0  }
0x65: {  	s3 =	rddreg [dreg:$0x2];
	[bflag:$0x3] =	sbarrier.arrive $0xFFFF;
	s2 =	simm.s32 @!p0 $0x1C05  }
0x66: {  	[timem:s3], [sflag:s2] =	dma.local @!p0 [hbm:s0], s1  }
0x67: {  	s0 =	simm.s32 @!p0 $0x5  }
0x68: {  	_ =	swait.ge @!p0 [sflag:s0], s1  }
0x69: {  	s1 =	ssub.s32 @!p0 $0x0, s1;
	[sflag:s0] =	ssyncset.done @!p0 $0x0  }
0x6a: {  	[sflag:s0] =	ssyncadd.s32 @!p0 s1  }
0x6b: {  	[bflag:$0x3] =	sbarrier.arrive $0xFFFF  }
0x6c: {  	_ =	shalt  }

</sc_bundles>
